<compile_context>
chip_gen: v7x
topology: tpu7x:2x2x1
jax: 0.10.2.dev20260603
libtpu: 0.0.44.dev20260713+nightly
codegen_flags: <defaults>
</compile_context>

<pallas_src>
import jax
import jax.numpy as jnp
from jax import lax
from jax.experimental import pallas as pl
from jax.experimental.pallas import tpu as pltpu
from jax.experimental.pallas import tpu_sc as plsc

_B = 16384
_D = 128
_L = 16
_NC = 2
_NS = 16
_NW = _NC * _NS
_BPW = _B // _NW
_CHUNK = 128
_NCHUNK = _BPW // _CHUNK
_DV = _D // _L


def _sc_body(idx_hbm, logits_hbm, table_hbm, out_hbm,
             idx_v, rows_v, log_v, accw_v, gsem0, gsem1, lsem0, lsem1):
    wid = lax.axis_index("s") * _NC + lax.axis_index("c")
    base = wid * _BPW
    gsems = (gsem0, gsem1)
    lsems = (lsem0, lsem1)

    def start(ch, buf):
        off = base + ch * _CHUNK
        pltpu.sync_copy(idx_hbm.at[pl.ds(off, _CHUNK)], idx_v.at[buf])
        g = pltpu.async_copy(table_hbm.at[idx_v.at[buf]], rows_v.at[buf], gsems[buf])
        l = pltpu.async_copy(logits_hbm.at[pl.ds(off, _CHUNK)], log_v.at[buf], lsems[buf])
        return g, l

    def row_body(r, carry, rows_b, log_b):
        gacc, racc = carry
        br = jnp.zeros((_L,), jnp.float32)
        cr = jnp.zeros((_L,), jnp.float32)
        sr = jnp.zeros((_L,), jnp.float32)
        for j in range(_DV):
            e = jnp.exp(log_b[r, pl.ds(16 * j, 16)])
            g = rows_b[r, pl.ds(16 * j, 16)]
            gacc = gacc + g * g
            br = br + g * e
            cr = cr + e * e
            sr = sr + e
        s = lax.broadcast_in_dim(jnp.sum(sr), (_L,), ())
        racc = racc + (cr - (s + s) * br) / (s * s)
        return gacc, racc

    pend = start(0, 0)
    carry = (jnp.zeros((_L,), jnp.float32), jnp.zeros((_L,), jnp.float32))
    for ch in range(_NCHUNK):
        buf = ch % 2
        pend[0].wait()
        pend[1].wait()
        if ch + 1 < _NCHUNK:
            pend = start(ch + 1, 1 - buf)
        carry = lax.fori_loop(
            0, _CHUNK,
            lambda r, c: row_body(r, c, rows_v.at[buf], log_v.at[buf]),
            carry, unroll=2,
        )
    accw_v[...] = carry[0] + carry[1]
    pltpu.sync_copy(accw_v, out_hbm.at[pl.ds(wid * _L, _L)])


@jax.jit
def _sc_partials(indices, logits, p):
    mesh = plsc.VectorSubcoreMesh(
        core_axis_name="c", subcore_axis_name="s", num_cores=_NC, num_subcores=_NS
    )
    return pl.kernel(
        _sc_body,
        out_type=jax.ShapeDtypeStruct((_NW * _L,), jnp.float32),
        mesh=mesh,
        scratch_types=[
            pltpu.VMEM((2, _CHUNK), jnp.int32),
            pltpu.VMEM((2, _CHUNK, _D), jnp.float32),
            pltpu.VMEM((2, _CHUNK, _D), jnp.float32),
            pltpu.VMEM((_L,), jnp.float32),
            pltpu.SemaphoreType.DMA,
            pltpu.SemaphoreType.DMA,
            pltpu.SemaphoreType.DMA,
            pltpu.SemaphoreType.DMA,
        ],
        compiler_params=pltpu.CompilerParams(needs_layout_passes=False),
    )(indices, logits, p)


def kernel(epoch, indices, logits, p):
    partials = _sc_partials(indices, logits, p)
    phase = 1.0 - (epoch - 0.0) / 50.0
    ramp = jnp.exp(-5.0 * phase * phase)
    w = jnp.where(epoch < 0, 0.0, jnp.where(epoch > 50, 1.0, ramp))
    return jnp.sum(partials) * w / _B

# --- scband reference (transcript-rebuilt; emitter-appended) ---
"""Pipeline reference for scband-temporal-ensembling-36421322670489 (READ-ONLY COPY).

The authoritative reference and input builder live on the scoring server;
editing this copy changes nothing except your own understanding.
"""

import math
import jax, jax.numpy as jnp
import numpy as np

RAMPUP_MIN = 0
RAMPUP_MAX = 50
NUM_CLASSES = 128
NUM_SAMPLES = 1000000
BATCH = 16384


def get_weight(epoch):
    phase = 1.0 - (epoch - RAMPUP_MIN) / (RAMPUP_MAX - RAMPUP_MIN)
    ramp = jnp.exp(-5.0 * phase * phase)
    return jnp.where(epoch < RAMPUP_MIN, 0.0, jnp.where(epoch > RAMPUP_MAX, 1.0, ramp))


def setup_inputs(seed: int = 0) -> dict:
    key = jax.random.key(seed)
    k1, k2, k3 = jax.random.split(key, 3)
    indices = jax.random.randint(k1, (BATCH,), 0, NUM_SAMPLES, dtype=jnp.int64 if jax.config.jax_enable_x64 else jnp.int32).astype(jnp.int32)
    logits = jax.random.normal(k2, (BATCH, NUM_CLASSES), dtype=jnp.float32)
    # The ensembled-prediction memory `p` (a non-trainable parameter of the module).
    # Initialized randomly to emulate a mid-training state (all-zeros would make the
    # regularizer trivially depend only on preds).
    p = jax.random.normal(k3, (NUM_SAMPLES, NUM_CLASSES), dtype=jnp.float32) * 0.1
    return {"epoch": 60, "indices": indices, "logits": logits, "p": p}


def reference(epoch, indices, logits, p):
    # forward(epoch, indices, logits, reduction='mean')
    preds = jax.nn.softmax(logits, axis=-1)
    gathered = jnp.take(p, indices, axis=0)  # memory gather from the big table
    reg_term = get_weight(epoch) * ((gathered - preds) ** 2).sum(-1)
    return reg_term.mean()

if __name__ == "__main__":
    import jax
    _d = setup_inputs()
    print(jax.jit(kernel)(*tuple(_d.values())))

</pallas_src>

<mosaic_0001>
#map = affine_map<(d0, d1) -> (0)>
#map1 = affine_map<(d0, d1) -> (0, 0)>
module attributes {stable_mosaic.version = 14 : i64} {
  func.func @_sc_body(%arg0: i32, %arg1: i32, %arg2: memref<16384xi32, #tpu.memory_space<hbm>>, %arg3: memref<16384x128xf32, #tpu.memory_space<hbm>>, %arg4: memref<1000000x128xf32, #tpu.memory_space<hbm>>, %arg5: memref<512xf32, #tpu.memory_space<hbm>>, %arg6: memref<2x128xi32, #tpu.memory_space<vmem>>, %arg7: memref<2x128x128xf32, #tpu.memory_space<vmem>>, %arg8: memref<2x128x128xf32, #tpu.memory_space<vmem>>, %arg9: memref<16xf32, #tpu.memory_space<vmem>>, %arg10: memref<!tpu.dma_semaphore, #tpu.memory_space<semaphore_mem>>, %arg11: memref<!tpu.dma_semaphore, #tpu.memory_space<semaphore_mem>>, %arg12: memref<!tpu.dma_semaphore, #tpu.memory_space<semaphore_mem>>, %arg13: memref<!tpu.dma_semaphore, #tpu.memory_space<semaphore_mem>>) attributes {dimension_semantics = [#tpu.dimension_semantics<core_parallel>, #tpu.dimension_semantics<subcore_parallel>], iteration_bounds = array<i64: 2, 16>, scalar_prefetch = 0 : i64, scratch_operands = 8 : i64, tpu.core_type = #tpu.core_type<sc_vector_subcore>, window_params = [{transform_indices = #map}, {transform_indices = #map1}, {transform_indices = #map1}, {transform_indices = #map}]} {
    %mul3A = arith.constant 2 : i32
    %mul3A_0 = arith.muli %arg1, %mul3A : i32
    %add3A = arith.addi %mul3A_0, %arg0 : i32
    %mul3A_1 = arith.constant 512 : i32
    %mul3A_2 = arith.muli %add3A, %mul3A_1 : i32
    %add3A_3 = arith.constant 0 : i32
    %add3A_4 = arith.addi %mul3A_2, %add3A_3 : i32
    %run_scoped3A = arith.constant 0 : i32
    "tpu.region"() ({
      %run_scoped3A_242 = tpu.sem_alloc : memref<!tpu.dma_semaphore, #tpu.memory_space<semaphore_mem>>
      %dma_start3A_243 = arith.constant 0 : i32
      %dma_start3A_244 = tpu.memref_slice %arg6[%run_scoped3A, %dma_start3A_243] : memref<2x128xi32, #tpu.memory_space<vmem>> -> memref<1x128xi32, #tpu.memory_space<vmem>>
      %dma_start3A_245 = tpu.memref_squeeze %dma_start3A_244 : memref<1x128xi32, #tpu.memory_space<vmem>> -> memref<128xi32, #tpu.memory_space<vmem>>
      %dma_start3A_246 = tpu.memref_slice %arg2[%add3A_4] : memref<16384xi32, #tpu.memory_space<hbm>> -> memref<128xi32, #tpu.memory_space<hbm>>
      %dma_start3A_247 = arith.constant 0 : i32
      %dma_start3A_248 = tpu.memref_slice %arg6[%run_scoped3A, %dma_start3A_247] : memref<2x128xi32, #tpu.memory_space<vmem>> -> memref<1x128xi32, #tpu.memory_space<vmem>>
      %dma_start3A_249 = tpu.memref_squeeze %dma_start3A_248 : memref<1x128xi32, #tpu.memory_space<vmem>> -> memref<128xi32, #tpu.memory_space<vmem>>
      %dma_start3A_250 = tpu.memref_slice %arg2[%add3A_4] : memref<16384xi32, #tpu.memory_space<hbm>> -> memref<128xi32, #tpu.memory_space<hbm>>
      tpu.enqueue_dma source(%dma_start3A_250 : memref<128xi32, #tpu.memory_space<hbm>>) target(%dma_start3A_249 : memref<128xi32, #tpu.memory_space<vmem>>) target_semaphore(%run_scoped3A_242 : memref<!tpu.dma_semaphore, #tpu.memory_space<semaphore_mem>>)
      %dma_wait3A_251 = arith.constant 0 : i32
      %dma_wait3A_252 = tpu.memref_slice %arg6[%run_scoped3A, %dma_wait3A_251] : memref<2x128xi32, #tpu.memory_space<vmem>> -> memref<1x128xi32, #tpu.memory_space<vmem>>
      %dma_wait3A_253 = tpu.memref_squeeze %dma_wait3A_252 : memref<1x128xi32, #tpu.memory_space<vmem>> -> memref<128xi32, #tpu.memory_space<vmem>>
      %dma_wait3A_254 = tpu.memref_slice %arg2[%add3A_4] : memref<16384xi32, #tpu.memory_space<hbm>> -> memref<128xi32, #tpu.memory_space<hbm>>
      %dma_wait3A_255 = arith.constant 0 : i32
      %dma_wait3A_256 = tpu.memref_slice %arg6[%run_scoped3A, %dma_wait3A_255] : memref<2x128xi32, #tpu.memory_space<vmem>> -> memref<1x128xi32, #tpu.memory_space<vmem>>
      %dma_wait3A_257 = tpu.memref_squeeze %dma_wait3A_256 : memref<1x128xi32, #tpu.memory_space<vmem>> -> memref<128xi32, #tpu.memory_space<vmem>>
      %dma_wait3A_258 = tpu.memref_slice %arg2[%add3A_4] : memref<16384xi32, #tpu.memory_space<hbm>> -> memref<128xi32, #tpu.memory_space<hbm>>
      tpu.wait_dma2 semaphore(%run_scoped3A_242 : memref<!tpu.dma_semaphore, #tpu.memory_space<semaphore_mem>>) src(%dma_wait3A_258 : memref<128xi32, #tpu.memory_space<hbm>>) dst(%dma_wait3A_257 : memref<128xi32, #tpu.memory_space<vmem>>)
      tpu.yield
    }) : () -> ()
    %dma_start3A = arith.constant 0 : i32
    %dma_start3A_5 = arith.constant 0 : i32
    %dma_start3A_6 = arith.constant 0 : i32
    %dma_start3A_7 = arith.constant 0 : i32
    %dma_start3A_8 = tpu.memref_slice %arg7[%dma_start3A_5, %dma_start3A_6, %dma_start3A_7] : memref<2x128x128xf32, #tpu.memory_space<vmem>> -> memref<1x128x128xf32, #tpu.memory_space<vmem>>
    %dma_start3A_9 = tpu.memref_squeeze %dma_start3A_8 : memref<1x128x128xf32, #tpu.memory_space<vmem>> -> memref<128x128xf32, #tpu.memory_space<vmem>>
    %dma_start3A_10 = arith.constant 0 : i32
    %dma_start3A_11 = tpu.memref_slice %arg6[%dma_start3A, %dma_start3A_10] : memref<2x128xi32, #tpu.memory_space<vmem>> -> memref<1x128xi32, #tpu.memory_space<vmem>>
    %dma_start3A_12 = tpu.memref_squeeze %dma_start3A_11 : memref<1x128xi32, #tpu.memory_space<vmem>> -> memref<128xi32, #tpu.memory_space<vmem>>
    %dma_start3A_13 = arith.constant 0 : i32
    %dma_start3A_14 = arith.constant 0 : i32
    %dma_start3A_15 = tpu.memref_slice %arg4[%dma_start3A_13, %dma_start3A_14] : memref<1000000x128xf32, #tpu.memory_space<hbm>> -> memref<1000000x128xf32, #tpu.memory_space<hbm>>
    tpu.enqueue_indirect_dma source(%dma_start3A_15 : memref<1000000x128xf32, #tpu.memory_space<hbm>>) target(%dma_start3A_9 : memref<128x128xf32, #tpu.memory_space<vmem>>) offsets(%dma_start3A_12 : memref<128xi32, #tpu.memory_space<vmem>>) semaphore(%arg10 : memref<!tpu.dma_semaphore, #tpu.memory_space<semaphore_mem>>)
    %dma_start3A_16 = arith.constant 0 : i32
    %dma_start3A_17 = arith.constant 0 : i32
    %dma_start3A_18 = arith.constant 0 : i32
    %dma_start3A_19 = tpu.memref_slice %arg8[%dma_start3A_16, %dma_start3A_17, %dma_start3A_18] : memref<2x128x128xf32, #tpu.memory_space<vmem>> -> memref<1x128x128xf32, #tpu.memory_space<vmem>>
    %dma_start3A_20 = tpu.memref_squeeze %dma_start3A_19 : memref<1x128x128xf32, #tpu.memory_space<vmem>> -> memref<128x128xf32, #tpu.memory_space<vmem>>
    %dma_start3A_21 = arith.constant 0 : i32
    %dma_start3A_22 = tpu.memref_slice %arg3[%add3A_4, %dma_start3A_21] : memref<16384x128xf32, #tpu.memory_space<hbm>> -> memref<128x128xf32, #tpu.memory_space<hbm>>
    %dma_start3A_23 = arith.constant 0 : i32
    %dma_start3A_24 = arith.constant 0 : i32
    %dma_start3A_25 = tpu.memref_slice %arg8[%dma_start3A_16, %dma_start3A_23, %dma_start3A_24] : memref<2x128x128xf32, #tpu.memory_space<vmem>> -> memref<1x128x128xf32, #tpu.memory_space<vmem>>
    %dma_start3A_26 = tpu.memref_squeeze %dma_start3A_25 : memref<1x128x128xf32, #tpu.memory_space<vmem>> -> memref<128x128xf32, #tpu.memory_space<vmem>>
    %dma_start3A_27 = arith.constant 0 : i32
    %dma_start3A_28 = tpu.memref_slice %arg3[%add3A_4, %dma_start3A_27] : memref<16384x128xf32, #tpu.memory_space<hbm>> -> memref<128x128xf32, #tpu.memory_space<hbm>>
    tpu.enqueue_dma source(%dma_start3A_28 : memref<128x128xf32, #tpu.memory_space<hbm>>) target(%dma_start3A_26 : memref<128x128xf32, #tpu.memory_space<vmem>>) target_semaphore(%arg12 : memref<!tpu.dma_semaphore, #tpu.memory_space<semaphore_mem>>)
    %broadcast_in_dim3A = arith.constant 0.000000e+00 : f32
    %broadcast_in_dim3A_29 = vector.broadcast %broadcast_in_dim3A : f32 to vector<16xf32>
    %broadcast_in_dim3A_30 = arith.constant 0.000000e+00 : f32
    %broadcast_in_dim3A_31 = vector.broadcast %broadcast_in_dim3A_30 : f32 to vector<16xf32>
    %dma_wait3A = arith.constant 0 : i32
    %dma_wait3A_32 = arith.constant 0 : i32
    %dma_wait3A_33 = arith.constant 0 : i32
    %dma_wait3A_34 = arith.constant 0 : i32
    %dma_wait3A_35 = tpu.memref_slice %arg7[%dma_wait3A_32, %dma_wait3A_33, %dma_wait3A_34] : memref<2x128x128xf32, #tpu.memory_space<vmem>> -> memref<1x128x128xf32, #tpu.memory_space<vmem>>
    %dma_wait3A_36 = tpu.memref_squeeze %dma_wait3A_35 : memref<1x128x128xf32, #tpu.memory_space<vmem>> -> memref<128x128xf32, #tpu.memory_space<vmem>>
    %dma_wait3A_37 = arith.constant 0 : i32
    %dma_wait3A_38 = tpu.memref_slice %arg6[%dma_wait3A, %dma_wait3A_37] : memref<2x128xi32, #tpu.memory_space<vmem>> -> memref<1x128xi32, #tpu.memory_space<vmem>>
    %dma_wait3A_39 = tpu.memref_squeeze %dma_wait3A_38 : memref<1x128xi32, #tpu.memory_space<vmem>> -> memref<128xi32, #tpu.memory_space<vmem>>
    %dma_wait3A_40 = arith.constant 0 : i32
    %dma_wait3A_41 = arith.constant 0 : i32
    %dma_wait3A_42 = tpu.memref_slice %arg4[%dma_wait3A_40, %dma_wait3A_41] : memref<1000000x128xf32, #tpu.memory_space<hbm>> -> memref<1000000x128xf32, #tpu.memory_space<hbm>>
    tpu.wait_indirect_dma semaphore(%arg10 : memref<!tpu.dma_semaphore, #tpu.memory_space<semaphore_mem>>) src(%dma_wait3A_42 : memref<1000000x128xf32, #tpu.memory_space<hbm>>) dst(%dma_wait3A_36 : memref<128x128xf32, #tpu.memory_space<vmem>>)
    %dma_wait3A_43 = arith.constant 0 : i32
    %dma_wait3A_44 = arith.constant 0 : i32
    %dma_wait3A_45 = arith.constant 0 : i32
    %dma_wait3A_46 = tpu.memref_slice %arg8[%dma_wait3A_43, %dma_wait3A_44, %dma_wait3A_45] : memref<2x128x128xf32, #tpu.memory_space<vmem>> -> memref<1x128x128xf32, #tpu.memory_space<vmem>>
    %dma_wait3A_47 = tpu.memref_squeeze %dma_wait3A_46 : memref<1x128x128xf32, #tpu.memory_space<vmem>> -> memref<128x128xf32, #tpu.memory_space<vmem>>
    %dma_wait3A_48 = arith.constant 0 : i32
    %dma_wait3A_49 = tpu.memref_slice %arg3[%add3A_4, %dma_wait3A_48] : memref<16384x128xf32, #tpu.memory_space<hbm>> -> memref<128x128xf32, #tpu.memory_space<hbm>>
    %dma_wait3A_50 = arith.constant 0 : i32
    %dma_wait3A_51 = arith.constant 0 : i32
    %dma_wait3A_52 = tpu.memref_slice %arg8[%dma_wait3A_43, %dma_wait3A_50, %dma_wait3A_51] : memref<2x128x128xf32, #tpu.memory_space<vmem>> -> memref<1x128x128xf32, #tpu.memory_space<vmem>>
    %dma_wait3A_53 = tpu.memref_squeeze %dma_wait3A_52 : memref<1x128x128xf32, #tpu.memory_space<vmem>> -> memref<128x128xf32, #tpu.memory_space<vmem>>
    %dma_wait3A_54 = arith.constant 0 : i32
    %dma_wait3A_55 = tpu.memref_slice %arg3[%add3A_4, %dma_wait3A_54] : memref<16384x128xf32, #tpu.memory_space<hbm>> -> memref<128x128xf32, #tpu.memory_space<hbm>>
    tpu.wait_dma2 semaphore(%arg12 : memref<!tpu.dma_semaphore, #tpu.memory_space<semaphore_mem>>) src(%dma_wait3A_55 : memref<128x128xf32, #tpu.memory_space<hbm>>) dst(%dma_wait3A_53 : memref<128x128xf32, #tpu.memory_space<vmem>>)
    %add3A_56 = arith.constant 128 : i32
    %add3A_57 = arith.addi %mul3A_2, %add3A_56 : i32
    %run_scoped3A_58 = arith.constant 1 : i32
    "tpu.region"() ({
      %run_scoped3A_242 = tpu.sem_alloc : memref<!tpu.dma_semaphore, #tpu.memory_space<semaphore_mem>>
      %dma_start3A_243 = arith.constant 0 : i32
      %dma_start3A_244 = tpu.memref_slice %arg6[%run_scoped3A_58, %dma_start3A_243] : memref<2x128xi32, #tpu.memory_space<vmem>> -> memref<1x128xi32, #tpu.memory_space<vmem>>
      %dma_start3A_245 = tpu.memref_squeeze %dma_start3A_244 : memref<1x128xi32, #tpu.memory_space<vmem>> -> memref<128xi32, #tpu.memory_space<vmem>>
      %dma_start3A_246 = tpu.memref_slice %arg2[%add3A_57] : memref<16384xi32, #tpu.memory_space<hbm>> -> memref<128xi32, #tpu.memory_space<hbm>>
      %dma_start3A_247 = arith.constant 0 : i32
      %dma_start3A_248 = tpu.memref_slice %arg6[%run_scoped3A_58, %dma_start3A_247] : memref<2x128xi32, #tpu.memory_space<vmem>> -> memref<1x128xi32, #tpu.memory_space<vmem>>
      %dma_start3A_249 = tpu.memref_squeeze %dma_start3A_248 : memref<1x128xi32, #tpu.memory_space<vmem>> -> memref<128xi32, #tpu.memory_space<vmem>>
      %dma_start3A_250 = tpu.memref_slice %arg2[%add3A_57] : memref<16384xi32, #tpu.memory_space<hbm>> -> memref<128xi32, #tpu.memory_space<hbm>>
      tpu.enqueue_dma source(%dma_start3A_250 : memref<128xi32, #tpu.memory_space<hbm>>) target(%dma_start3A_249 : memref<128xi32, #tpu.memory_space<vmem>>) target_semaphore(%run_scoped3A_242 : memref<!tpu.dma_semaphore, #tpu.memory_space<semaphore_mem>>)
      %dma_wait3A_251 = arith.constant 0 : i32
      %dma_wait3A_252 = tpu.memref_slice %arg6[%run_scoped3A_58, %dma_wait3A_251] : memref<2x128xi32, #tpu.memory_space<vmem>> -> memref<1x128xi32, #tpu.memory_space<vmem>>
      %dma_wait3A_253 = tpu.memref_squeeze %dma_wait3A_252 : memref<1x128xi32, #tpu.memory_space<vmem>> -> memref<128xi32, #tpu.memory_space<vmem>>
      %dma_wait3A_254 = tpu.memref_slice %arg2[%add3A_57] : memref<16384xi32, #tpu.memory_space<hbm>> -> memref<128xi32, #tpu.memory_space<hbm>>
      %dma_wait3A_255 = arith.constant 0 : i32
      %dma_wait3A_256 = tpu.memref_slice %arg6[%run_scoped3A_58, %dma_wait3A_255] : memref<2x128xi32, #tpu.memory_space<vmem>> -> memref<1x128xi32, #tpu.memory_space<vmem>>
      %dma_wait3A_257 = tpu.memref_squeeze %dma_wait3A_256 : memref<1x128xi32, #tpu.memory_space<vmem>> -> memref<128xi32, #tpu.memory_space<vmem>>
      %dma_wait3A_258 = tpu.memref_slice %arg2[%add3A_57] : memref<16384xi32, #tpu.memory_space<hbm>> -> memref<128xi32, #tpu.memory_space<hbm>>
      tpu.wait_dma2 semaphore(%run_scoped3A_242 : memref<!tpu.dma_semaphore, #tpu.memory_space<semaphore_mem>>) src(%dma_wait3A_258 : memref<128xi32, #tpu.memory_space<hbm>>) dst(%dma_wait3A_257 : memref<128xi32, #tpu.memory_space<vmem>>)
      tpu.yield
    }) : () -> ()
    %dma_start3A_59 = arith.constant 1 : i32
    %dma_start3A_60 = arith.constant 1 : i32
    %dma_start3A_61 = arith.constant 0 : i32
    %dma_start3A_62 = arith.constant 0 : i32
    %dma_start3A_63 = tpu.memref_slice %arg7[%dma_start3A_60, %dma_start3A_61, %dma_start3A_62] : memref<2x128x128xf32, #tpu.memory_space<vmem>> -> memref<1x128x128xf32, #tpu.memory_space<vmem>>
    %dma_start3A_64 = tpu.memref_squeeze %dma_start3A_63 : memref<1x128x128xf32, #tpu.memory_space<vmem>> -> memref<128x128xf32, #tpu.memory_space<vmem>>
    %dma_start3A_65 = arith.constant 0 : i32
    %dma_start3A_66 = tpu.memref_slice %arg6[%dma_start3A_59, %dma_start3A_65] : memref<2x128xi32, #tpu.memory_space<vmem>> -> memref<1x128xi32, #tpu.memory_space<vmem>>
    %dma_start3A_67 = tpu.memref_squeeze %dma_start3A_66 : memref<1x128xi32, #tpu.memory_space<vmem>> -> memref<128xi32, #tpu.memory_space<vmem>>
    %dma_start3A_68 = arith.constant 0 : i32
    %dma_start3A_69 = arith.constant 0 : i32
    %dma_start3A_70 = tpu.memref_slice %arg4[%dma_start3A_68, %dma_start3A_69] : memref<1000000x128xf32, #tpu.memory_space<hbm>> -> memref<1000000x128xf32, #tpu.memory_space<hbm>>
    tpu.enqueue_indirect_dma source(%dma_start3A_70 : memref<1000000x128xf32, #tpu.memory_space<hbm>>) target(%dma_start3A_64 : memref<128x128xf32, #tpu.memory_space<vmem>>) offsets(%dma_start3A_67 : memref<128xi32, #tpu.memory_space<vmem>>) semaphore(%arg11 : memref<!tpu.dma_semaphore, #tpu.memory_space<semaphore_mem>>)
    %dma_start3A_71 = arith.constant 1 : i32
    %dma_start3A_72 = arith.constant 0 : i32
    %dma_start3A_73 = arith.constant 0 : i32
    %dma_start3A_74 = tpu.memref_slice %arg8[%dma_start3A_71, %dma_start3A_72, %dma_start3A_73] : memref<2x128x128xf32, #tpu.memory_space<vmem>> -> memref<1x128x128xf32, #tpu.memory_space<vmem>>
    %dma_start3A_75 = tpu.memref_squeeze %dma_start3A_74 : memref<1x128x128xf32, #tpu.memory_space<vmem>> -> memref<128x128xf32, #tpu.memory_space<vmem>>
    %dma_start3A_76 = arith.constant 0 : i32
    %dma_start3A_77 = tpu.memref_slice %arg3[%add3A_57, %dma_start3A_76] : memref<16384x128xf32, #tpu.memory_space<hbm>> -> memref<128x128xf32, #tpu.memory_space<hbm>>
    %dma_start3A_78 = arith.constant 0 : i32
    %dma_start3A_79 = arith.constant 0 : i32
    %dma_start3A_80 = tpu.memref_slice %arg8[%dma_start3A_71, %dma_start3A_78, %dma_start3A_79] : memref<2x128x128xf32, #tpu.memory_space<vmem>> -> memref<1x128x128xf32, #tpu.memory_space<vmem>>
    %dma_start3A_81 = tpu.memref_squeeze %dma_start3A_80 : memref<1x128x128xf32, #tpu.memory_space<vmem>> -> memref<128x128xf32, #tpu.memory_space<vmem>>
    %dma_start3A_82 = arith.constant 0 : i32
    %dma_start3A_83 = tpu.memref_slice %arg3[%add3A_57, %dma_start3A_82] : memref<16384x128xf32, #tpu.memory_space<hbm>> -> memref<128x128xf32, #tpu.memory_space<hbm>>
    tpu.enqueue_dma source(%dma_start3A_83 : memref<128x128xf32, #tpu.memory_space<hbm>>) target(%dma_start3A_81 : memref<128x128xf32, #tpu.memory_space<vmem>>) target_semaphore(%arg13 : memref<!tpu.dma_semaphore, #tpu.memory_space<semaphore_mem>>)
    %scan3A = arith.constant 0 : i32
    %scan3A_84 = arith.constant 128 : i32
    %scan3A_85 = arith.addi %scan3A, %scan3A_84 : i32
    %scan3A_86 = arith.constant 2 : i32
    %scan3A_87:2 = scf.for %scan3A_242 = %scan3A to %scan3A_85 step %scan3A_86 iter_args(%scan3A_243 = %broadcast_in_dim3A_29, %scan3A_244 = %broadcast_in_dim3A_31) -> (vector<16xf32>, vector<16xf32>)  : i32 {
      %broadcast_in_dim3A_245 = arith.constant 0.000000e+00 : f32
      %broadcast_in_dim3A_246 = vector.broadcast %broadcast_in_dim3A_245 : f32 to vector<16xf32>
      %broadcast_in_dim3A_247 = arith.constant 0.000000e+00 : f32
      %broadcast_in_dim3A_248 = vector.broadcast %broadcast_in_dim3A_247 : f32 to vector<16xf32>
      %broadcast_in_dim3A_249 = arith.constant 0.000000e+00 : f32
      %broadcast_in_dim3A_250 = vector.broadcast %broadcast_in_dim3A_249 : f32 to vector<16xf32>
      %get3A = arith.constant 0 : i32
      %get3A_251 = arith.constant 0 : i32
      %get3A_252 = arith.constant 0 : i32
      %get3A_253 = tpu.memref_slice %arg8[%get3A, %get3A_251, %get3A_252] : memref<2x128x128xf32, #tpu.memory_space<vmem>> -> memref<1x128x128xf32, #tpu.memory_space<vmem>>
      %get3A_254 = tpu.memref_squeeze %get3A_253 : memref<1x128x128xf32, #tpu.memory_space<vmem>> -> memref<128x128xf32, #tpu.memory_space<vmem>>
      %get3A_255 = arith.index_cast %scan3A_242 : i32 to index
      %get3A_256 = arith.constant 0 : index
      %get3A_257 = tpu.vector_load %get3A_254[%get3A_255, %get3A_256] {strides = array<i32>} : memref<128x128xf32, #tpu.memory_space<vmem>>, vector<16xf32>,
      %exp3A = math.exp %get3A_257 : vector<16xf32>
      %get3A_258 = arith.constant 0 : i32
      %get3A_259 = arith.constant 0 : i32
      %get3A_260 = arith.constant 0 : i32
      %get3A_261 = tpu.memref_slice %arg7[%get3A_258, %get3A_259, %get3A_260] : memref<2x128x128xf32, #tpu.memory_space<vmem>> -> memref<1x128x128xf32, #tpu.memory_space<vmem>>
      %get3A_262 = tpu.memref_squeeze %get3A_261 : memref<1x128x128xf32, #tpu.memory_space<vmem>> -> memref<128x128xf32, #tpu.memory_space<vmem>>
      %get3A_263 = arith.index_cast %scan3A_242 : i32 to index
      %get3A_264 = arith.constant 0 : index
      %get3A_265 = tpu.vector_load %get3A_262[%get3A_263, %get3A_264] {strides = array<i32>} : memref<128x128xf32, #tpu.memory_space<vmem>>, vector<16xf32>,
      %mul3A_266 = arith.mulf %get3A_265, %get3A_265 : vector<16xf32>
      %add3A_267 = arith.addf %scan3A_243, %mul3A_266 : vector<16xf32>
      %mul3A_268 = arith.mulf %get3A_265, %exp3A : vector<16xf32>
      %add3A_269 = arith.addf %broadcast_in_dim3A_246, %mul3A_268 : vector<16xf32>
      %mul3A_270 = arith.mulf %exp3A, %exp3A : vector<16xf32>
      %add3A_271 = arith.addf %broadcast_in_dim3A_248, %mul3A_270 : vector<16xf32>
      %add3A_272 = arith.addf %broadcast_in_dim3A_250, %exp3A : vector<16xf32>
      %get3A_273 = arith.constant 0 : i32
      %get3A_274 = arith.constant 0 : i32
      %get3A_275 = arith.constant 0 : i32
      %get3A_276 = tpu.memref_slice %arg8[%get3A_273, %get3A_274, %get3A_275] : memref<2x128x128xf32, #tpu.memory_space<vmem>> -> memref<1x128x128xf32, #tpu.memory_space<vmem>>
      %get3A_277 = tpu.memref_squeeze %get3A_276 : memref<1x128x128xf32, #tpu.memory_space<vmem>> -> memref<128x128xf32, #tpu.memory_space<vmem>>
      %get3A_278 = arith.index_cast %scan3A_242 : i32 to index
      %get3A_279 = arith.constant 16 : index
      %get3A_280 = tpu.vector_load %get3A_277[%get3A_278, %get3A_279] {strides = array<i32>} : memref<128x128xf32, #tpu.memory_space<vmem>>, vector<16xf32>,
      %exp3A_281 = math.exp %get3A_280 : vector<16xf32>
      %get3A_282 = arith.constant 0 : i32
      %get3A_283 = arith.constant 0 : i32
      %get3A_284 = arith.constant 0 : i32
      %get3A_285 = tpu.memref_slice %arg7[%get3A_282, %get3A_283, %get3A_284] : memref<2x128x128xf32, #tpu.memory_space<vmem>> -> memref<1x128x128xf32, #tpu.memory_space<vmem>>
      %get3A_286 = tpu.memref_squeeze %get3A_285 : memref<1x128x128xf32, #tpu.memory_space<vmem>> -> memref<128x128xf32, #tpu.memory_space<vmem>>
      %get3A_287 = arith.index_cast %scan3A_242 : i32 to index
      %get3A_288 = arith.constant 16 : index
      %get3A_289 = tpu.vector_load %get3A_286[%get3A_287, %get3A_288] {strides = array<i32>} : memref<128x128xf32, #tpu.memory_space<vmem>>, vector<16xf32>,
      %mul3A_290 = arith.mulf %get3A_289, %get3A_289 : vector<16xf32>
      %add3A_291 = arith.addf %add3A_267, %mul3A_290 : vector<16xf32>
      %mul3A_292 = arith.mulf %get3A_289, %exp3A_281 : vector<16xf32>
      %add3A_293 = arith.addf %add3A_269, %mul3A_292 : vector<16xf32>
      %mul3A_294 = arith.mulf %exp3A_281, %exp3A_281 : vector<16xf32>
      %add3A_295 = arith.addf %add3A_271, %mul3A_294 : vector<16xf32>
      %add3A_296 = arith.addf %add3A_272, %exp3A_281 : vector<16xf32>
      %get3A_297 = arith.constant 0 : i32
      %get3A_298 = arith.constant 0 : i32
      %get3A_299 = arith.constant 0 : i32
      %get3A_300 = tpu.memref_slice %arg8[%get3A_297, %get3A_298, %get3A_299] : memref<2x128x128xf32, #tpu.memory_space<vmem>> -> memref<1x128x128xf32, #tpu.memory_space<vmem>>
      %get3A_301 = tpu.memref_squeeze %get3A_300 : memref<1x128x128xf32, #tpu.memory_space<vmem>> -> memref<128x128xf32, #tpu.memory_space<vmem>>
      %get3A_302 = arith.index_cast %scan3A_242 : i32 to index
      %get3A_303 = arith.constant 32 : index
      %get3A_304 = tpu.vector_load %get3A_301[%get3A_302, %get3A_303] {strides = array<i32>} : memref<128x128xf32, #tpu.memory_space<vmem>>, vector<16xf32>,
      %exp3A_305 = math.exp %get3A_304 : vector<16xf32>
      %get3A_306 = arith.constant 0 : i32
      %get3A_307 = arith.constant 0 : i32
      %get3A_308 = arith.constant 0 : i32
      %get3A_309 = tpu.memref_slice %arg7[%get3A_306, %get3A_307, %get3A_308] : memref<2x128x128xf32, #tpu.memory_space<vmem>> -> memref<1x128x128xf32, #tpu.memory_space<vmem>>
      %get3A_310 = tpu.memref_squeeze %get3A_309 : memref<1x128x128xf32, #tpu.memory_space<vmem>> -> memref<128x128xf32, #tpu.memory_space<vmem>>
      %get3A_311 = arith.index_cast %scan3A_242 : i32 to index
      %get3A_312 = arith.constant 32 : index
      %get3A_313 = tpu.vector_load %get3A_310[%get3A_311, %get3A_312] {strides = array<i32>} : memref<128x128xf32, #tpu.memory_space<vmem>>, vector<16xf32>,
      %mul3A_314 = arith.mulf %get3A_313, %get3A_313 : vector<16xf32>
      %add3A_315 = arith.addf %add3A_291, %mul3A_314 : vector<16xf32>
      %mul3A_316 = arith.mulf %get3A_313, %exp3A_305 : vector<16xf32>
      %add3A_317 = arith.addf %add3A_293, %mul3A_316 : vector<16xf32>
      %mul3A_318 = arith.mulf %exp3A_305, %exp3A_305 : vector<16xf32>
      %add3A_319 = arith.addf %add3A_295, %mul3A_318 : vector<16xf32>
      %add3A_320 = arith.addf %add3A_296, %exp3A_305 : vector<16xf32>
      %get3A_321 = arith.constant 0 : i32
      %get3A_322 = arith.constant 0 : i32
      %get3A_323 = arith.constant 0 : i32
      %get3A_324 = tpu.memref_slice %arg8[%get3A_321, %get3A_322, %get3A_323] : memref<2x128x128xf32, #tpu.memory_space<vmem>> -> memref<1x128x128xf32, #tpu.memory_space<vmem>>
      %get3A_325 = tpu.memref_squeeze %get3A_324 : memref<1x128x128xf32, #tpu.memory_space<vmem>> -> memref<128x128xf32, #tpu.memory_space<vmem>>
      %get3A_326 = arith.index_cast %scan3A_242 : i32 to index
      %get3A_327 = arith.constant 48 : index
      %get3A_328 = tpu.vector_load %get3A_325[%get3A_326, %get3A_327] {strides = array<i32>} : memref<128x128xf32, #tpu.memory_space<vmem>>, vector<16xf32>,
      %exp3A_329 = math.exp %get3A_328 : vector<16xf32>
      %get3A_330 = arith.constant 0 : i32
      %get3A_331 = arith.constant 0 : i32
      %get3A_332 = arith.constant 0 : i32
      %get3A_333 = tpu.memref_slice %arg7[%get3A_330, %get3A_331, %get3A_332] : memref<2x128x128xf32, #tpu.memory_space<vmem>> -> memref<1x128x128xf32, #tpu.memory_space<vmem>>
      %get3A_334 = tpu.memref_squeeze %get3A_333 : memref<1x128x128xf32, #tpu.memory_space<vmem>> -> memref<128x128xf32, #tpu.memory_space<vmem>>
      %get3A_335 = arith.index_cast %scan3A_242 : i32 to index
      %get3A_336 = arith.constant 48 : index
      %get3A_337 = tpu.vector_load %get3A_334[%get3A_335, %get3A_336] {strides = array<i32>} : memref<128x128xf32, #tpu.memory_space<vmem>>, vector<16xf32>,
      %mul3A_338 = arith.mulf %get3A_337, %get3A_337 : vector<16xf32>
      %add3A_339 = arith.addf %add3A_315, %mul3A_338 : vector<16xf32>
      %mul3A_340 = arith.mulf %get3A_337, %exp3A_329 : vector<16xf32>
      %add3A_341 = arith.addf %add3A_317, %mul3A_340 : vector<16xf32>
      %mul3A_342 = arith.mulf %exp3A_329, %exp3A_329 : vector<16xf32>
      %add3A_343 = arith.addf %add3A_319, %mul3A_342 : vector<16xf32>
      %add3A_344 = arith.addf %add3A_320, %exp3A_329 : vector<16xf32>
      %get3A_345 = arith.constant 0 : i32
      %get3A_346 = arith.constant 0 : i32
      %get3A_347 = arith.constant 0 : i32
      %get3A_348 = tpu.memref_slice %arg8[%get3A_345, %get3A_346, %get3A_347] : memref<2x128x128xf32, #tpu.memory_space<vmem>> -> memref<1x128x128xf32, #tpu.memory_space<vmem>>
      %get3A_349 = tpu.memref_squeeze %get3A_348 : memref<1x128x128xf32, #tpu.memory_space<vmem>> -> memref<128x128xf32, #tpu.memory_space<vmem>>
      %get3A_350 = arith.index_cast %scan3A_242 : i32 to index
      %get3A_351 = arith.constant 64 : index
      %get3A_352 = tpu.vector_load %get3A_349[%get3A_350, %get3A_351] {strides = array<i32>} : memref<128x128xf32, #tpu.memory_space<vmem>>, vector<16xf32>,
      %exp3A_353 = math.exp %get3A_352 : vector<16xf32>
      %get3A_354 = arith.constant 0 : i32
      %get3A_355 = arith.constant 0 : i32
      %get3A_356 = arith.constant 0 : i32
      %get3A_357 = tpu.memref_slice %arg7[%get3A_354, %get3A_355, %get3A_356] : memref<2x128x128xf32, #tpu.memory_space<vmem>> -> memref<1x128x128xf32, #tpu.memory_space<vmem>>
      %get3A_358 = tpu.memref_squeeze %get3A_357 : memref<1x128x128xf32, #tpu.memory_space<vmem>> -> memref<128x128xf32, #tpu.memory_space<vmem>>
      %get3A_359 = arith.index_cast %scan3A_242 : i32 to index
      %get3A_360 = arith.constant 64 : index
      %get3A_361 = tpu.vector_load %get3A_358[%get3A_359, %get3A_360] {strides = array<i32>} : memref<128x128xf32, #tpu.memory_space<vmem>>, vector<16xf32>,
      %mul3A_362 = arith.mulf %get3A_361, %get3A_361 : vector<16xf32>
      %add3A_363 = arith.addf %add3A_339, %mul3A_362 : vector<16xf32>
      %mul3A_364 = arith.mulf %get3A_361, %exp3A_353 : vector<16xf32>
      %add3A_365 = arith.addf %add3A_341, %mul3A_364 : vector<16xf32>
      %mul3A_366 = arith.mulf %exp3A_353, %exp3A_353 : vector<16xf32>
      %add3A_367 = arith.addf %add3A_343, %mul3A_366 : vector<16xf32>
      %add3A_368 = arith.addf %add3A_344, %exp3A_353 : vector<16xf32>
      %get3A_369 = arith.constant 0 : i32
      %get3A_370 = arith.constant 0 : i32
      %get3A_371 = arith.constant 0 : i32
      %get3A_372 = tpu.memref_slice %arg8[%get3A_369, %get3A_370, %get3A_371] : memref<2x128x128xf32, #tpu.memory_space<vmem>> -> memref<1x128x128xf32, #tpu.memory_space<vmem>>
      %get3A_373 = tpu.memref_squeeze %get3A_372 : memref<1x128x128xf32, #tpu.memory_space<vmem>> -> memref<128x128xf32, #tpu.memory_space<vmem>>
      %get3A_374 = arith.index_cast %scan3A_242 : i32 to index
      %get3A_375 = arith.constant 80 : index
      %get3A_376 = tpu.vector_load %get3A_373[%get3A_374, %get3A_375] {strides = array<i32>} : memref<128x128xf32, #tpu.memory_space<vmem>>, vector<16xf32>,
      %exp3A_377 = math.exp %get3A_376 : vector<16xf32>
      %get3A_378 = arith.constant 0 : i32
      %get3A_379 = arith.constant 0 : i32
      %get3A_380 = arith.constant 0 : i32
      %get3A_381 = tpu.memref_slice %arg7[%get3A_378, %get3A_379, %get3A_380] : memref<2x128x128xf32, #tpu.memory_space<vmem>> -> memref<1x128x128xf32, #tpu.memory_space<vmem>>
      %get3A_382 = tpu.memref_squeeze %get3A_381 : memref<1x128x128xf32, #tpu.memory_space<vmem>> -> memref<128x128xf32, #tpu.memory_space<vmem>>
      %get3A_383 = arith.index_cast %scan3A_242 : i32 to index
      %get3A_384 = arith.constant 80 : index
      %get3A_385 = tpu.vector_load %get3A_382[%get3A_383, %get3A_384] {strides = array<i32>} : memref<128x128xf32, #tpu.memory_space<vmem>>, vector<16xf32>,
      %mul3A_386 = arith.mulf %get3A_385, %get3A_385 : vector<16xf32>
      %add3A_387 = arith.addf %add3A_363, %mul3A_386 : vector<16xf32>
      %mul3A_388 = arith.mulf %get3A_385, %exp3A_377 : vector<16xf32>
      %add3A_389 = arith.addf %add3A_365, %mul3A_388 : vector<16xf32>
      %mul3A_390 = arith.mulf %exp3A_377, %exp3A_377 : vector<16xf32>
      %add3A_391 = arith.addf %add3A_367, %mul3A_390 : vector<16xf32>
      %add3A_392 = arith.addf %add3A_368, %exp3A_377 : vector<16xf32>
      %get3A_393 = arith.constant 0 : i32
      %get3A_394 = arith.constant 0 : i32
      %get3A_395 = arith.constant 0 : i32
      %get3A_396 = tpu.memref_slice %arg8[%get3A_393, %get3A_394, %get3A_395] : memref<2x128x128xf32, #tpu.memory_space<vmem>> -> memref<1x128x128xf32, #tpu.memory_space<vmem>>
      %get3A_397 = tpu.memref_squeeze %get3A_396 : memref<1x128x128xf32, #tpu.memory_space<vmem>> -> memref<128x128xf32, #tpu.memory_space<vmem>>
      %get3A_398 = arith.index_cast %scan3A_242 : i32 to index
      %get3A_399 = arith.constant 96 : index
      %get3A_400 = tpu.vector_load %get3A_397[%get3A_398, %get3A_399] {strides = array<i32>} : memref<128x128xf32, #tpu.memory_space<vmem>>, vector<16xf32>,
      %exp3A_401 = math.exp %get3A_400 : vector<16xf32>
      %get3A_402 = arith.constant 0 : i32
      %get3A_403 = arith.constant 0 : i32
      %get3A_404 = arith.constant 0 : i32
      %get3A_405 = tpu.memref_slice %arg7[%get3A_402, %get3A_403, %get3A_404] : memref<2x128x128xf32, #tpu.memory_space<vmem>> -> memref<1x128x128xf32, #tpu.memory_space<vmem>>
      %get3A_406 = tpu.memref_squeeze %get3A_405 : memref<1x128x128xf32, #tpu.memory_space<vmem>> -> memref<128x128xf32, #tpu.memory_space<vmem>>
      %get3A_407 = arith.index_cast %scan3A_242 : i32 to index
      %get3A_408 = arith.constant 96 : index
      %get3A_409 = tpu.vector_load %get3A_406[%get3A_407, %get3A_408] {strides = array<i32>} : memref<128x128xf32, #tpu.memory_space<vmem>>, vector<16xf32>,
      %mul3A_410 = arith.mulf %get3A_409, %get3A_409 : vector<16xf32>
      %add3A_411 = arith.addf %add3A_387, %mul3A_410 : vector<16xf32>
      %mul3A_412 = arith.mulf %get3A_409, %exp3A_401 : vector<16xf32>
      %add3A_413 = arith.addf %add3A_389, %mul3A_412 : vector<16xf32>
      %mul3A_414 = arith.mulf %exp3A_401, %exp3A_401 : vector<16xf32>
      %add3A_415 = arith.addf %add3A_391, %mul3A_414 : vector<16xf32>
      %add3A_416 = arith.addf %add3A_392, %exp3A_401 : vector<16xf32>
      %get3A_417 = arith.constant 0 : i32
      %get3A_418 = arith.constant 0 : i32
      %get3A_419 = arith.constant 0 : i32
      %get3A_420 = tpu.memref_slice %arg8[%get3A_417, %get3A_418, %get3A_419] : memref<2x128x128xf32, #tpu.memory_space<vmem>> -> memref<1x128x128xf32, #tpu.memory_space<vmem>>
      %get3A_421 = tpu.memref_squeeze %get3A_420 : memref<1x128x128xf32, #tpu.memory_space<vmem>> -> memref<128x128xf32, #tpu.memory_space<vmem>>
      %get3A_422 = arith.index_cast %scan3A_242 : i32 to index
      %get3A_423 = arith.constant 112 : index
      %get3A_424 = tpu.vector_load %get3A_421[%get3A_422, %get3A_423] {strides = array<i32>} : memref<128x128xf32, #tpu.memory_space<vmem>>, vector<16xf32>,
      %exp3A_425 = math.exp %get3A_424 : vector<16xf32>
      %get3A_426 = arith.constant 0 : i32
      %get3A_427 = arith.constant 0 : i32
      %get3A_428 = arith.constant 0 : i32
      %get3A_429 = tpu.memref_slice %arg7[%get3A_426, %get3A_427, %get3A_428] : memref<2x128x128xf32, #tpu.memory_space<vmem>> -> memref<1x128x128xf32, #tpu.memory_space<vmem>>
      %get3A_430 = tpu.memref_squeeze %get3A_429 : memref<1x128x128xf32, #tpu.memory_space<vmem>> -> memref<128x128xf32, #tpu.memory_space<vmem>>
      %get3A_431 = arith.index_cast %scan3A_242 : i32 to index
      %get3A_432 = arith.constant 112 : index
      %get3A_433 = tpu.vector_load %get3A_430[%get3A_431, %get3A_432] {strides = array<i32>} : memref<128x128xf32, #tpu.memory_space<vmem>>, vector<16xf32>,
      %mul3A_434 = arith.mulf %get3A_433, %get3A_433 : vector<16xf32>
      %add3A_435 = arith.addf %add3A_411, %mul3A_434 : vector<16xf32>
      %mul3A_436 = arith.mulf %get3A_433, %exp3A_425 : vector<16xf32>
      %add3A_437 = arith.addf %add3A_413, %mul3A_436 : vector<16xf32>
      %mul3A_438 = arith.mulf %exp3A_425, %exp3A_425 : vector<16xf32>
      %add3A_439 = arith.addf %add3A_415, %mul3A_438 : vector<16xf32>
      %add3A_440 = arith.addf %add3A_416, %exp3A_425 : vector<16xf32>
      %reduce_sum3A = arith.constant true
      %reduce_sum3A_441 = vector.broadcast %reduce_sum3A : i1 to vector<16xi1>
      %reduce_sum3A_442 = tpu.scan <sum>, %add3A_440 masked %reduce_sum3A_441 : vector<16xf32>, vector<16xi1> -> vector<16xf32>
      %reduce_sum3A_443 = vector.extract %reduce_sum3A_442[15] : f32 from vector<16xf32>
      %broadcast_in_dim3A_444 = vector.broadcast %reduce_sum3A_443 : f32 to vector<16xf32>
      %add3A_445 = arith.addf %broadcast_in_dim3A_444, %broadcast_in_dim3A_444 : vector<16xf32>
      %mul3A_446 = arith.mulf %add3A_445, %add3A_437 : vector<16xf32>
      %sub3A = arith.subf %add3A_439, %mul3A_446 : vector<16xf32>
      %mul3A_447 = arith.mulf %broadcast_in_dim3A_444, %broadcast_in_dim3A_444 : vector<16xf32>
      %div3A = arith.divf %sub3A, %mul3A_447 : vector<16xf32>
      %add3A_448 = arith.addf %scan3A_244, %div3A : vector<16xf32>
      %scan3A_449 = arith.constant 1 : i32
      %scan3A_450 = arith.addi %scan3A_242, %scan3A_449 : i32
      %broadcast_in_dim3A_451 = arith.constant 0.000000e+00 : f32
      %broadcast_in_dim3A_452 = vector.broadcast %broadcast_in_dim3A_451 : f32 to vector<16xf32>
      %broadcast_in_dim3A_453 = arith.constant 0.000000e+00 : f32
      %broadcast_in_dim3A_454 = vector.broadcast %broadcast_in_dim3A_453 : f32 to vector<16xf32>
      %broadcast_in_dim3A_455 = arith.constant 0.000000e+00 : f32
      %broadcast_in_dim3A_456 = vector.broadcast %broadcast_in_dim3A_455 : f32 to vector<16xf32>
      %get3A_457 = arith.constant 0 : i32
      %get3A_458 = arith.constant 0 : i32
      %get3A_459 = arith.constant 0 : i32
      %get3A_460 = tpu.memref_slice %arg8[%get3A_457, %get3A_458, %get3A_459] : memref<2x128x128xf32, #tpu.memory_space<vmem>> -> memref<1x128x128xf32, #tpu.memory_space<vmem>>
      %get3A_461 = tpu.memref_squeeze %get3A_460 : memref<1x128x128xf32, #tpu.memory_space<vmem>> -> memref<128x128xf32, #tpu.memory_space<vmem>>
      %get3A_462 = arith.index_cast %scan3A_450 : i32 to index
      %get3A_463 = arith.constant 0 : index
      %get3A_464 = tpu.vector_load %get3A_461[%get3A_462, %get3A_463] {strides = array<i32>} : memref<128x128xf32, #tpu.memory_space<vmem>>, vector<16xf32>,
      %exp3A_465 = math.exp %get3A_464 : vector<16xf32>
      %get3A_466 = arith.constant 0 : i32
      %get3A_467 = arith.constant 0 : i32
      %get3A_468 = arith.constant 0 : i32
      %get3A_469 = tpu.memref_slice %arg7[%get3A_466, %get3A_467, %get3A_468] : memref<2x128x128xf32, #tpu.memory_space<vmem>> -> memref<1x128x128xf32, #tpu.memory_space<vmem>>
      %get3A_470 = tpu.memref_squeeze %get3A_469 : memref<1x128x128xf32, #tpu.memory_space<vmem>> -> memref<128x128xf32, #tpu.memory_space<vmem>>
      %get3A_471 = arith.index_cast %scan3A_450 : i32 to index
      %get3A_472 = arith.constant 0 : index
      %get3A_473 = tpu.vector_load %get3A_470[%get3A_471, %get3A_472] {strides = array<i32>} : memref<128x128xf32, #tpu.memory_space<vmem>>, vector<16xf32>,
      %mul3A_474 = arith.mulf %get3A_473, %get3A_473 : vector<16xf32>
      %add3A_475 = arith.addf %add3A_435, %mul3A_474 : vector<16xf32>
      %mul3A_476 = arith.mulf %get3A_473, %exp3A_465 : vector<16xf32>
      %add3A_477 = arith.addf %broadcast_in_dim3A_452, %mul3A_476 : vector<16xf32>
      %mul3A_478 = arith.mulf %exp3A_465, %exp3A_465 : vector<16xf32>
      %add3A_479 = arith.addf %broadcast_in_dim3A_454, %mul3A_478 : vector<16xf32>
      %add3A_480 = arith.addf %broadcast_in_dim3A_456, %exp3A_465 : vector<16xf32>
      %get3A_481 = arith.constant 0 : i32
      %get3A_482 = arith.constant 0 : i32
      %get3A_483 = arith.constant 0 : i32
      %get3A_484 = tpu.memref_slice %arg8[%get3A_481, %get3A_482, %get3A_483] : memref<2x128x128xf32, #tpu.memory_space<vmem>> -> memref<1x128x128xf32, #tpu.memory_space<vmem>>
      %get3A_485 = tpu.memref_squeeze %get3A_484 : memref<1x128x128xf32, #tpu.memory_space<vmem>> -> memref<128x128xf32, #tpu.memory_space<vmem>>
      %get3A_486 = arith.index_cast %scan3A_450 : i32 to index
      %get3A_487 = arith.constant 16 : index
      %get3A_488 = tpu.vector_load %get3A_485[%get3A_486, %get3A_487] {strides = array<i32>} : memref<128x128xf32, #tpu.memory_space<vmem>>, vector<16xf32>,
      %exp3A_489 = math.exp %get3A_488 : vector<16xf32>
      %get3A_490 = arith.constant 0 : i32
      %get3A_491 = arith.constant 0 : i32
      %get3A_492 = arith.constant 0 : i32
      %get3A_493 = tpu.memref_slice %arg7[%get3A_490, %get3A_491, %get3A_492] : memref<2x128x128xf32, #tpu.memory_space<vmem>> -> memref<1x128x128xf32, #tpu.memory_space<vmem>>
      %get3A_494 = tpu.memref_squeeze %get3A_493 : memref<1x128x128xf32, #tpu.memory_space<vmem>> -> memref<128x128xf32, #tpu.memory_space<vmem>>
      %get3A_495 = arith.index_cast %scan3A_450 : i32 to index
      %get3A_496 = arith.constant 16 : index
      %get3A_497 = tpu.vector_load %get3A_494[%get3A_495, %get3A_496] {strides = array<i32>} : memref<128x128xf32, #tpu.memory_space<vmem>>, vector<16xf32>,
      %mul3A_498 = arith.mulf %get3A_497, %get3A_497 : vector<16xf32>
      %add3A_499 = arith.addf %add3A_475, %mul3A_498 : vector<16xf32>
      %mul3A_500 = arith.mulf %get3A_497, %exp3A_489 : vector<16xf32>
      %add3A_501 = arith.addf %add3A_477, %mul3A_500 : vector<16xf32>
      %mul3A_502 = arith.mulf %exp3A_489, %exp3A_489 : vector<16xf32>
      %add3A_503 = arith.addf %add3A_479, %mul3A_502 : vector<16xf32>
      %add3A_504 = arith.addf %add3A_480, %exp3A_489 : vector<16xf32>
      %get3A_505 = arith.constant 0 : i32
      %get3A_506 = arith.constant 0 : i32
      %get3A_507 = arith.constant 0 : i32
      %get3A_508 = tpu.memref_slice %arg8[%get3A_505, %get3A_506, %get3A_507] : memref<2x128x128xf32, #tpu.memory_space<vmem>> -> memref<1x128x128xf32, #tpu.memory_space<vmem>>
      %get3A_509 = tpu.memref_squeeze %get3A_508 : memref<1x128x128xf32, #tpu.memory_space<vmem>> -> memref<128x128xf32, #tpu.memory_space<vmem>>
      %get3A_510 = arith.index_cast %scan3A_450 : i32 to index
      %get3A_511 = arith.constant 32 : index
      %get3A_512 = tpu.vector_load %get3A_509[%get3A_510, %get3A_511] {strides = array<i32>} : memref<128x128xf32, #tpu.memory_space<vmem>>, vector<16xf32>,
      %exp3A_513 = math.exp %get3A_512 : vector<16xf32>
      %get3A_514 = arith.constant 0 : i32
      %get3A_515 = arith.constant 0 : i32
      %get3A_516 = arith.constant 0 : i32
      %get3A_517 = tpu.memref_slice %arg7[%get3A_514, %get3A_515, %get3A_516] : memref<2x128x128xf32, #tpu.memory_space<vmem>> -> memref<1x128x128xf32, #tpu.memory_space<vmem>>
      %get3A_518 = tpu.memref_squeeze %get3A_517 : memref<1x128x128xf32, #tpu.memory_space<vmem>> -> memref<128x128xf32, #tpu.memory_space<vmem>>
      %get3A_519 = arith.index_cast %scan3A_450 : i32 to index
      %get3A_520 = arith.constant 32 : index
      %get3A_521 = tpu.vector_load %get3A_518[%get3A_519, %get3A_520] {strides = array<i32>} : memref<128x128xf32, #tpu.memory_space<vmem>>, vector<16xf32>,
      %mul3A_522 = arith.mulf %get3A_521, %get3A_521 : vector<16xf32>
      %add3A_523 = arith.addf %add3A_499, %mul3A_522 : vector<16xf32>
      %mul3A_524 = arith.mulf %get3A_521, %exp3A_513 : vector<16xf32>
      %add3A_525 = arith.addf %add3A_501, %mul3A_524 : vector<16xf32>
      %mul3A_526 = arith.mulf %exp3A_513, %exp3A_513 : vector<16xf32>
      %add3A_527 = arith.addf %add3A_503, %mul3A_526 : vector<16xf32>
      %add3A_528 = arith.addf %add3A_504, %exp3A_513 : vector<16xf32>
      %get3A_529 = arith.constant 0 : i32
      %get3A_530 = arith.constant 0 : i32
      %get3A_531 = arith.constant 0 : i32
      %get3A_532 = tpu.memref_slice %arg8[%get3A_529, %get3A_530, %get3A_531] : memref<2x128x128xf32, #tpu.memory_space<vmem>> -> memref<1x128x128xf32, #tpu.memory_space<vmem>>
      %get3A_533 = tpu.memref_squeeze %get3A_532 : memref<1x128x128xf32, #tpu.memory_space<vmem>> -> memref<128x128xf32, #tpu.memory_space<vmem>>
      %get3A_534 = arith.index_cast %scan3A_450 : i32 to index
      %get3A_535 = arith.constant 48 : index
      %get3A_536 = tpu.vector_load %get3A_533[%get3A_534, %get3A_535] {strides = array<i32>} : memref<128x128xf32, #tpu.memory_space<vmem>>, vector<16xf32>,
      %exp3A_537 = math.exp %get3A_536 : vector<16xf32>
      %get3A_538 = arith.constant 0 : i32
      %get3A_539 = arith.constant 0 : i32
      %get3A_540 = arith.constant 0 : i32
      %get3A_541 = tpu.memref_slice %arg7[%get3A_538, %get3A_539, %get3A_540] : memref<2x128x128xf32, #tpu.memory_space<vmem>> -> memref<1x128x128xf32, #tpu.memory_space<vmem>>
      %get3A_542 = tpu.memref_squeeze %get3A_541 : memref<1x128x128xf32, #tpu.memory_space<vmem>> -> memref<128x128xf32, #tpu.memory_space<vmem>>
      %get3A_543 = arith.index_cast %scan3A_450 : i32 to index
      %get3A_544 = arith.constant 48 : index
      %get3A_545 = tpu.vector_load %get3A_542[%get3A_543, %get3A_544] {strides = array<i32>} : memref<128x128xf32, #tpu.memory_space<vmem>>, vector<16xf32>,
      %mul3A_546 = arith.mulf %get3A_545, %get3A_545 : vector<16xf32>
      %add3A_547 = arith.addf %add3A_523, %mul3A_546 : vector<16xf32>
      %mul3A_548 = arith.mulf %get3A_545, %exp3A_537 : vector<16xf32>
      %add3A_549 = arith.addf %add3A_525, %mul3A_548 : vector<16xf32>
      %mul3A_550 = arith.mulf %exp3A_537, %exp3A_537 : vector<16xf32>
      %add3A_551 = arith.addf %add3A_527, %mul3A_550 : vector<16xf32>
      %add3A_552 = arith.addf %add3A_528, %exp3A_537 : vector<16xf32>
      %get3A_553 = arith.constant 0 : i32
      %get3A_554 = arith.constant 0 : i32
      %get3A_555 = arith.constant 0 : i32
      %get3A_556 = tpu.memref_slice %arg8[%get3A_553, %get3A_554, %get3A_555] : memref<2x128x128xf32, #tpu.memory_space<vmem>> -> memref<1x128x128xf32, #tpu.memory_space<vmem>>
      %get3A_557 = tpu.memref_squeeze %get3A_556 : memref<1x128x128xf32, #tpu.memory_space<vmem>> -> memref<128x128xf32, #tpu.memory_space<vmem>>
      %get3A_558 = arith.index_cast %scan3A_450 : i32 to index
      %get3A_559 = arith.constant 64 : index
      %get3A_560 = tpu.vector_load %get3A_557[%get3A_558, %get3A_559] {strides = array<i32>} : memref<128x128xf32, #tpu.memory_space<vmem>>, vector<16xf32>,
      %exp3A_561 = math.exp %get3A_560 : vector<16xf32>
      %get3A_562 = arith.constant 0 : i32
      %get3A_563 = arith.constant 0 : i32
      %get3A_564 = arith.constant 0 : i32
      %get3A_565 = tpu.memref_slice %arg7[%get3A_562, %get3A_563, %get3A_564] : memref<2x128x128xf32, #tpu.memory_space<vmem>> -> memref<1x128x128xf32, #tpu.memory_space<vmem>>
      %get3A_566 = tpu.memref_squeeze %get3A_565 : memref<1x128x128xf32, #tpu.memory_space<vmem>> -> memref<128x128xf32, #tpu.memory_space<vmem>>
      %get3A_567 = arith.index_cast %scan3A_450 : i32 to index
      %get3A_568 = arith.constant 64 : index
      %get3A_569 = tpu.vector_load %get3A_566[%get3A_567, %get3A_568] {strides = array<i32>} : memref<128x128xf32, #tpu.memory_space<vmem>>, vector<16xf32>,
      %mul3A_570 = arith.mulf %get3A_569, %get3A_569 : vector<16xf32>
      %add3A_571 = arith.addf %add3A_547, %mul3A_570 : vector<16xf32>
      %mul3A_572 = arith.mulf %get3A_569, %exp3A_561 : vector<16xf32>
      %add3A_573 = arith.addf %add3A_549, %mul3A_572 : vector<16xf32>
      %mul3A_574 = arith.mulf %exp3A_561, %exp3A_561 : vector<16xf32>
      %add3A_575 = arith.addf %add3A_551, %mul3A_574 : vector<16xf32>
      %add3A_576 = arith.addf %add3A_552, %exp3A_561 : vector<16xf32>
      %get3A_577 = arith.constant 0 : i32
      %get3A_578 = arith.constant 0 : i32
      %get3A_579 = arith.constant 0 : i32
      %get3A_580 = tpu.memref_slice %arg8[%get3A_577, %get3A_578, %get3A_579] : memref<2x128x128xf32, #tpu.memory_space<vmem>> -> memref<1x128x128xf32, #tpu.memory_space<vmem>>
      %get3A_581 = tpu.memref_squeeze %get3A_580 : memref<1x128x128xf32, #tpu.memory_space<vmem>> -> memref<128x128xf32, #tpu.memory_space<vmem>>
      %get3A_582 = arith.index_cast %scan3A_450 : i32 to index
      %get3A_583 = arith.constant 80 : index
      %get3A_584 = tpu.vector_load %get3A_581[%get3A_582, %get3A_583] {strides = array<i32>} : memref<128x128xf32, #tpu.memory_space<vmem>>, vector<16xf32>,
      %exp3A_585 = math.exp %get3A_584 : vector<16xf32>
      %get3A_586 = arith.constant 0 : i32
      %get3A_587 = arith.constant 0 : i32
      %get3A_588 = arith.constant 0 : i32
      %get3A_589 = tpu.memref_slice %arg7[%get3A_586, %get3A_587, %get3A_588] : memref<2x128x128xf32, #tpu.memory_space<vmem>> -> memref<1x128x128xf32, #tpu.memory_space<vmem>>
      %get3A_590 = tpu.memref_squeeze %get3A_589 : memref<1x128x128xf32, #tpu.memory_space<vmem>> -> memref<128x128xf32, #tpu.memory_space<vmem>>
      %get3A_591 = arith.index_cast %scan3A_450 : i32 to index
      %get3A_592 = arith.constant 80 : index
      %get3A_593 = tpu.vector_load %get3A_590[%get3A_591, %get3A_592] {strides = array<i32>} : memref<128x128xf32, #tpu.memory_space<vmem>>, vector<16xf32>,
      %mul3A_594 = arith.mulf %get3A_593, %get3A_593 : vector<16xf32>
      %add3A_595 = arith.addf %add3A_571, %mul3A_594 : vector<16xf32>
      %mul3A_596 = arith.mulf %get3A_593, %exp3A_585 : vector<16xf32>
      %add3A_597 = arith.addf %add3A_573, %mul3A_596 : vector<16xf32>
      %mul3A_598 = arith.mulf %exp3A_585, %exp3A_585 : vector<16xf32>
      %add3A_599 = arith.addf %add3A_575, %mul3A_598 : vector<16xf32>
      %add3A_600 = arith.addf %add3A_576, %exp3A_585 : vector<16xf32>
      %get3A_601 = arith.constant 0 : i32
      %get3A_602 = arith.constant 0 : i32
      %get3A_603 = arith.constant 0 : i32
      %get3A_604 = tpu.memref_slice %arg8[%get3A_601, %get3A_602, %get3A_603] : memref<2x128x128xf32, #tpu.memory_space<vmem>> -> memref<1x128x128xf32, #tpu.memory_space<vmem>>
      %get3A_605 = tpu.memref_squeeze %get3A_604 : memref<1x128x128xf32, #tpu.memory_space<vmem>> -> memref<128x128xf32, #tpu.memory_space<vmem>>
      %get3A_606 = arith.index_cast %scan3A_450 : i32 to index
      %get3A_607 = arith.constant 96 : index
      %get3A_608 = tpu.vector_load %get3A_605[%get3A_606, %get3A_607] {strides = array<i32>} : memref<128x128xf32, #tpu.memory_space<vmem>>, vector<16xf32>,
      %exp3A_609 = math.exp %get3A_608 : vector<16xf32>
      %get3A_610 = arith.constant 0 : i32
      %get3A_611 = arith.constant 0 : i32
      %get3A_612 = arith.constant 0 : i32
      %get3A_613 = tpu.memref_slice %arg7[%get3A_610, %get3A_611, %get3A_612] : memref<2x128x128xf32, #tpu.memory_space<vmem>> -> memref<1x128x128xf32, #tpu.memory_space<vmem>>
      %get3A_614 = tpu.memref_squeeze %get3A_613 : memref<1x128x128xf32, #tpu.memory_space<vmem>> -> memref<128x128xf32, #tpu.memory_space<vmem>>
      %get3A_615 = arith.index_cast %scan3A_450 : i32 to index
      %get3A_616 = arith.constant 96 : index
      %get3A_617 = tpu.vector_load %get3A_614[%get3A_615, %get3A_616] {strides = array<i32>} : memref<128x128xf32, #tpu.memory_space<vmem>>, vector<16xf32>,
      %mul3A_618 = arith.mulf %get3A_617, %get3A_617 : vector<16xf32>
      %add3A_619 = arith.addf %add3A_595, %mul3A_618 : vector<16xf32>
      %mul3A_620 = arith.mulf %get3A_617, %exp3A_609 : vector<16xf32>
      %add3A_621 = arith.addf %add3A_597, %mul3A_620 : vector<16xf32>
      %mul3A_622 = arith.mulf %exp3A_609, %exp3A_609 : vector<16xf32>
      %add3A_623 = arith.addf %add3A_599, %mul3A_622 : vector<16xf32>
      %add3A_624 = arith.addf %add3A_600, %exp3A_609 : vector<16xf32>
      %get3A_625 = arith.constant 0 : i32
      %get3A_626 = arith.constant 0 : i32
      %get3A_627 = arith.constant 0 : i32
      %get3A_628 = tpu.memref_slice %arg8[%get3A_625, %get3A_626, %get3A_627] : memref<2x128x128xf32, #tpu.memory_space<vmem>> -> memref<1x128x128xf32, #tpu.memory_space<vmem>>
      %get3A_629 = tpu.memref_squeeze %get3A_628 : memref<1x128x128xf32, #tpu.memory_space<vmem>> -> memref<128x128xf32, #tpu.memory_space<vmem>>
      %get3A_630 = arith.index_cast %scan3A_450 : i32 to index
      %get3A_631 = arith.constant 112 : index
      %get3A_632 = tpu.vector_load %get3A_629[%get3A_630, %get3A_631] {strides = array<i32>} : memref<128x128xf32, #tpu.memory_space<vmem>>, vector<16xf32>,
      %exp3A_633 = math.exp %get3A_632 : vector<16xf32>
      %get3A_634 = arith.constant 0 : i32
      %get3A_635 = arith.constant 0 : i32
      %get3A_636 = arith.constant 0 : i32
      %get3A_637 = tpu.memref_slice %arg7[%get3A_634, %get3A_635, %get3A_636] : memref<2x128x128xf32, #tpu.memory_space<vmem>> -> memref<1x128x128xf32, #tpu.memory_space<vmem>>
      %get3A_638 = tpu.memref_squeeze %get3A_637 : memref<1x128x128xf32, #tpu.memory_space<vmem>> -> memref<128x128xf32, #tpu.memory_space<vmem>>
      %get3A_639 = arith.index_cast %scan3A_450 : i32 to index
      %get3A_640 = arith.constant 112 : index
      %get3A_641 = tpu.vector_load %get3A_638[%get3A_639, %get3A_640] {strides = array<i32>} : memref<128x128xf32, #tpu.memory_space<vmem>>, vector<16xf32>,
      %mul3A_642 = arith.mulf %get3A_641, %get3A_641 : vector<16xf32>
      %add3A_643 = arith.addf %add3A_619, %mul3A_642 : vector<16xf32>
      %mul3A_644 = arith.mulf %get3A_641, %exp3A_633 : vector<16xf32>
      %add3A_645 = arith.addf %add3A_621, %mul3A_644 : vector<16xf32>
      %mul3A_646 = arith.mulf %exp3A_633, %exp3A_633 : vector<16xf32>
      %add3A_647 = arith.addf %add3A_623, %mul3A_646 : vector<16xf32>
      %add3A_648 = arith.addf %add3A_624, %exp3A_633 : vector<16xf32>
      %reduce_sum3A_649 = arith.constant true
      %reduce_sum3A_650 = vector.broadcast %reduce_sum3A_649 : i1 to vector<16xi1>
      %reduce_sum3A_651 = tpu.scan <sum>, %add3A_648 masked %reduce_sum3A_650 : vector<16xf32>, vector<16xi1> -> vector<16xf32>
      %reduce_sum3A_652 = vector.extract %reduce_sum3A_651[15] : f32 from vector<16xf32>
      %broadcast_in_dim3A_653 = vector.broadcast %reduce_sum3A_652 : f32 to vector<16xf32>
      %add3A_654 = arith.addf %broadcast_in_dim3A_653, %broadcast_in_dim3A_653 : vector<16xf32>
      %mul3A_655 = arith.mulf %add3A_654, %add3A_645 : vector<16xf32>
      %sub3A_656 = arith.subf %add3A_647, %mul3A_655 : vector<16xf32>
      %mul3A_657 = arith.mulf %broadcast_in_dim3A_653, %broadcast_in_dim3A_653 : vector<16xf32>
      %div3A_658 = arith.divf %sub3A_656, %mul3A_657 : vector<16xf32>
      %add3A_659 = arith.addf %add3A_448, %div3A_658 : vector<16xf32>
      scf.yield %add3A_643, %add3A_659 : vector<16xf32>, vector<16xf32>
    }
    %scan3A_88 = arith.constant 128 : i32
    %dma_wait3A_89 = arith.constant 1 : i32
    %dma_wait3A_90 = arith.constant 1 : i32
    %dma_wait3A_91 = arith.constant 0 : i32
    %dma_wait3A_92 = arith.constant 0 : i32
    %dma_wait3A_93 = tpu.memref_slice %arg7[%dma_wait3A_90, %dma_wait3A_91, %dma_wait3A_92] : memref<2x128x128xf32, #tpu.memory_space<vmem>> -> memref<1x128x128xf32, #tpu.memory_space<vmem>>
    %dma_wait3A_94 = tpu.memref_squeeze %dma_wait3A_93 : memref<1x128x128xf32, #tpu.memory_space<vmem>> -> memref<128x128xf32, #tpu.memory_space<vmem>>
    %dma_wait3A_95 = arith.constant 0 : i32
    %dma_wait3A_96 = tpu.memref_slice %arg6[%dma_wait3A_89, %dma_wait3A_95] : memref<2x128xi32, #tpu.memory_space<vmem>> -> memref<1x128xi32, #tpu.memory_space<vmem>>
    %dma_wait3A_97 = tpu.memref_squeeze %dma_wait3A_96 : memref<1x128xi32, #tpu.memory_space<vmem>> -> memref<128xi32, #tpu.memory_space<vmem>>
    %dma_wait3A_98 = arith.constant 0 : i32
    %dma_wait3A_99 = arith.constant 0 : i32
    %dma_wait3A_100 = tpu.memref_slice %arg4[%dma_wait3A_98, %dma_wait3A_99] : memref<1000000x128xf32, #tpu.memory_space<hbm>> -> memref<1000000x128xf32, #tpu.memory_space<hbm>>
    tpu.wait_indirect_dma semaphore(%arg11 : memref<!tpu.dma_semaphore, #tpu.memory_space<semaphore_mem>>) src(%dma_wait3A_100 : memref<1000000x128xf32, #tpu.memory_space<hbm>>) dst(%dma_wait3A_94 : memref<128x128xf32, #tpu.memory_space<vmem>>)
    %dma_wait3A_101 = arith.constant 1 : i32
    %dma_wait3A_102 = arith.constant 0 : i32
    %dma_wait3A_103 = arith.constant 0 : i32
    %dma_wait3A_104 = tpu.memref_slice %arg8[%dma_wait3A_101, %dma_wait3A_102, %dma_wait3A_103] : memref<2x128x128xf32, #tpu.memory_space<vmem>> -> memref<1x128x128xf32, #tpu.memory_space<vmem>>
    %dma_wait3A_105 = tpu.memref_squeeze %dma_wait3A_104 : memref<1x128x128xf32, #tpu.memory_space<vmem>> -> memref<128x128xf32, #tpu.memory_space<vmem>>
    %dma_wait3A_106 = arith.constant 0 : i32
    %dma_wait3A_107 = tpu.memref_slice %arg3[%add3A_57, %dma_wait3A_106] : memref<16384x128xf32, #tpu.memory_space<hbm>> -> memref<128x128xf32, #tpu.memory_space<hbm>>
    %dma_wait3A_108 = arith.constant 0 : i32
    %dma_wait3A_109 = arith.constant 0 : i32
    %dma_wait3A_110 = tpu.memref_slice %arg8[%dma_wait3A_101, %dma_wait3A_108, %dma_wait3A_109] : memref<2x128x128xf32, #tpu.memory_space<vmem>> -> memref<1x128x128xf32, #tpu.memory_space<vmem>>
    %dma_wait3A_111 = tpu.memref_squeeze %dma_wait3A_110 : memref<1x128x128xf32, #tpu.memory_space<vmem>> -> memref<128x128xf32, #tpu.memory_space<vmem>>
    %dma_wait3A_112 = arith.constant 0 : i32
    %dma_wait3A_113 = tpu.memref_slice %arg3[%add3A_57, %dma_wait3A_112] : memref<16384x128xf32, #tpu.memory_space<hbm>> -> memref<128x128xf32, #tpu.memory_space<hbm>>
    tpu.wait_dma2 semaphore(%arg13 : memref<!tpu.dma_semaphore, #tpu.memory_space<semaphore_mem>>) src(%dma_wait3A_113 : memref<128x128xf32, #tpu.memory_space<hbm>>) dst(%dma_wait3A_111 : memref<128x128xf32, #tpu.memory_space<vmem>>)
    %add3A_114 = arith.constant 256 : i32
    %add3A_115 = arith.addi %mul3A_2, %add3A_114 : i32
    %run_scoped3A_116 = arith.constant 0 : i32
    "tpu.region"() ({
      %run_scoped3A_242 = tpu.sem_alloc : memref<!tpu.dma_semaphore, #tpu.memory_space<semaphore_mem>>
      %dma_start3A_243 = arith.constant 0 : i32
      %dma_start3A_244 = tpu.memref_slice %arg6[%run_scoped3A_116, %dma_start3A_243] : memref<2x128xi32, #tpu.memory_space<vmem>> -> memref<1x128xi32, #tpu.memory_space<vmem>>
      %dma_start3A_245 = tpu.memref_squeeze %dma_start3A_244 : memref<1x128xi32, #tpu.memory_space<vmem>> -> memref<128xi32, #tpu.memory_space<vmem>>
      %dma_start3A_246 = tpu.memref_slice %arg2[%add3A_115] : memref<16384xi32, #tpu.memory_space<hbm>> -> memref<128xi32, #tpu.memory_space<hbm>>
      %dma_start3A_247 = arith.constant 0 : i32
      %dma_start3A_248 = tpu.memref_slice %arg6[%run_scoped3A_116, %dma_start3A_247] : memref<2x128xi32, #tpu.memory_space<vmem>> -> memref<1x128xi32, #tpu.memory_space<vmem>>
      %dma_start3A_249 = tpu.memref_squeeze %dma_start3A_248 : memref<1x128xi32, #tpu.memory_space<vmem>> -> memref<128xi32, #tpu.memory_space<vmem>>
      %dma_start3A_250 = tpu.memref_slice %arg2[%add3A_115] : memref<16384xi32, #tpu.memory_space<hbm>> -> memref<128xi32, #tpu.memory_space<hbm>>
      tpu.enqueue_dma source(%dma_start3A_250 : memref<128xi32, #tpu.memory_space<hbm>>) target(%dma_start3A_249 : memref<128xi32, #tpu.memory_space<vmem>>) target_semaphore(%run_scoped3A_242 : memref<!tpu.dma_semaphore, #tpu.memory_space<semaphore_mem>>)
      %dma_wait3A_251 = arith.constant 0 : i32
      %dma_wait3A_252 = tpu.memref_slice %arg6[%run_scoped3A_116, %dma_wait3A_251] : memref<2x128xi32, #tpu.memory_space<vmem>> -> memref<1x128xi32, #tpu.memory_space<vmem>>
      %dma_wait3A_253 = tpu.memref_squeeze %dma_wait3A_252 : memref<1x128xi32, #tpu.memory_space<vmem>> -> memref<128xi32, #tpu.memory_space<vmem>>
      %dma_wait3A_254 = tpu.memref_slice %arg2[%add3A_115] : memref<16384xi32, #tpu.memory_space<hbm>> -> memref<128xi32, #tpu.memory_space<hbm>>
      %dma_wait3A_255 = arith.constant 0 : i32
      %dma_wait3A_256 = tpu.memref_slice %arg6[%run_scoped3A_116, %dma_wait3A_255] : memref<2x128xi32, #tpu.memory_space<vmem>> -> memref<1x128xi32, #tpu.memory_space<vmem>>
      %dma_wait3A_257 = tpu.memref_squeeze %dma_wait3A_256 : memref<1x128xi32, #tpu.memory_space<vmem>> -> memref<128xi32, #tpu.memory_space<vmem>>
      %dma_wait3A_258 = tpu.memref_slice %arg2[%add3A_115] : memref<16384xi32, #tpu.memory_space<hbm>> -> memref<128xi32, #tpu.memory_space<hbm>>
      tpu.wait_dma2 semaphore(%run_scoped3A_242 : memref<!tpu.dma_semaphore, #tpu.memory_space<semaphore_mem>>) src(%dma_wait3A_258 : memref<128xi32, #tpu.memory_space<hbm>>) dst(%dma_wait3A_257 : memref<128xi32, #tpu.memory_space<vmem>>)
      tpu.yield
    }) : () -> ()
    %dma_start3A_117 = arith.constant 0 : i32
    %dma_start3A_118 = arith.constant 0 : i32
    %dma_start3A_119 = arith.constant 0 : i32
    %dma_start3A_120 = arith.constant 0 : i32
    %dma_start3A_121 = tpu.memref_slice %arg7[%dma_start3A_118, %dma_start3A_119, %dma_start3A_120] : memref<2x128x128xf32, #tpu.memory_space<vmem>> -> memref<1x128x128xf32, #tpu.memory_space<vmem>>
    %dma_start3A_122 = tpu.memref_squeeze %dma_start3A_121 : memref<1x128x128xf32, #tpu.memory_space<vmem>> -> memref<128x128xf32, #tpu.memory_space<vmem>>
    %dma_start3A_123 = arith.constant 0 : i32
    %dma_start3A_124 = tpu.memref_slice %arg6[%dma_start3A_117, %dma_start3A_123] : memref<2x128xi32, #tpu.memory_space<vmem>> -> memref<1x128xi32, #tpu.memory_space<vmem>>
    %dma_start3A_125 = tpu.memref_squeeze %dma_start3A_124 : memref<1x128xi32, #tpu.memory_space<vmem>> -> memref<128xi32, #tpu.memory_space<vmem>>
    %dma_start3A_126 = arith.constant 0 : i32
    %dma_start3A_127 = arith.constant 0 : i32
    %dma_start3A_128 = tpu.memref_slice %arg4[%dma_start3A_126, %dma_start3A_127] : memref<1000000x128xf32, #tpu.memory_space<hbm>> -> memref<1000000x128xf32, #tpu.memory_space<hbm>>
    tpu.enqueue_indirect_dma source(%dma_start3A_128 : memref<1000000x128xf32, #tpu.memory_space<hbm>>) target(%dma_start3A_122 : memref<128x128xf32, #tpu.memory_space<vmem>>) offsets(%dma_start3A_125 : memref<128xi32, #tpu.memory_space<vmem>>) semaphore(%arg10 : memref<!tpu.dma_semaphore, #tpu.memory_space<semaphore_mem>>)
    %dma_start3A_129 = arith.constant 0 : i32
    %dma_start3A_130 = arith.constant 0 : i32
    %dma_start3A_131 = arith.constant 0 : i32
    %dma_start3A_132 = tpu.memref_slice %arg8[%dma_start3A_129, %dma_start3A_130, %dma_start3A_131] : memref<2x128x128xf32, #tpu.memory_space<vmem>> -> memref<1x128x128xf32, #tpu.memory_space<vmem>>
    %dma_start3A_133 = tpu.memref_squeeze %dma_start3A_132 : memref<1x128x128xf32, #tpu.memory_space<vmem>> -> memref<128x128xf32, #tpu.memory_space<vmem>>
    %dma_start3A_134 = arith.constant 0 : i32
    %dma_start3A_135 = tpu.memref_slice %arg3[%add3A_115, %dma_start3A_134] : memref<16384x128xf32, #tpu.memory_space<hbm>> -> memref<128x128xf32, #tpu.memory_space<hbm>>
    %dma_start3A_136 = arith.constant 0 : i32
    %dma_start3A_137 = arith.constant 0 : i32
    %dma_start3A_138 = tpu.memref_slice %arg8[%dma_start3A_129, %dma_start3A_136, %dma_start3A_137] : memref<2x128x128xf32, #tpu.memory_space<vmem>> -> memref<1x128x128xf32, #tpu.memory_space<vmem>>
    %dma_start3A_139 = tpu.memref_squeeze %dma_start3A_138 : memref<1x128x128xf32, #tpu.memory_space<vmem>> -> memref<128x128xf32, #tpu.memory_space<vmem>>
    %dma_start3A_140 = arith.constant 0 : i32
    %dma_start3A_141 = tpu.memref_slice %arg3[%add3A_115, %dma_start3A_140] : memref<16384x128xf32, #tpu.memory_space<hbm>> -> memref<128x128xf32, #tpu.memory_space<hbm>>
    tpu.enqueue_dma source(%dma_start3A_141 : memref<128x128xf32, #tpu.memory_space<hbm>>) target(%dma_start3A_139 : memref<128x128xf32, #tpu.memory_space<vmem>>) target_semaphore(%arg12 : memref<!tpu.dma_semaphore, #tpu.memory_space<semaphore_mem>>)
    %scan3A_142 = arith.constant 0 : i32
    %scan3A_143 = arith.constant 128 : i32
    %scan3A_144 = arith.addi %scan3A_142, %scan3A_143 : i32
    %scan3A_145 = arith.constant 2 : i32
    %scan3A_146:2 = scf.for %scan3A_242 = %scan3A_142 to %scan3A_144 step %scan3A_145 iter_args(%scan3A_243 = %scan3A_87#0, %scan3A_244 = %scan3A_87#1) -> (vector<16xf32>, vector<16xf32>)  : i32 {
      %broadcast_in_dim3A_245 = arith.constant 0.000000e+00 : f32
      %broadcast_in_dim3A_246 = vector.broadcast %broadcast_in_dim3A_245 : f32 to vector<16xf32>
      %broadcast_in_dim3A_247 = arith.constant 0.000000e+00 : f32
      %broadcast_in_dim3A_248 = vector.broadcast %broadcast_in_dim3A_247 : f32 to vector<16xf32>
      %broadcast_in_dim3A_249 = arith.constant 0.000000e+00 : f32
      %broadcast_in_dim3A_250 = vector.broadcast %broadcast_in_dim3A_249 : f32 to vector<16xf32>
      %get3A = arith.constant 1 : i32
      %get3A_251 = arith.constant 0 : i32
      %get3A_252 = arith.constant 0 : i32
      %get3A_253 = tpu.memref_slice %arg8[%get3A, %get3A_251, %get3A_252] : memref<2x128x128xf32, #tpu.memory_space<vmem>> -> memref<1x128x128xf32, #tpu.memory_space<vmem>>
      %get3A_254 = tpu.memref_squeeze %get3A_253 : memref<1x128x128xf32, #tpu.memory_space<vmem>> -> memref<128x128xf32, #tpu.memory_space<vmem>>
      %get3A_255 = arith.index_cast %scan3A_242 : i32 to index
      %get3A_256 = arith.constant 0 : index
      %get3A_257 = tpu.vector_load %get3A_254[%get3A_255, %get3A_256] {strides = array<i32>} : memref<128x128xf32, #tpu.memory_space<vmem>>, vector<16xf32>,
      %exp3A = math.exp %get3A_257 : vector<16xf32>
      %get3A_258 = arith.constant 1 : i32
      %get3A_259 = arith.constant 0 : i32
      %get3A_260 = arith.constant 0 : i32
      %get3A_261 = tpu.memref_slice %arg7[%get3A_258, %get3A_259, %get3A_260] : memref<2x128x128xf32, #tpu.memory_space<vmem>> -> memref<1x128x128xf32, #tpu.memory_space<vmem>>
      %get3A_262 = tpu.memref_squeeze %get3A_261 : memref<1x128x128xf32, #tpu.memory_space<vmem>> -> memref<128x128xf32, #tpu.memory_space<vmem>>
      %get3A_263 = arith.index_cast %scan3A_242 : i32 to index
      %get3A_264 = arith.constant 0 : index
      %get3A_265 = tpu.vector_load %get3A_262[%get3A_263, %get3A_264] {strides = array<i32>} : memref<128x128xf32, #tpu.memory_space<vmem>>, vector<16xf32>,
      %mul3A_266 = arith.mulf %get3A_265, %get3A_265 : vector<16xf32>
      %add3A_267 = arith.addf %scan3A_243, %mul3A_266 : vector<16xf32>
      %mul3A_268 = arith.mulf %get3A_265, %exp3A : vector<16xf32>
      %add3A_269 = arith.addf %broadcast_in_dim3A_246, %mul3A_268 : vector<16xf32>
      %mul3A_270 = arith.mulf %exp3A, %exp3A : vector<16xf32>
      %add3A_271 = arith.addf %broadcast_in_dim3A_248, %mul3A_270 : vector<16xf32>
      %add3A_272 = arith.addf %broadcast_in_dim3A_250, %exp3A : vector<16xf32>
      %get3A_273 = arith.constant 1 : i32
      %get3A_274 = arith.constant 0 : i32
      %get3A_275 = arith.constant 0 : i32
      %get3A_276 = tpu.memref_slice %arg8[%get3A_273, %get3A_274, %get3A_275] : memref<2x128x128xf32, #tpu.memory_space<vmem>> -> memref<1x128x128xf32, #tpu.memory_space<vmem>>
      %get3A_277 = tpu.memref_squeeze %get3A_276 : memref<1x128x128xf32, #tpu.memory_space<vmem>> -> memref<128x128xf32, #tpu.memory_space<vmem>>
      %get3A_278 = arith.index_cast %scan3A_242 : i32 to index
      %get3A_279 = arith.constant 16 : index
      %get3A_280 = tpu.vector_load %get3A_277[%get3A_278, %get3A_279] {strides = array<i32>} : memref<128x128xf32, #tpu.memory_space<vmem>>, vector<16xf32>,
      %exp3A_281 = math.exp %get3A_280 : vector<16xf32>
      %get3A_282 = arith.constant 1 : i32
      %get3A_283 = arith.constant 0 : i32
      %get3A_284 = arith.constant 0 : i32
      %get3A_285 = tpu.memref_slice %arg7[%get3A_282, %get3A_283, %get3A_284] : memref<2x128x128xf32, #tpu.memory_space<vmem>> -> memref<1x128x128xf32, #tpu.memory_space<vmem>>
      %get3A_286 = tpu.memref_squeeze %get3A_285 : memref<1x128x128xf32, #tpu.memory_space<vmem>> -> memref<128x128xf32, #tpu.memory_space<vmem>>
      %get3A_287 = arith.index_cast %scan3A_242 : i32 to index
      %get3A_288 = arith.constant 16 : index
      %get3A_289 = tpu.vector_load %get3A_286[%get3A_287, %get3A_288] {strides = array<i32>} : memref<128x128xf32, #tpu.memory_space<vmem>>, vector<16xf32>,
      %mul3A_290 = arith.mulf %get3A_289, %get3A_289 : vector<16xf32>
      %add3A_291 = arith.addf %add3A_267, %mul3A_290 : vector<16xf32>
      %mul3A_292 = arith.mulf %get3A_289, %exp3A_281 : vector<16xf32>
      %add3A_293 = arith.addf %add3A_269, %mul3A_292 : vector<16xf32>
      %mul3A_294 = arith.mulf %exp3A_281, %exp3A_281 : vector<16xf32>
      %add3A_295 = arith.addf %add3A_271, %mul3A_294 : vector<16xf32>
      %add3A_296 = arith.addf %add3A_272, %exp3A_281 : vector<16xf32>
      %get3A_297 = arith.constant 1 : i32
      %get3A_298 = arith.constant 0 : i32
      %get3A_299 = arith.constant 0 : i32
      %get3A_300 = tpu.memref_slice %arg8[%get3A_297, %get3A_298, %get3A_299] : memref<2x128x128xf32, #tpu.memory_space<vmem>> -> memref<1x128x128xf32, #tpu.memory_space<vmem>>
      %get3A_301 = tpu.memref_squeeze %get3A_300 : memref<1x128x128xf32, #tpu.memory_space<vmem>> -> memref<128x128xf32, #tpu.memory_space<vmem>>
      %get3A_302 = arith.index_cast %scan3A_242 : i32 to index
      %get3A_303 = arith.constant 32 : index
      %get3A_304 = tpu.vector_load %get3A_301[%get3A_302, %get3A_303] {strides = array<i32>} : memref<128x128xf32, #tpu.memory_space<vmem>>, vector<16xf32>,
      %exp3A_305 = math.exp %get3A_304 : vector<16xf32>
      %get3A_306 = arith.constant 1 : i32
      %get3A_307 = arith.constant 0 : i32
      %get3A_308 = arith.constant 0 : i32
      %get3A_309 = tpu.memref_slice %arg7[%get3A_306, %get3A_307, %get3A_308] : memref<2x128x128xf32, #tpu.memory_space<vmem>> -> memref<1x128x128xf32, #tpu.memory_space<vmem>>
      %get3A_310 = tpu.memref_squeeze %get3A_309 : memref<1x128x128xf32, #tpu.memory_space<vmem>> -> memref<128x128xf32, #tpu.memory_space<vmem>>
      %get3A_311 = arith.index_cast %scan3A_242 : i32 to index
      %get3A_312 = arith.constant 32 : index
      %get3A_313 = tpu.vector_load %get3A_310[%get3A_311, %get3A_312] {strides = array<i32>} : memref<128x128xf32, #tpu.memory_space<vmem>>, vector<16xf32>,
      %mul3A_314 = arith.mulf %get3A_313, %get3A_313 : vector<16xf32>
      %add3A_315 = arith.addf %add3A_291, %mul3A_314 : vector<16xf32>
      %mul3A_316 = arith.mulf %get3A_313, %exp3A_305 : vector<16xf32>
      %add3A_317 = arith.addf %add3A_293, %mul3A_316 : vector<16xf32>
      %mul3A_318 = arith.mulf %exp3A_305, %exp3A_305 : vector<16xf32>
      %add3A_319 = arith.addf %add3A_295, %mul3A_318 : vector<16xf32>
      %add3A_320 = arith.addf %add3A_296, %exp3A_305 : vector<16xf32>
      %get3A_321 = arith.constant 1 : i32
      %get3A_322 = arith.constant 0 : i32
      %get3A_323 = arith.constant 0 : i32
      %get3A_324 = tpu.memref_slice %arg8[%get3A_321, %get3A_322, %get3A_323] : memref<2x128x128xf32, #tpu.memory_space<vmem>> -> memref<1x128x128xf32, #tpu.memory_space<vmem>>
      %get3A_325 = tpu.memref_squeeze %get3A_324 : memref<1x128x128xf32, #tpu.memory_space<vmem>> -> memref<128x128xf32, #tpu.memory_space<vmem>>
      %get3A_326 = arith.index_cast %scan3A_242 : i32 to index
      %get3A_327 = arith.constant 48 : index
      %get3A_328 = tpu.vector_load %get3A_325[%get3A_326, %get3A_327] {strides = array<i32>} : memref<128x128xf32, #tpu.memory_space<vmem>>, vector<16xf32>,
      %exp3A_329 = math.exp %get3A_328 : vector<16xf32>
      %get3A_330 = arith.constant 1 : i32
      %get3A_331 = arith.constant 0 : i32
      %get3A_332 = arith.constant 0 : i32
      %get3A_333 = tpu.memref_slice %arg7[%get3A_330, %get3A_331, %get3A_332] : memref<2x128x128xf32, #tpu.memory_space<vmem>> -> memref<1x128x128xf32, #tpu.memory_space<vmem>>
      %get3A_334 = tpu.memref_squeeze %get3A_333 : memref<1x128x128xf32, #tpu.memory_space<vmem>> -> memref<128x128xf32, #tpu.memory_space<vmem>>
      %get3A_335 = arith.index_cast %scan3A_242 : i32 to index
      %get3A_336 = arith.constant 48 : index
      %get3A_337 = tpu.vector_load %get3A_334[%get3A_335, %get3A_336] {strides = array<i32>} : memref<128x128xf32, #tpu.memory_space<vmem>>, vector<16xf32>,
      %mul3A_338 = arith.mulf %get3A_337, %get3A_337 : vector<16xf32>
      %add3A_339 = arith.addf %add3A_315, %mul3A_338 : vector<16xf32>
      %mul3A_340 = arith.mulf %get3A_337, %exp3A_329 : vector<16xf32>
      %add3A_341 = arith.addf %add3A_317, %mul3A_340 : vector<16xf32>
      %mul3A_342 = arith.mulf %exp3A_329, %exp3A_329 : vector<16xf32>
      %add3A_343 = arith.addf %add3A_319, %mul3A_342 : vector<16xf32>
      %add3A_344 = arith.addf %add3A_320, %exp3A_329 : vector<16xf32>
      %get3A_345 = arith.constant 1 : i32
      %get3A_346 = arith.constant 0 : i32
      %get3A_347 = arith.constant 0 : i32
      %get3A_348 = tpu.memref_slice %arg8[%get3A_345, %get3A_346, %get3A_347] : memref<2x128x128xf32, #tpu.memory_space<vmem>> -> memref<1x128x128xf32, #tpu.memory_space<vmem>>
      %get3A_349 = tpu.memref_squeeze %get3A_348 : memref<1x128x128xf32, #tpu.memory_space<vmem>> -> memref<128x128xf32, #tpu.memory_space<vmem>>
      %get3A_350 = arith.index_cast %scan3A_242 : i32 to index
      %get3A_351 = arith.constant 64 : index
      %get3A_352 = tpu.vector_load %get3A_349[%get3A_350, %get3A_351] {strides = array<i32>} : memref<128x128xf32, #tpu.memory_space<vmem>>, vector<16xf32>,
      %exp3A_353 = math.exp %get3A_352 : vector<16xf32>
      %get3A_354 = arith.constant 1 : i32
      %get3A_355 = arith.constant 0 : i32
      %get3A_356 = arith.constant 0 : i32
      %get3A_357 = tpu.memref_slice %arg7[%get3A_354, %get3A_355, %get3A_356] : memref<2x128x128xf32, #tpu.memory_space<vmem>> -> memref<1x128x128xf32, #tpu.memory_space<vmem>>
      %get3A_358 = tpu.memref_squeeze %get3A_357 : memref<1x128x128xf32, #tpu.memory_space<vmem>> -> memref<128x128xf32, #tpu.memory_space<vmem>>
      %get3A_359 = arith.index_cast %scan3A_242 : i32 to index
      %get3A_360 = arith.constant 64 : index
      %get3A_361 = tpu.vector_load %get3A_358[%get3A_359, %get3A_360] {strides = array<i32>} : memref<128x128xf32, #tpu.memory_space<vmem>>, vector<16xf32>,
      %mul3A_362 = arith.mulf %get3A_361, %get3A_361 : vector<16xf32>
      %add3A_363 = arith.addf %add3A_339, %mul3A_362 : vector<16xf32>
      %mul3A_364 = arith.mulf %get3A_361, %exp3A_353 : vector<16xf32>
      %add3A_365 = arith.addf %add3A_341, %mul3A_364 : vector<16xf32>
      %mul3A_366 = arith.mulf %exp3A_353, %exp3A_353 : vector<16xf32>
      %add3A_367 = arith.addf %add3A_343, %mul3A_366 : vector<16xf32>
      %add3A_368 = arith.addf %add3A_344, %exp3A_353 : vector<16xf32>
      %get3A_369 = arith.constant 1 : i32
      %get3A_370 = arith.constant 0 : i32
      %get3A_371 = arith.constant 0 : i32
      %get3A_372 = tpu.memref_slice %arg8[%get3A_369, %get3A_370, %get3A_371] : memref<2x128x128xf32, #tpu.memory_space<vmem>> -> memref<1x128x128xf32, #tpu.memory_space<vmem>>
      %get3A_373 = tpu.memref_squeeze %get3A_372 : memref<1x128x128xf32, #tpu.memory_space<vmem>> -> memref<128x128xf32, #tpu.memory_space<vmem>>
      %get3A_374 = arith.index_cast %scan3A_242 : i32 to index
      %get3A_375 = arith.constant 80 : index
      %get3A_376 = tpu.vector_load %get3A_373[%get3A_374, %get3A_375] {strides = array<i32>} : memref<128x128xf32, #tpu.memory_space<vmem>>, vector<16xf32>,
      %exp3A_377 = math.exp %get3A_376 : vector<16xf32>
      %get3A_378 = arith.constant 1 : i32
      %get3A_379 = arith.constant 0 : i32
      %get3A_380 = arith.constant 0 : i32
      %get3A_381 = tpu.memref_slice %arg7[%get3A_378, %get3A_379, %get3A_380] : memref<2x128x128xf32, #tpu.memory_space<vmem>> -> memref<1x128x128xf32, #tpu.memory_space<vmem>>
      %get3A_382 = tpu.memref_squeeze %get3A_381 : memref<1x128x128xf32, #tpu.memory_space<vmem>> -> memref<128x128xf32, #tpu.memory_space<vmem>>
      %get3A_383 = arith.index_cast %scan3A_242 : i32 to index
      %get3A_384 = arith.constant 80 : index
      %get3A_385 = tpu.vector_load %get3A_382[%get3A_383, %get3A_384] {strides = array<i32>} : memref<128x128xf32, #tpu.memory_space<vmem>>, vector<16xf32>,
      %mul3A_386 = arith.mulf %get3A_385, %get3A_385 : vector<16xf32>
      %add3A_387 = arith.addf %add3A_363, %mul3A_386 : vector<16xf32>
      %mul3A_388 = arith.mulf %get3A_385, %exp3A_377 : vector<16xf32>
      %add3A_389 = arith.addf %add3A_365, %mul3A_388 : vector<16xf32>
      %mul3A_390 = arith.mulf %exp3A_377, %exp3A_377 : vector<16xf32>
      %add3A_391 = arith.addf %add3A_367, %mul3A_390 : vector<16xf32>
      %add3A_392 = arith.addf %add3A_368, %exp3A_377 : vector<16xf32>
      %get3A_393 = arith.constant 1 : i32
      %get3A_394 = arith.constant 0 : i32
      %get3A_395 = arith.constant 0 : i32
      %get3A_396 = tpu.memref_slice %arg8[%get3A_393, %get3A_394, %get3A_395] : memref<2x128x128xf32, #tpu.memory_space<vmem>> -> memref<1x128x128xf32, #tpu.memory_space<vmem>>
      %get3A_397 = tpu.memref_squeeze %get3A_396 : memref<1x128x128xf32, #tpu.memory_space<vmem>> -> memref<128x128xf32, #tpu.memory_space<vmem>>
      %get3A_398 = arith.index_cast %scan3A_242 : i32 to index
      %get3A_399 = arith.constant 96 : index
      %get3A_400 = tpu.vector_load %get3A_397[%get3A_398, %get3A_399] {strides = array<i32>} : memref<128x128xf32, #tpu.memory_space<vmem>>, vector<16xf32>,
      %exp3A_401 = math.exp %get3A_400 : vector<16xf32>
      %get3A_402 = arith.constant 1 : i32
      %get3A_403 = arith.constant 0 : i32
      %get3A_404 = arith.constant 0 : i32
      %get3A_405 = tpu.memref_slice %arg7[%get3A_402, %get3A_403, %get3A_404] : memref<2x128x128xf32, #tpu.memory_space<vmem>> -> memref<1x128x128xf32, #tpu.memory_space<vmem>>
      %get3A_406 = tpu.memref_squeeze %get3A_405 : memref<1x128x128xf32, #tpu.memory_space<vmem>> -> memref<128x128xf32, #tpu.memory_space<vmem>>
      %get3A_407 = arith.index_cast %scan3A_242 : i32 to index
      %get3A_408 = arith.constant 96 : index
      %get3A_409 = tpu.vector_load %get3A_406[%get3A_407, %get3A_408] {strides = array<i32>} : memref<128x128xf32, #tpu.memory_space<vmem>>, vector<16xf32>,
      %mul3A_410 = arith.mulf %get3A_409, %get3A_409 : vector<16xf32>
      %add3A_411 = arith.addf %add3A_387, %mul3A_410 : vector<16xf32>
      %mul3A_412 = arith.mulf %get3A_409, %exp3A_401 : vector<16xf32>
      %add3A_413 = arith.addf %add3A_389, %mul3A_412 : vector<16xf32>
      %mul3A_414 = arith.mulf %exp3A_401, %exp3A_401 : vector<16xf32>
      %add3A_415 = arith.addf %add3A_391, %mul3A_414 : vector<16xf32>
      %add3A_416 = arith.addf %add3A_392, %exp3A_401 : vector<16xf32>
      %get3A_417 = arith.constant 1 : i32
      %get3A_418 = arith.constant 0 : i32
      %get3A_419 = arith.constant 0 : i32
      %get3A_420 = tpu.memref_slice %arg8[%get3A_417, %get3A_418, %get3A_419] : memref<2x128x128xf32, #tpu.memory_space<vmem>> -> memref<1x128x128xf32, #tpu.memory_space<vmem>>
      %get3A_421 = tpu.memref_squeeze %get3A_420 : memref<1x128x128xf32, #tpu.memory_space<vmem>> -> memref<128x128xf32, #tpu.memory_space<vmem>>
      %get3A_422 = arith.index_cast %scan3A_242 : i32 to index
      %get3A_423 = arith.constant 112 : index
      %get3A_424 = tpu.vector_load %get3A_421[%get3A_422, %get3A_423] {strides = array<i32>} : memref<128x128xf32, #tpu.memory_space<vmem>>, vector<16xf32>,
      %exp3A_425 = math.exp %get3A_424 : vector<16xf32>
      %get3A_426 = arith.constant 1 : i32
      %get3A_427 = arith.constant 0 : i32
      %get3A_428 = arith.constant 0 : i32
      %get3A_429 = tpu.memref_slice %arg7[%get3A_426, %get3A_427, %get3A_428] : memref<2x128x128xf32, #tpu.memory_space<vmem>> -> memref<1x128x128xf32, #tpu.memory_space<vmem>>
      %get3A_430 = tpu.memref_squeeze %get3A_429 : memref<1x128x128xf32, #tpu.memory_space<vmem>> -> memref<128x128xf32, #tpu.memory_space<vmem>>
      %get3A_431 = arith.index_cast %scan3A_242 : i32 to index
      %get3A_432 = arith.constant 112 : index
      %get3A_433 = tpu.vector_load %get3A_430[%get3A_431, %get3A_432] {strides = array<i32>} : memref<128x128xf32, #tpu.memory_space<vmem>>, vector<16xf32>,
      %mul3A_434 = arith.mulf %get3A_433, %get3A_433 : vector<16xf32>
      %add3A_435 = arith.addf %add3A_411, %mul3A_434 : vector<16xf32>
      %mul3A_436 = arith.mulf %get3A_433, %exp3A_425 : vector<16xf32>
      %add3A_437 = arith.addf %add3A_413, %mul3A_436 : vector<16xf32>
      %mul3A_438 = arith.mulf %exp3A_425, %exp3A_425 : vector<16xf32>
      %add3A_439 = arith.addf %add3A_415, %mul3A_438 : vector<16xf32>
      %add3A_440 = arith.addf %add3A_416, %exp3A_425 : vector<16xf32>
      %reduce_sum3A = arith.constant true
      %reduce_sum3A_441 = vector.broadcast %reduce_sum3A : i1 to vector<16xi1>
      %reduce_sum3A_442 = tpu.scan <sum>, %add3A_440 masked %reduce_sum3A_441 : vector<16xf32>, vector<16xi1> -> vector<16xf32>
      %reduce_sum3A_443 = vector.extract %reduce_sum3A_442[15] : f32 from vector<16xf32>
      %broadcast_in_dim3A_444 = vector.broadcast %reduce_sum3A_443 : f32 to vector<16xf32>
      %add3A_445 = arith.addf %broadcast_in_dim3A_444, %broadcast_in_dim3A_444 : vector<16xf32>
      %mul3A_446 = arith.mulf %add3A_445, %add3A_437 : vector<16xf32>
      %sub3A = arith.subf %add3A_439, %mul3A_446 : vector<16xf32>
      %mul3A_447 = arith.mulf %broadcast_in_dim3A_444, %broadcast_in_dim3A_444 : vector<16xf32>
      %div3A = arith.divf %sub3A, %mul3A_447 : vector<16xf32>
      %add3A_448 = arith.addf %scan3A_244, %div3A : vector<16xf32>
      %scan3A_449 = arith.constant 1 : i32
      %scan3A_450 = arith.addi %scan3A_242, %scan3A_449 : i32
      %broadcast_in_dim3A_451 = arith.constant 0.000000e+00 : f32
      %broadcast_in_dim3A_452 = vector.broadcast %broadcast_in_dim3A_451 : f32 to vector<16xf32>
      %broadcast_in_dim3A_453 = arith.constant 0.000000e+00 : f32
      %broadcast_in_dim3A_454 = vector.broadcast %broadcast_in_dim3A_453 : f32 to vector<16xf32>
      %broadcast_in_dim3A_455 = arith.constant 0.000000e+00 : f32
      %broadcast_in_dim3A_456 = vector.broadcast %broadcast_in_dim3A_455 : f32 to vector<16xf32>
      %get3A_457 = arith.constant 1 : i32
      %get3A_458 = arith.constant 0 : i32
      %get3A_459 = arith.constant 0 : i32
      %get3A_460 = tpu.memref_slice %arg8[%get3A_457, %get3A_458, %get3A_459] : memref<2x128x128xf32, #tpu.memory_space<vmem>> -> memref<1x128x128xf32, #tpu.memory_space<vmem>>
      %get3A_461 = tpu.memref_squeeze %get3A_460 : memref<1x128x128xf32, #tpu.memory_space<vmem>> -> memref<128x128xf32, #tpu.memory_space<vmem>>
      %get3A_462 = arith.index_cast %scan3A_450 : i32 to index
      %get3A_463 = arith.constant 0 : index
      %get3A_464 = tpu.vector_load %get3A_461[%get3A_462, %get3A_463] {strides = array<i32>} : memref<128x128xf32, #tpu.memory_space<vmem>>, vector<16xf32>,
      %exp3A_465 = math.exp %get3A_464 : vector<16xf32>
      %get3A_466 = arith.constant 1 : i32
      %get3A_467 = arith.constant 0 : i32
      %get3A_468 = arith.constant 0 : i32
      %get3A_469 = tpu.memref_slice %arg7[%get3A_466, %get3A_467, %get3A_468] : memref<2x128x128xf32, #tpu.memory_space<vmem>> -> memref<1x128x128xf32, #tpu.memory_space<vmem>>
      %get3A_470 = tpu.memref_squeeze %get3A_469 : memref<1x128x128xf32, #tpu.memory_space<vmem>> -> memref<128x128xf32, #tpu.memory_space<vmem>>
      %get3A_471 = arith.index_cast %scan3A_450 : i32 to index
      %get3A_472 = arith.constant 0 : index
      %get3A_473 = tpu.vector_load %get3A_470[%get3A_471, %get3A_472] {strides = array<i32>} : memref<128x128xf32, #tpu.memory_space<vmem>>, vector<16xf32>,
      %mul3A_474 = arith.mulf %get3A_473, %get3A_473 : vector<16xf32>
      %add3A_475 = arith.addf %add3A_435, %mul3A_474 : vector<16xf32>
      %mul3A_476 = arith.mulf %get3A_473, %exp3A_465 : vector<16xf32>
      %add3A_477 = arith.addf %broadcast_in_dim3A_452, %mul3A_476 : vector<16xf32>
      %mul3A_478 = arith.mulf %exp3A_465, %exp3A_465 : vector<16xf32>
      %add3A_479 = arith.addf %broadcast_in_dim3A_454, %mul3A_478 : vector<16xf32>
      %add3A_480 = arith.addf %broadcast_in_dim3A_456, %exp3A_465 : vector<16xf32>
      %get3A_481 = arith.constant 1 : i32
      %get3A_482 = arith.constant 0 : i32
      %get3A_483 = arith.constant 0 : i32
      %get3A_484 = tpu.memref_slice %arg8[%get3A_481, %get3A_482, %get3A_483] : memref<2x128x128xf32, #tpu.memory_space<vmem>> -> memref<1x128x128xf32, #tpu.memory_space<vmem>>
      %get3A_485 = tpu.memref_squeeze %get3A_484 : memref<1x128x128xf32, #tpu.memory_space<vmem>> -> memref<128x128xf32, #tpu.memory_space<vmem>>
      %get3A_486 = arith.index_cast %scan3A_450 : i32 to index
      %get3A_487 = arith.constant 16 : index
      %get3A_488 = tpu.vector_load %get3A_485[%get3A_486, %get3A_487] {strides = array<i32>} : memref<128x128xf32, #tpu.memory_space<vmem>>, vector<16xf32>,
      %exp3A_489 = math.exp %get3A_488 : vector<16xf32>
      %get3A_490 = arith.constant 1 : i32
      %get3A_491 = arith.constant 0 : i32
      %get3A_492 = arith.constant 0 : i32
      %get3A_493 = tpu.memref_slice %arg7[%get3A_490, %get3A_491, %get3A_492] : memref<2x128x128xf32, #tpu.memory_space<vmem>> -> memref<1x128x128xf32, #tpu.memory_space<vmem>>
      %get3A_494 = tpu.memref_squeeze %get3A_493 : memref<1x128x128xf32, #tpu.memory_space<vmem>> -> memref<128x128xf32, #tpu.memory_space<vmem>>
      %get3A_495 = arith.index_cast %scan3A_450 : i32 to index
      %get3A_496 = arith.constant 16 : index
      %get3A_497 = tpu.vector_load %get3A_494[%get3A_495, %get3A_496] {strides = array<i32>} : memref<128x128xf32, #tpu.memory_space<vmem>>, vector<16xf32>,
      %mul3A_498 = arith.mulf %get3A_497, %get3A_497 : vector<16xf32>
      %add3A_499 = arith.addf %add3A_475, %mul3A_498 : vector<16xf32>
      %mul3A_500 = arith.mulf %get3A_497, %exp3A_489 : vector<16xf32>
      %add3A_501 = arith.addf %add3A_477, %mul3A_500 : vector<16xf32>
      %mul3A_502 = arith.mulf %exp3A_489, %exp3A_489 : vector<16xf32>
      %add3A_503 = arith.addf %add3A_479, %mul3A_502 : vector<16xf32>
      %add3A_504 = arith.addf %add3A_480, %exp3A_489 : vector<16xf32>
      %get3A_505 = arith.constant 1 : i32
      %get3A_506 = arith.constant 0 : i32
      %get3A_507 = arith.constant 0 : i32
      %get3A_508 = tpu.memref_slice %arg8[%get3A_505, %get3A_506, %get3A_507] : memref<2x128x128xf32, #tpu.memory_space<vmem>> -> memref<1x128x128xf32, #tpu.memory_space<vmem>>
      %get3A_509 = tpu.memref_squeeze %get3A_508 : memref<1x128x128xf32, #tpu.memory_space<vmem>> -> memref<128x128xf32, #tpu.memory_space<vmem>>
      %get3A_510 = arith.index_cast %scan3A_450 : i32 to index
      %get3A_511 = arith.constant 32 : index
      %get3A_512 = tpu.vector_load %get3A_509[%get3A_510, %get3A_511] {strides = array<i32>} : memref<128x128xf32, #tpu.memory_space<vmem>>, vector<16xf32>,
      %exp3A_513 = math.exp %get3A_512 : vector<16xf32>
      %get3A_514 = arith.constant 1 : i32
      %get3A_515 = arith.constant 0 : i32
      %get3A_516 = arith.constant 0 : i32
      %get3A_517 = tpu.memref_slice %arg7[%get3A_514, %get3A_515, %get3A_516] : memref<2x128x128xf32, #tpu.memory_space<vmem>> -> memref<1x128x128xf32, #tpu.memory_space<vmem>>
      %get3A_518 = tpu.memref_squeeze %get3A_517 : memref<1x128x128xf32, #tpu.memory_space<vmem>> -> memref<128x128xf32, #tpu.memory_space<vmem>>
      %get3A_519 = arith.index_cast %scan3A_450 : i32 to index
      %get3A_520 = arith.constant 32 : index
      %get3A_521 = tpu.vector_load %get3A_518[%get3A_519, %get3A_520] {strides = array<i32>} : memref<128x128xf32, #tpu.memory_space<vmem>>, vector<16xf32>,
      %mul3A_522 = arith.mulf %get3A_521, %get3A_521 : vector<16xf32>
      %add3A_523 = arith.addf %add3A_499, %mul3A_522 : vector<16xf32>
      %mul3A_524 = arith.mulf %get3A_521, %exp3A_513 : vector<16xf32>
      %add3A_525 = arith.addf %add3A_501, %mul3A_524 : vector<16xf32>
      %mul3A_526 = arith.mulf %exp3A_513, %exp3A_513 : vector<16xf32>
      %add3A_527 = arith.addf %add3A_503, %mul3A_526 : vector<16xf32>
      %add3A_528 = arith.addf %add3A_504, %exp3A_513 : vector<16xf32>
      %get3A_529 = arith.constant 1 : i32
      %get3A_530 = arith.constant 0 : i32
      %get3A_531 = arith.constant 0 : i32
      %get3A_532 = tpu.memref_slice %arg8[%get3A_529, %get3A_530, %get3A_531] : memref<2x128x128xf32, #tpu.memory_space<vmem>> -> memref<1x128x128xf32, #tpu.memory_space<vmem>>
      %get3A_533 = tpu.memref_squeeze %get3A_532 : memref<1x128x128xf32, #tpu.memory_space<vmem>> -> memref<128x128xf32, #tpu.memory_space<vmem>>
      %get3A_534 = arith.index_cast %scan3A_450 : i32 to index
      %get3A_535 = arith.constant 48 : index
      %get3A_536 = tpu.vector_load %get3A_533[%get3A_534, %get3A_535] {strides = array<i32>} : memref<128x128xf32, #tpu.memory_space<vmem>>, vector<16xf32>,
      %exp3A_537 = math.exp %get3A_536 : vector<16xf32>
      %get3A_538 = arith.constant 1 : i32
      %get3A_539 = arith.constant 0 : i32
      %get3A_540 = arith.constant 0 : i32
      %get3A_541 = tpu.memref_slice %arg7[%get3A_538, %get3A_539, %get3A_540] : memref<2x128x128xf32, #tpu.memory_space<vmem>> -> memref<1x128x128xf32, #tpu.memory_space<vmem>>
      %get3A_542 = tpu.memref_squeeze %get3A_541 : memref<1x128x128xf32, #tpu.memory_space<vmem>> -> memref<128x128xf32, #tpu.memory_space<vmem>>
      %get3A_543 = arith.index_cast %scan3A_450 : i32 to index
      %get3A_544 = arith.constant 48 : index
      %get3A_545 = tpu.vector_load %get3A_542[%get3A_543, %get3A_544] {strides = array<i32>} : memref<128x128xf32, #tpu.memory_space<vmem>>, vector<16xf32>,
      %mul3A_546 = arith.mulf %get3A_545, %get3A_545 : vector<16xf32>
      %add3A_547 = arith.addf %add3A_523, %mul3A_546 : vector<16xf32>
      %mul3A_548 = arith.mulf %get3A_545, %exp3A_537 : vector<16xf32>
      %add3A_549 = arith.addf %add3A_525, %mul3A_548 : vector<16xf32>
      %mul3A_550 = arith.mulf %exp3A_537, %exp3A_537 : vector<16xf32>
      %add3A_551 = arith.addf %add3A_527, %mul3A_550 : vector<16xf32>
      %add3A_552 = arith.addf %add3A_528, %exp3A_537 : vector<16xf32>
      %get3A_553 = arith.constant 1 : i32
      %get3A_554 = arith.constant 0 : i32
      %get3A_555 = arith.constant 0 : i32
      %get3A_556 = tpu.memref_slice %arg8[%get3A_553, %get3A_554, %get3A_555] : memref<2x128x128xf32, #tpu.memory_space<vmem>> -> memref<1x128x128xf32, #tpu.memory_space<vmem>>
      %get3A_557 = tpu.memref_squeeze %get3A_556 : memref<1x128x128xf32, #tpu.memory_space<vmem>> -> memref<128x128xf32, #tpu.memory_space<vmem>>
      %get3A_558 = arith.index_cast %scan3A_450 : i32 to index
      %get3A_559 = arith.constant 64 : index
      %get3A_560 = tpu.vector_load %get3A_557[%get3A_558, %get3A_559] {strides = array<i32>} : memref<128x128xf32, #tpu.memory_space<vmem>>, vector<16xf32>,
      %exp3A_561 = math.exp %get3A_560 : vector<16xf32>
      %get3A_562 = arith.constant 1 : i32
      %get3A_563 = arith.constant 0 : i32
      %get3A_564 = arith.constant 0 : i32
      %get3A_565 = tpu.memref_slice %arg7[%get3A_562, %get3A_563, %get3A_564] : memref<2x128x128xf32, #tpu.memory_space<vmem>> -> memref<1x128x128xf32, #tpu.memory_space<vmem>>
      %get3A_566 = tpu.memref_squeeze %get3A_565 : memref<1x128x128xf32, #tpu.memory_space<vmem>> -> memref<128x128xf32, #tpu.memory_space<vmem>>
      %get3A_567 = arith.index_cast %scan3A_450 : i32 to index
      %get3A_568 = arith.constant 64 : index
      %get3A_569 = tpu.vector_load %get3A_566[%get3A_567, %get3A_568] {strides = array<i32>} : memref<128x128xf32, #tpu.memory_space<vmem>>, vector<16xf32>,
      %mul3A_570 = arith.mulf %get3A_569, %get3A_569 : vector<16xf32>
      %add3A_571 = arith.addf %add3A_547, %mul3A_570 : vector<16xf32>
      %mul3A_572 = arith.mulf %get3A_569, %exp3A_561 : vector<16xf32>
      %add3A_573 = arith.addf %add3A_549, %mul3A_572 : vector<16xf32>
      %mul3A_574 = arith.mulf %exp3A_561, %exp3A_561 : vector<16xf32>
      %add3A_575 = arith.addf %add3A_551, %mul3A_574 : vector<16xf32>
      %add3A_576 = arith.addf %add3A_552, %exp3A_561 : vector<16xf32>
      %get3A_577 = arith.constant 1 : i32
      %get3A_578 = arith.constant 0 : i32
      %get3A_579 = arith.constant 0 : i32
      %get3A_580 = tpu.memref_slice %arg8[%get3A_577, %get3A_578, %get3A_579] : memref<2x128x128xf32, #tpu.memory_space<vmem>> -> memref<1x128x128xf32, #tpu.memory_space<vmem>>
      %get3A_581 = tpu.memref_squeeze %get3A_580 : memref<1x128x128xf32, #tpu.memory_space<vmem>> -> memref<128x128xf32, #tpu.memory_space<vmem>>
      %get3A_582 = arith.index_cast %scan3A_450 : i32 to index
      %get3A_583 = arith.constant 80 : index
      %get3A_584 = tpu.vector_load %get3A_581[%get3A_582, %get3A_583] {strides = array<i32>} : memref<128x128xf32, #tpu.memory_space<vmem>>, vector<16xf32>,
      %exp3A_585 = math.exp %get3A_584 : vector<16xf32>
      %get3A_586 = arith.constant 1 : i32
      %get3A_587 = arith.constant 0 : i32
      %get3A_588 = arith.constant 0 : i32
      %get3A_589 = tpu.memref_slice %arg7[%get3A_586, %get3A_587, %get3A_588] : memref<2x128x128xf32, #tpu.memory_space<vmem>> -> memref<1x128x128xf32, #tpu.memory_space<vmem>>
      %get3A_590 = tpu.memref_squeeze %get3A_589 : memref<1x128x128xf32, #tpu.memory_space<vmem>> -> memref<128x128xf32, #tpu.memory_space<vmem>>
      %get3A_591 = arith.index_cast %scan3A_450 : i32 to index
      %get3A_592 = arith.constant 80 : index
      %get3A_593 = tpu.vector_load %get3A_590[%get3A_591, %get3A_592] {strides = array<i32>} : memref<128x128xf32, #tpu.memory_space<vmem>>, vector<16xf32>,
      %mul3A_594 = arith.mulf %get3A_593, %get3A_593 : vector<16xf32>
      %add3A_595 = arith.addf %add3A_571, %mul3A_594 : vector<16xf32>
      %mul3A_596 = arith.mulf %get3A_593, %exp3A_585 : vector<16xf32>
      %add3A_597 = arith.addf %add3A_573, %mul3A_596 : vector<16xf32>
      %mul3A_598 = arith.mulf %exp3A_585, %exp3A_585 : vector<16xf32>
      %add3A_599 = arith.addf %add3A_575, %mul3A_598 : vector<16xf32>
      %add3A_600 = arith.addf %add3A_576, %exp3A_585 : vector<16xf32>
      %get3A_601 = arith.constant 1 : i32
      %get3A_602 = arith.constant 0 : i32
      %get3A_603 = arith.constant 0 : i32
      %get3A_604 = tpu.memref_slice %arg8[%get3A_601, %get3A_602, %get3A_603] : memref<2x128x128xf32, #tpu.memory_space<vmem>> -> memref<1x128x128xf32, #tpu.memory_space<vmem>>
      %get3A_605 = tpu.memref_squeeze %get3A_604 : memref<1x128x128xf32, #tpu.memory_space<vmem>> -> memref<128x128xf32, #tpu.memory_space<vmem>>
      %get3A_606 = arith.index_cast %scan3A_450 : i32 to index
      %get3A_607 = arith.constant 96 : index
      %get3A_608 = tpu.vector_load %get3A_605[%get3A_606, %get3A_607] {strides = array<i32>} : memref<128x128xf32, #tpu.memory_space<vmem>>, vector<16xf32>,
      %exp3A_609 = math.exp %get3A_608 : vector<16xf32>
      %get3A_610 = arith.constant 1 : i32
      %get3A_611 = arith.constant 0 : i32
      %get3A_612 = arith.constant 0 : i32
      %get3A_613 = tpu.memref_slice %arg7[%get3A_610, %get3A_611, %get3A_612] : memref<2x128x128xf32, #tpu.memory_space<vmem>> -> memref<1x128x128xf32, #tpu.memory_space<vmem>>
      %get3A_614 = tpu.memref_squeeze %get3A_613 : memref<1x128x128xf32, #tpu.memory_space<vmem>> -> memref<128x128xf32, #tpu.memory_space<vmem>>
      %get3A_615 = arith.index_cast %scan3A_450 : i32 to index
      %get3A_616 = arith.constant 96 : index
      %get3A_617 = tpu.vector_load %get3A_614[%get3A_615, %get3A_616] {strides = array<i32>} : memref<128x128xf32, #tpu.memory_space<vmem>>, vector<16xf32>,
      %mul3A_618 = arith.mulf %get3A_617, %get3A_617 : vector<16xf32>
      %add3A_619 = arith.addf %add3A_595, %mul3A_618 : vector<16xf32>
      %mul3A_620 = arith.mulf %get3A_617, %exp3A_609 : vector<16xf32>
      %add3A_621 = arith.addf %add3A_597, %mul3A_620 : vector<16xf32>
      %mul3A_622 = arith.mulf %exp3A_609, %exp3A_609 : vector<16xf32>
      %add3A_623 = arith.addf %add3A_599, %mul3A_622 : vector<16xf32>
      %add3A_624 = arith.addf %add3A_600, %exp3A_609 : vector<16xf32>
      %get3A_625 = arith.constant 1 : i32
      %get3A_626 = arith.constant 0 : i32
      %get3A_627 = arith.constant 0 : i32
      %get3A_628 = tpu.memref_slice %arg8[%get3A_625, %get3A_626, %get3A_627] : memref<2x128x128xf32, #tpu.memory_space<vmem>> -> memref<1x128x128xf32, #tpu.memory_space<vmem>>
      %get3A_629 = tpu.memref_squeeze %get3A_628 : memref<1x128x128xf32, #tpu.memory_space<vmem>> -> memref<128x128xf32, #tpu.memory_space<vmem>>
      %get3A_630 = arith.index_cast %scan3A_450 : i32 to index
      %get3A_631 = arith.constant 112 : index
      %get3A_632 = tpu.vector_load %get3A_629[%get3A_630, %get3A_631] {strides = array<i32>} : memref<128x128xf32, #tpu.memory_space<vmem>>, vector<16xf32>,
      %exp3A_633 = math.exp %get3A_632 : vector<16xf32>
      %get3A_634 = arith.constant 1 : i32
      %get3A_635 = arith.constant 0 : i32
      %get3A_636 = arith.constant 0 : i32
      %get3A_637 = tpu.memref_slice %arg7[%get3A_634, %get3A_635, %get3A_636] : memref<2x128x128xf32, #tpu.memory_space<vmem>> -> memref<1x128x128xf32, #tpu.memory_space<vmem>>
      %get3A_638 = tpu.memref_squeeze %get3A_637 : memref<1x128x128xf32, #tpu.memory_space<vmem>> -> memref<128x128xf32, #tpu.memory_space<vmem>>
      %get3A_639 = arith.index_cast %scan3A_450 : i32 to index
      %get3A_640 = arith.constant 112 : index
      %get3A_641 = tpu.vector_load %get3A_638[%get3A_639, %get3A_640] {strides = array<i32>} : memref<128x128xf32, #tpu.memory_space<vmem>>, vector<16xf32>,
      %mul3A_642 = arith.mulf %get3A_641, %get3A_641 : vector<16xf32>
      %add3A_643 = arith.addf %add3A_619, %mul3A_642 : vector<16xf32>
      %mul3A_644 = arith.mulf %get3A_641, %exp3A_633 : vector<16xf32>
      %add3A_645 = arith.addf %add3A_621, %mul3A_644 : vector<16xf32>
      %mul3A_646 = arith.mulf %exp3A_633, %exp3A_633 : vector<16xf32>
      %add3A_647 = arith.addf %add3A_623, %mul3A_646 : vector<16xf32>
      %add3A_648 = arith.addf %add3A_624, %exp3A_633 : vector<16xf32>
      %reduce_sum3A_649 = arith.constant true
      %reduce_sum3A_650 = vector.broadcast %reduce_sum3A_649 : i1 to vector<16xi1>
      %reduce_sum3A_651 = tpu.scan <sum>, %add3A_648 masked %reduce_sum3A_650 : vector<16xf32>, vector<16xi1> -> vector<16xf32>
      %reduce_sum3A_652 = vector.extract %reduce_sum3A_651[15] : f32 from vector<16xf32>
      %broadcast_in_dim3A_653 = vector.broadcast %reduce_sum3A_652 : f32 to vector<16xf32>
      %add3A_654 = arith.addf %broadcast_in_dim3A_653, %broadcast_in_dim3A_653 : vector<16xf32>
      %mul3A_655 = arith.mulf %add3A_654, %add3A_645 : vector<16xf32>
      %sub3A_656 = arith.subf %add3A_647, %mul3A_655 : vector<16xf32>
      %mul3A_657 = arith.mulf %broadcast_in_dim3A_653, %broadcast_in_dim3A_653 : vector<16xf32>
      %div3A_658 = arith.divf %sub3A_656, %mul3A_657 : vector<16xf32>
      %add3A_659 = arith.addf %add3A_448, %div3A_658 : vector<16xf32>
      scf.yield %add3A_643, %add3A_659 : vector<16xf32>, vector<16xf32>
    }
    %scan3A_147 = arith.constant 128 : i32
    %dma_wait3A_148 = arith.constant 0 : i32
    %dma_wait3A_149 = arith.constant 0 : i32
    %dma_wait3A_150 = arith.constant 0 : i32
    %dma_wait3A_151 = arith.constant 0 : i32
    %dma_wait3A_152 = tpu.memref_slice %arg7[%dma_wait3A_149, %dma_wait3A_150, %dma_wait3A_151] : memref<2x128x128xf32, #tpu.memory_space<vmem>> -> memref<1x128x128xf32, #tpu.memory_space<vmem>>
    %dma_wait3A_153 = tpu.memref_squeeze %dma_wait3A_152 : memref<1x128x128xf32, #tpu.memory_space<vmem>> -> memref<128x128xf32, #tpu.memory_space<vmem>>
    %dma_wait3A_154 = arith.constant 0 : i32
    %dma_wait3A_155 = tpu.memref_slice %arg6[%dma_wait3A_148, %dma_wait3A_154] : memref<2x128xi32, #tpu.memory_space<vmem>> -> memref<1x128xi32, #tpu.memory_space<vmem>>
    %dma_wait3A_156 = tpu.memref_squeeze %dma_wait3A_155 : memref<1x128xi32, #tpu.memory_space<vmem>> -> memref<128xi32, #tpu.memory_space<vmem>>
    %dma_wait3A_157 = arith.constant 0 : i32
    %dma_wait3A_158 = arith.constant 0 : i32
    %dma_wait3A_159 = tpu.memref_slice %arg4[%dma_wait3A_157, %dma_wait3A_158] : memref<1000000x128xf32, #tpu.memory_space<hbm>> -> memref<1000000x128xf32, #tpu.memory_space<hbm>>
    tpu.wait_indirect_dma semaphore(%arg10 : memref<!tpu.dma_semaphore, #tpu.memory_space<semaphore_mem>>) src(%dma_wait3A_159 : memref<1000000x128xf32, #tpu.memory_space<hbm>>) dst(%dma_wait3A_153 : memref<128x128xf32, #tpu.memory_space<vmem>>)
    %dma_wait3A_160 = arith.constant 0 : i32
    %dma_wait3A_161 = arith.constant 0 : i32
    %dma_wait3A_162 = arith.constant 0 : i32
    %dma_wait3A_163 = tpu.memref_slice %arg8[%dma_wait3A_160, %dma_wait3A_161, %dma_wait3A_162] : memref<2x128x128xf32, #tpu.memory_space<vmem>> -> memref<1x128x128xf32, #tpu.memory_space<vmem>>
    %dma_wait3A_164 = tpu.memref_squeeze %dma_wait3A_163 : memref<1x128x128xf32, #tpu.memory_space<vmem>> -> memref<128x128xf32, #tpu.memory_space<vmem>>
    %dma_wait3A_165 = arith.constant 0 : i32
    %dma_wait3A_166 = tpu.memref_slice %arg3[%add3A_115, %dma_wait3A_165] : memref<16384x128xf32, #tpu.memory_space<hbm>> -> memref<128x128xf32, #tpu.memory_space<hbm>>
    %dma_wait3A_167 = arith.constant 0 : i32
    %dma_wait3A_168 = arith.constant 0 : i32
    %dma_wait3A_169 = tpu.memref_slice %arg8[%dma_wait3A_160, %dma_wait3A_167, %dma_wait3A_168] : memref<2x128x128xf32, #tpu.memory_space<vmem>> -> memref<1x128x128xf32, #tpu.memory_space<vmem>>
    %dma_wait3A_170 = tpu.memref_squeeze %dma_wait3A_169 : memref<1x128x128xf32, #tpu.memory_space<vmem>> -> memref<128x128xf32, #tpu.memory_space<vmem>>
    %dma_wait3A_171 = arith.constant 0 : i32
    %dma_wait3A_172 = tpu.memref_slice %arg3[%add3A_115, %dma_wait3A_171] : memref<16384x128xf32, #tpu.memory_space<hbm>> -> memref<128x128xf32, #tpu.memory_space<hbm>>
    tpu.wait_dma2 semaphore(%arg12 : memref<!tpu.dma_semaphore, #tpu.memory_space<semaphore_mem>>) src(%dma_wait3A_172 : memref<128x128xf32, #tpu.memory_space<hbm>>) dst(%dma_wait3A_170 : memref<128x128xf32, #tpu.memory_space<vmem>>)
    %add3A_173 = arith.constant 384 : i32
    %add3A_174 = arith.addi %mul3A_2, %add3A_173 : i32
    %run_scoped3A_175 = arith.constant 1 : i32
    "tpu.region"() ({
      %run_scoped3A_242 = tpu.sem_alloc : memref<!tpu.dma_semaphore, #tpu.memory_space<semaphore_mem>>
      %dma_start3A_243 = arith.constant 0 : i32
      %dma_start3A_244 = tpu.memref_slice %arg6[%run_scoped3A_175, %dma_start3A_243] : memref<2x128xi32, #tpu.memory_space<vmem>> -> memref<1x128xi32, #tpu.memory_space<vmem>>
      %dma_start3A_245 = tpu.memref_squeeze %dma_start3A_244 : memref<1x128xi32, #tpu.memory_space<vmem>> -> memref<128xi32, #tpu.memory_space<vmem>>
      %dma_start3A_246 = tpu.memref_slice %arg2[%add3A_174] : memref<16384xi32, #tpu.memory_space<hbm>> -> memref<128xi32, #tpu.memory_space<hbm>>
      %dma_start3A_247 = arith.constant 0 : i32
      %dma_start3A_248 = tpu.memref_slice %arg6[%run_scoped3A_175, %dma_start3A_247] : memref<2x128xi32, #tpu.memory_space<vmem>> -> memref<1x128xi32, #tpu.memory_space<vmem>>
      %dma_start3A_249 = tpu.memref_squeeze %dma_start3A_248 : memref<1x128xi32, #tpu.memory_space<vmem>> -> memref<128xi32, #tpu.memory_space<vmem>>
      %dma_start3A_250 = tpu.memref_slice %arg2[%add3A_174] : memref<16384xi32, #tpu.memory_space<hbm>> -> memref<128xi32, #tpu.memory_space<hbm>>
      tpu.enqueue_dma source(%dma_start3A_250 : memref<128xi32, #tpu.memory_space<hbm>>) target(%dma_start3A_249 : memref<128xi32, #tpu.memory_space<vmem>>) target_semaphore(%run_scoped3A_242 : memref<!tpu.dma_semaphore, #tpu.memory_space<semaphore_mem>>)
      %dma_wait3A_251 = arith.constant 0 : i32
      %dma_wait3A_252 = tpu.memref_slice %arg6[%run_scoped3A_175, %dma_wait3A_251] : memref<2x128xi32, #tpu.memory_space<vmem>> -> memref<1x128xi32, #tpu.memory_space<vmem>>
      %dma_wait3A_253 = tpu.memref_squeeze %dma_wait3A_252 : memref<1x128xi32, #tpu.memory_space<vmem>> -> memref<128xi32, #tpu.memory_space<vmem>>
      %dma_wait3A_254 = tpu.memref_slice %arg2[%add3A_174] : memref<16384xi32, #tpu.memory_space<hbm>> -> memref<128xi32, #tpu.memory_space<hbm>>
      %dma_wait3A_255 = arith.constant 0 : i32
      %dma_wait3A_256 = tpu.memref_slice %arg6[%run_scoped3A_175, %dma_wait3A_255] : memref<2x128xi32, #tpu.memory_space<vmem>> -> memref<1x128xi32, #tpu.memory_space<vmem>>
      %dma_wait3A_257 = tpu.memref_squeeze %dma_wait3A_256 : memref<1x128xi32, #tpu.memory_space<vmem>> -> memref<128xi32, #tpu.memory_space<vmem>>
      %dma_wait3A_258 = tpu.memref_slice %arg2[%add3A_174] : memref<16384xi32, #tpu.memory_space<hbm>> -> memref<128xi32, #tpu.memory_space<hbm>>
      tpu.wait_dma2 semaphore(%run_scoped3A_242 : memref<!tpu.dma_semaphore, #tpu.memory_space<semaphore_mem>>) src(%dma_wait3A_258 : memref<128xi32, #tpu.memory_space<hbm>>) dst(%dma_wait3A_257 : memref<128xi32, #tpu.memory_space<vmem>>)
      tpu.yield
    }) : () -> ()
    %dma_start3A_176 = arith.constant 1 : i32
    %dma_start3A_177 = arith.constant 1 : i32
    %dma_start3A_178 = arith.constant 0 : i32
    %dma_start3A_179 = arith.constant 0 : i32
    %dma_start3A_180 = tpu.memref_slice %arg7[%dma_start3A_177, %dma_start3A_178, %dma_start3A_179] : memref<2x128x128xf32, #tpu.memory_space<vmem>> -> memref<1x128x128xf32, #tpu.memory_space<vmem>>
    %dma_start3A_181 = tpu.memref_squeeze %dma_start3A_180 : memref<1x128x128xf32, #tpu.memory_space<vmem>> -> memref<128x128xf32, #tpu.memory_space<vmem>>
    %dma_start3A_182 = arith.constant 0 : i32
    %dma_start3A_183 = tpu.memref_slice %arg6[%dma_start3A_176, %dma_start3A_182] : memref<2x128xi32, #tpu.memory_space<vmem>> -> memref<1x128xi32, #tpu.memory_space<vmem>>
    %dma_start3A_184 = tpu.memref_squeeze %dma_start3A_183 : memref<1x128xi32, #tpu.memory_space<vmem>> -> memref<128xi32, #tpu.memory_space<vmem>>
    %dma_start3A_185 = arith.constant 0 : i32
    %dma_start3A_186 = arith.constant 0 : i32
    %dma_start3A_187 = tpu.memref_slice %arg4[%dma_start3A_185, %dma_start3A_186] : memref<1000000x128xf32, #tpu.memory_space<hbm>> -> memref<1000000x128xf32, #tpu.memory_space<hbm>>
    tpu.enqueue_indirect_dma source(%dma_start3A_187 : memref<1000000x128xf32, #tpu.memory_space<hbm>>) target(%dma_start3A_181 : memref<128x128xf32, #tpu.memory_space<vmem>>) offsets(%dma_start3A_184 : memref<128xi32, #tpu.memory_space<vmem>>) semaphore(%arg11 : memref<!tpu.dma_semaphore, #tpu.memory_space<semaphore_mem>>)
    %dma_start3A_188 = arith.constant 1 : i32
    %dma_start3A_189 = arith.constant 0 : i32
    %dma_start3A_190 = arith.constant 0 : i32
    %dma_start3A_191 = tpu.memref_slice %arg8[%dma_start3A_188, %dma_start3A_189, %dma_start3A_190] : memref<2x128x128xf32, #tpu.memory_space<vmem>> -> memref<1x128x128xf32, #tpu.memory_space<vmem>>
    %dma_start3A_192 = tpu.memref_squeeze %dma_start3A_191 : memref<1x128x128xf32, #tpu.memory_space<vmem>> -> memref<128x128xf32, #tpu.memory_space<vmem>>
    %dma_start3A_193 = arith.constant 0 : i32
    %dma_start3A_194 = tpu.memref_slice %arg3[%add3A_174, %dma_start3A_193] : memref<16384x128xf32, #tpu.memory_space<hbm>> -> memref<128x128xf32, #tpu.memory_space<hbm>>
    %dma_start3A_195 = arith.constant 0 : i32
    %dma_start3A_196 = arith.constant 0 : i32
    %dma_start3A_197 = tpu.memref_slice %arg8[%dma_start3A_188, %dma_start3A_195, %dma_start3A_196] : memref<2x128x128xf32, #tpu.memory_space<vmem>> -> memref<1x128x128xf32, #tpu.memory_space<vmem>>
    %dma_start3A_198 = tpu.memref_squeeze %dma_start3A_197 : memref<1x128x128xf32, #tpu.memory_space<vmem>> -> memref<128x128xf32, #tpu.memory_space<vmem>>
    %dma_start3A_199 = arith.constant 0 : i32
    %dma_start3A_200 = tpu.memref_slice %arg3[%add3A_174, %dma_start3A_199] : memref<16384x128xf32, #tpu.memory_space<hbm>> -> memref<128x128xf32, #tpu.memory_space<hbm>>
    tpu.enqueue_dma source(%dma_start3A_200 : memref<128x128xf32, #tpu.memory_space<hbm>>) target(%dma_start3A_198 : memref<128x128xf32, #tpu.memory_space<vmem>>) target_semaphore(%arg13 : memref<!tpu.dma_semaphore, #tpu.memory_space<semaphore_mem>>)
    %scan3A_201 = arith.constant 0 : i32
    %scan3A_202 = arith.constant 128 : i32
    %scan3A_203 = arith.addi %scan3A_201, %scan3A_202 : i32
    %scan3A_204 = arith.constant 2 : i32
    %scan3A_205:2 = scf.for %scan3A_242 = %scan3A_201 to %scan3A_203 step %scan3A_204 iter_args(%scan3A_243 = %scan3A_146#0, %scan3A_244 = %scan3A_146#1) -> (vector<16xf32>, vector<16xf32>)  : i32 {
      %broadcast_in_dim3A_245 = arith.constant 0.000000e+00 : f32
      %broadcast_in_dim3A_246 = vector.broadcast %broadcast_in_dim3A_245 : f32 to vector<16xf32>
      %broadcast_in_dim3A_247 = arith.constant 0.000000e+00 : f32
      %broadcast_in_dim3A_248 = vector.broadcast %broadcast_in_dim3A_247 : f32 to vector<16xf32>
      %broadcast_in_dim3A_249 = arith.constant 0.000000e+00 : f32
      %broadcast_in_dim3A_250 = vector.broadcast %broadcast_in_dim3A_249 : f32 to vector<16xf32>
      %get3A = arith.constant 0 : i32
      %get3A_251 = arith.constant 0 : i32
      %get3A_252 = arith.constant 0 : i32
      %get3A_253 = tpu.memref_slice %arg8[%get3A, %get3A_251, %get3A_252] : memref<2x128x128xf32, #tpu.memory_space<vmem>> -> memref<1x128x128xf32, #tpu.memory_space<vmem>>
      %get3A_254 = tpu.memref_squeeze %get3A_253 : memref<1x128x128xf32, #tpu.memory_space<vmem>> -> memref<128x128xf32, #tpu.memory_space<vmem>>
      %get3A_255 = arith.index_cast %scan3A_242 : i32 to index
      %get3A_256 = arith.constant 0 : index
      %get3A_257 = tpu.vector_load %get3A_254[%get3A_255, %get3A_256] {strides = array<i32>} : memref<128x128xf32, #tpu.memory_space<vmem>>, vector<16xf32>,
      %exp3A = math.exp %get3A_257 : vector<16xf32>
      %get3A_258 = arith.constant 0 : i32
      %get3A_259 = arith.constant 0 : i32
      %get3A_260 = arith.constant 0 : i32
      %get3A_261 = tpu.memref_slice %arg7[%get3A_258, %get3A_259, %get3A_260] : memref<2x128x128xf32, #tpu.memory_space<vmem>> -> memref<1x128x128xf32, #tpu.memory_space<vmem>>
      %get3A_262 = tpu.memref_squeeze %get3A_261 : memref<1x128x128xf32, #tpu.memory_space<vmem>> -> memref<128x128xf32, #tpu.memory_space<vmem>>
      %get3A_263 = arith.index_cast %scan3A_242 : i32 to index
      %get3A_264 = arith.constant 0 : index
      %get3A_265 = tpu.vector_load %get3A_262[%get3A_263, %get3A_264] {strides = array<i32>} : memref<128x128xf32, #tpu.memory_space<vmem>>, vector<16xf32>,
      %mul3A_266 = arith.mulf %get3A_265, %get3A_265 : vector<16xf32>
      %add3A_267 = arith.addf %scan3A_243, %mul3A_266 : vector<16xf32>
      %mul3A_268 = arith.mulf %get3A_265, %exp3A : vector<16xf32>
      %add3A_269 = arith.addf %broadcast_in_dim3A_246, %mul3A_268 : vector<16xf32>
      %mul3A_270 = arith.mulf %exp3A, %exp3A : vector<16xf32>
      %add3A_271 = arith.addf %broadcast_in_dim3A_248, %mul3A_270 : vector<16xf32>
      %add3A_272 = arith.addf %broadcast_in_dim3A_250, %exp3A : vector<16xf32>
      %get3A_273 = arith.constant 0 : i32
      %get3A_274 = arith.constant 0 : i32
      %get3A_275 = arith.constant 0 : i32
      %get3A_276 = tpu.memref_slice %arg8[%get3A_273, %get3A_274, %get3A_275] : memref<2x128x128xf32, #tpu.memory_space<vmem>> -> memref<1x128x128xf32, #tpu.memory_space<vmem>>
      %get3A_277 = tpu.memref_squeeze %get3A_276 : memref<1x128x128xf32, #tpu.memory_space<vmem>> -> memref<128x128xf32, #tpu.memory_space<vmem>>
      %get3A_278 = arith.index_cast %scan3A_242 : i32 to index
      %get3A_279 = arith.constant 16 : index
      %get3A_280 = tpu.vector_load %get3A_277[%get3A_278, %get3A_279] {strides = array<i32>} : memref<128x128xf32, #tpu.memory_space<vmem>>, vector<16xf32>,
      %exp3A_281 = math.exp %get3A_280 : vector<16xf32>
      %get3A_282 = arith.constant 0 : i32
      %get3A_283 = arith.constant 0 : i32
      %get3A_284 = arith.constant 0 : i32
      %get3A_285 = tpu.memref_slice %arg7[%get3A_282, %get3A_283, %get3A_284] : memref<2x128x128xf32, #tpu.memory_space<vmem>> -> memref<1x128x128xf32, #tpu.memory_space<vmem>>
      %get3A_286 = tpu.memref_squeeze %get3A_285 : memref<1x128x128xf32, #tpu.memory_space<vmem>> -> memref<128x128xf32, #tpu.memory_space<vmem>>
      %get3A_287 = arith.index_cast %scan3A_242 : i32 to index
      %get3A_288 = arith.constant 16 : index
      %get3A_289 = tpu.vector_load %get3A_286[%get3A_287, %get3A_288] {strides = array<i32>} : memref<128x128xf32, #tpu.memory_space<vmem>>, vector<16xf32>,
      %mul3A_290 = arith.mulf %get3A_289, %get3A_289 : vector<16xf32>
      %add3A_291 = arith.addf %add3A_267, %mul3A_290 : vector<16xf32>
      %mul3A_292 = arith.mulf %get3A_289, %exp3A_281 : vector<16xf32>
      %add3A_293 = arith.addf %add3A_269, %mul3A_292 : vector<16xf32>
      %mul3A_294 = arith.mulf %exp3A_281, %exp3A_281 : vector<16xf32>
      %add3A_295 = arith.addf %add3A_271, %mul3A_294 : vector<16xf32>
      %add3A_296 = arith.addf %add3A_272, %exp3A_281 : vector<16xf32>
      %get3A_297 = arith.constant 0 : i32
      %get3A_298 = arith.constant 0 : i32
      %get3A_299 = arith.constant 0 : i32
      %get3A_300 = tpu.memref_slice %arg8[%get3A_297, %get3A_298, %get3A_299] : memref<2x128x128xf32, #tpu.memory_space<vmem>> -> memref<1x128x128xf32, #tpu.memory_space<vmem>>
      %get3A_301 = tpu.memref_squeeze %get3A_300 : memref<1x128x128xf32, #tpu.memory_space<vmem>> -> memref<128x128xf32, #tpu.memory_space<vmem>>
      %get3A_302 = arith.index_cast %scan3A_242 : i32 to index
      %get3A_303 = arith.constant 32 : index
      %get3A_304 = tpu.vector_load %get3A_301[%get3A_302, %get3A_303] {strides = array<i32>} : memref<128x128xf32, #tpu.memory_space<vmem>>, vector<16xf32>,
      %exp3A_305 = math.exp %get3A_304 : vector<16xf32>
      %get3A_306 = arith.constant 0 : i32
      %get3A_307 = arith.constant 0 : i32
      %get3A_308 = arith.constant 0 : i32
      %get3A_309 = tpu.memref_slice %arg7[%get3A_306, %get3A_307, %get3A_308] : memref<2x128x128xf32, #tpu.memory_space<vmem>> -> memref<1x128x128xf32, #tpu.memory_space<vmem>>
      %get3A_310 = tpu.memref_squeeze %get3A_309 : memref<1x128x128xf32, #tpu.memory_space<vmem>> -> memref<128x128xf32, #tpu.memory_space<vmem>>
      %get3A_311 = arith.index_cast %scan3A_242 : i32 to index
      %get3A_312 = arith.constant 32 : index
      %get3A_313 = tpu.vector_load %get3A_310[%get3A_311, %get3A_312] {strides = array<i32>} : memref<128x128xf32, #tpu.memory_space<vmem>>, vector<16xf32>,
      %mul3A_314 = arith.mulf %get3A_313, %get3A_313 : vector<16xf32>
      %add3A_315 = arith.addf %add3A_291, %mul3A_314 : vector<16xf32>
      %mul3A_316 = arith.mulf %get3A_313, %exp3A_305 : vector<16xf32>
      %add3A_317 = arith.addf %add3A_293, %mul3A_316 : vector<16xf32>
      %mul3A_318 = arith.mulf %exp3A_305, %exp3A_305 : vector<16xf32>
      %add3A_319 = arith.addf %add3A_295, %mul3A_318 : vector<16xf32>
      %add3A_320 = arith.addf %add3A_296, %exp3A_305 : vector<16xf32>
      %get3A_321 = arith.constant 0 : i32
      %get3A_322 = arith.constant 0 : i32
      %get3A_323 = arith.constant 0 : i32
      %get3A_324 = tpu.memref_slice %arg8[%get3A_321, %get3A_322, %get3A_323] : memref<2x128x128xf32, #tpu.memory_space<vmem>> -> memref<1x128x128xf32, #tpu.memory_space<vmem>>
      %get3A_325 = tpu.memref_squeeze %get3A_324 : memref<1x128x128xf32, #tpu.memory_space<vmem>> -> memref<128x128xf32, #tpu.memory_space<vmem>>
      %get3A_326 = arith.index_cast %scan3A_242 : i32 to index
      %get3A_327 = arith.constant 48 : index
      %get3A_328 = tpu.vector_load %get3A_325[%get3A_326, %get3A_327] {strides = array<i32>} : memref<128x128xf32, #tpu.memory_space<vmem>>, vector<16xf32>,
      %exp3A_329 = math.exp %get3A_328 : vector<16xf32>
      %get3A_330 = arith.constant 0 : i32
      %get3A_331 = arith.constant 0 : i32
      %get3A_332 = arith.constant 0 : i32
      %get3A_333 = tpu.memref_slice %arg7[%get3A_330, %get3A_331, %get3A_332] : memref<2x128x128xf32, #tpu.memory_space<vmem>> -> memref<1x128x128xf32, #tpu.memory_space<vmem>>
      %get3A_334 = tpu.memref_squeeze %get3A_333 : memref<1x128x128xf32, #tpu.memory_space<vmem>> -> memref<128x128xf32, #tpu.memory_space<vmem>>
      %get3A_335 = arith.index_cast %scan3A_242 : i32 to index
      %get3A_336 = arith.constant 48 : index
      %get3A_337 = tpu.vector_load %get3A_334[%get3A_335, %get3A_336] {strides = array<i32>} : memref<128x128xf32, #tpu.memory_space<vmem>>, vector<16xf32>,
      %mul3A_338 = arith.mulf %get3A_337, %get3A_337 : vector<16xf32>
      %add3A_339 = arith.addf %add3A_315, %mul3A_338 : vector<16xf32>
      %mul3A_340 = arith.mulf %get3A_337, %exp3A_329 : vector<16xf32>
      %add3A_341 = arith.addf %add3A_317, %mul3A_340 : vector<16xf32>
      %mul3A_342 = arith.mulf %exp3A_329, %exp3A_329 : vector<16xf32>
      %add3A_343 = arith.addf %add3A_319, %mul3A_342 : vector<16xf32>
      %add3A_344 = arith.addf %add3A_320, %exp3A_329 : vector<16xf32>
      %get3A_345 = arith.constant 0 : i32
      %get3A_346 = arith.constant 0 : i32
      %get3A_347 = arith.constant 0 : i32
      %get3A_348 = tpu.memref_slice %arg8[%get3A_345, %get3A_346, %get3A_347] : memref<2x128x128xf32, #tpu.memory_space<vmem>> -> memref<1x128x128xf32, #tpu.memory_space<vmem>>
      %get3A_349 = tpu.memref_squeeze %get3A_348 : memref<1x128x128xf32, #tpu.memory_space<vmem>> -> memref<128x128xf32, #tpu.memory_space<vmem>>
      %get3A_350 = arith.index_cast %scan3A_242 : i32 to index
      %get3A_351 = arith.constant 64 : index
      %get3A_352 = tpu.vector_load %get3A_349[%get3A_350, %get3A_351] {strides = array<i32>} : memref<128x128xf32, #tpu.memory_space<vmem>>, vector<16xf32>,
      %exp3A_353 = math.exp %get3A_352 : vector<16xf32>
      %get3A_354 = arith.constant 0 : i32
      %get3A_355 = arith.constant 0 : i32
      %get3A_356 = arith.constant 0 : i32
      %get3A_357 = tpu.memref_slice %arg7[%get3A_354, %get3A_355, %get3A_356] : memref<2x128x128xf32, #tpu.memory_space<vmem>> -> memref<1x128x128xf32, #tpu.memory_space<vmem>>
      %get3A_358 = tpu.memref_squeeze %get3A_357 : memref<1x128x128xf32, #tpu.memory_space<vmem>> -> memref<128x128xf32, #tpu.memory_space<vmem>>
      %get3A_359 = arith.index_cast %scan3A_242 : i32 to index
      %get3A_360 = arith.constant 64 : index
      %get3A_361 = tpu.vector_load %get3A_358[%get3A_359, %get3A_360] {strides = array<i32>} : memref<128x128xf32, #tpu.memory_space<vmem>>, vector<16xf32>,
      %mul3A_362 = arith.mulf %get3A_361, %get3A_361 : vector<16xf32>
      %add3A_363 = arith.addf %add3A_339, %mul3A_362 : vector<16xf32>
      %mul3A_364 = arith.mulf %get3A_361, %exp3A_353 : vector<16xf32>
      %add3A_365 = arith.addf %add3A_341, %mul3A_364 : vector<16xf32>
      %mul3A_366 = arith.mulf %exp3A_353, %exp3A_353 : vector<16xf32>
      %add3A_367 = arith.addf %add3A_343, %mul3A_366 : vector<16xf32>
      %add3A_368 = arith.addf %add3A_344, %exp3A_353 : vector<16xf32>
      %get3A_369 = arith.constant 0 : i32
      %get3A_370 = arith.constant 0 : i32
      %get3A_371 = arith.constant 0 : i32
      %get3A_372 = tpu.memref_slice %arg8[%get3A_369, %get3A_370, %get3A_371] : memref<2x128x128xf32, #tpu.memory_space<vmem>> -> memref<1x128x128xf32, #tpu.memory_space<vmem>>
      %get3A_373 = tpu.memref_squeeze %get3A_372 : memref<1x128x128xf32, #tpu.memory_space<vmem>> -> memref<128x128xf32, #tpu.memory_space<vmem>>
      %get3A_374 = arith.index_cast %scan3A_242 : i32 to index
      %get3A_375 = arith.constant 80 : index
      %get3A_376 = tpu.vector_load %get3A_373[%get3A_374, %get3A_375] {strides = array<i32>} : memref<128x128xf32, #tpu.memory_space<vmem>>, vector<16xf32>,
      %exp3A_377 = math.exp %get3A_376 : vector<16xf32>
      %get3A_378 = arith.constant 0 : i32
      %get3A_379 = arith.constant 0 : i32
      %get3A_380 = arith.constant 0 : i32
      %get3A_381 = tpu.memref_slice %arg7[%get3A_378, %get3A_379, %get3A_380] : memref<2x128x128xf32, #tpu.memory_space<vmem>> -> memref<1x128x128xf32, #tpu.memory_space<vmem>>
      %get3A_382 = tpu.memref_squeeze %get3A_381 : memref<1x128x128xf32, #tpu.memory_space<vmem>> -> memref<128x128xf32, #tpu.memory_space<vmem>>
      %get3A_383 = arith.index_cast %scan3A_242 : i32 to index
      %get3A_384 = arith.constant 80 : index
      %get3A_385 = tpu.vector_load %get3A_382[%get3A_383, %get3A_384] {strides = array<i32>} : memref<128x128xf32, #tpu.memory_space<vmem>>, vector<16xf32>,
      %mul3A_386 = arith.mulf %get3A_385, %get3A_385 : vector<16xf32>
      %add3A_387 = arith.addf %add3A_363, %mul3A_386 : vector<16xf32>
      %mul3A_388 = arith.mulf %get3A_385, %exp3A_377 : vector<16xf32>
      %add3A_389 = arith.addf %add3A_365, %mul3A_388 : vector<16xf32>
      %mul3A_390 = arith.mulf %exp3A_377, %exp3A_377 : vector<16xf32>
      %add3A_391 = arith.addf %add3A_367, %mul3A_390 : vector<16xf32>
      %add3A_392 = arith.addf %add3A_368, %exp3A_377 : vector<16xf32>
      %get3A_393 = arith.constant 0 : i32
      %get3A_394 = arith.constant 0 : i32
      %get3A_395 = arith.constant 0 : i32
      %get3A_396 = tpu.memref_slice %arg8[%get3A_393, %get3A_394, %get3A_395] : memref<2x128x128xf32, #tpu.memory_space<vmem>> -> memref<1x128x128xf32, #tpu.memory_space<vmem>>
      %get3A_397 = tpu.memref_squeeze %get3A_396 : memref<1x128x128xf32, #tpu.memory_space<vmem>> -> memref<128x128xf32, #tpu.memory_space<vmem>>
      %get3A_398 = arith.index_cast %scan3A_242 : i32 to index
      %get3A_399 = arith.constant 96 : index
      %get3A_400 = tpu.vector_load %get3A_397[%get3A_398, %get3A_399] {strides = array<i32>} : memref<128x128xf32, #tpu.memory_space<vmem>>, vector<16xf32>,
      %exp3A_401 = math.exp %get3A_400 : vector<16xf32>
      %get3A_402 = arith.constant 0 : i32
      %get3A_403 = arith.constant 0 : i32
      %get3A_404 = arith.constant 0 : i32
      %get3A_405 = tpu.memref_slice %arg7[%get3A_402, %get3A_403, %get3A_404] : memref<2x128x128xf32, #tpu.memory_space<vmem>> -> memref<1x128x128xf32, #tpu.memory_space<vmem>>
      %get3A_406 = tpu.memref_squeeze %get3A_405 : memref<1x128x128xf32, #tpu.memory_space<vmem>> -> memref<128x128xf32, #tpu.memory_space<vmem>>
      %get3A_407 = arith.index_cast %scan3A_242 : i32 to index
      %get3A_408 = arith.constant 96 : index
      %get3A_409 = tpu.vector_load %get3A_406[%get3A_407, %get3A_408] {strides = array<i32>} : memref<128x128xf32, #tpu.memory_space<vmem>>, vector<16xf32>,
      %mul3A_410 = arith.mulf %get3A_409, %get3A_409 : vector<16xf32>
      %add3A_411 = arith.addf %add3A_387, %mul3A_410 : vector<16xf32>
      %mul3A_412 = arith.mulf %get3A_409, %exp3A_401 : vector<16xf32>
      %add3A_413 = arith.addf %add3A_389, %mul3A_412 : vector<16xf32>
      %mul3A_414 = arith.mulf %exp3A_401, %exp3A_401 : vector<16xf32>
      %add3A_415 = arith.addf %add3A_391, %mul3A_414 : vector<16xf32>
      %add3A_416 = arith.addf %add3A_392, %exp3A_401 : vector<16xf32>
      %get3A_417 = arith.constant 0 : i32
      %get3A_418 = arith.constant 0 : i32
      %get3A_419 = arith.constant 0 : i32
      %get3A_420 = tpu.memref_slice %arg8[%get3A_417, %get3A_418, %get3A_419] : memref<2x128x128xf32, #tpu.memory_space<vmem>> -> memref<1x128x128xf32, #tpu.memory_space<vmem>>
      %get3A_421 = tpu.memref_squeeze %get3A_420 : memref<1x128x128xf32, #tpu.memory_space<vmem>> -> memref<128x128xf32, #tpu.memory_space<vmem>>
      %get3A_422 = arith.index_cast %scan3A_242 : i32 to index
      %get3A_423 = arith.constant 112 : index
      %get3A_424 = tpu.vector_load %get3A_421[%get3A_422, %get3A_423] {strides = array<i32>} : memref<128x128xf32, #tpu.memory_space<vmem>>, vector<16xf32>,
      %exp3A_425 = math.exp %get3A_424 : vector<16xf32>
      %get3A_426 = arith.constant 0 : i32
      %get3A_427 = arith.constant 0 : i32
      %get3A_428 = arith.constant 0 : i32
      %get3A_429 = tpu.memref_slice %arg7[%get3A_426, %get3A_427, %get3A_428] : memref<2x128x128xf32, #tpu.memory_space<vmem>> -> memref<1x128x128xf32, #tpu.memory_space<vmem>>
      %get3A_430 = tpu.memref_squeeze %get3A_429 : memref<1x128x128xf32, #tpu.memory_space<vmem>> -> memref<128x128xf32, #tpu.memory_space<vmem>>
      %get3A_431 = arith.index_cast %scan3A_242 : i32 to index
      %get3A_432 = arith.constant 112 : index
      %get3A_433 = tpu.vector_load %get3A_430[%get3A_431, %get3A_432] {strides = array<i32>} : memref<128x128xf32, #tpu.memory_space<vmem>>, vector<16xf32>,
      %mul3A_434 = arith.mulf %get3A_433, %get3A_433 : vector<16xf32>
      %add3A_435 = arith.addf %add3A_411, %mul3A_434 : vector<16xf32>
      %mul3A_436 = arith.mulf %get3A_433, %exp3A_425 : vector<16xf32>
      %add3A_437 = arith.addf %add3A_413, %mul3A_436 : vector<16xf32>
      %mul3A_438 = arith.mulf %exp3A_425, %exp3A_425 : vector<16xf32>
      %add3A_439 = arith.addf %add3A_415, %mul3A_438 : vector<16xf32>
      %add3A_440 = arith.addf %add3A_416, %exp3A_425 : vector<16xf32>
      %reduce_sum3A = arith.constant true
      %reduce_sum3A_441 = vector.broadcast %reduce_sum3A : i1 to vector<16xi1>
      %reduce_sum3A_442 = tpu.scan <sum>, %add3A_440 masked %reduce_sum3A_441 : vector<16xf32>, vector<16xi1> -> vector<16xf32>
      %reduce_sum3A_443 = vector.extract %reduce_sum3A_442[15] : f32 from vector<16xf32>
      %broadcast_in_dim3A_444 = vector.broadcast %reduce_sum3A_443 : f32 to vector<16xf32>
      %add3A_445 = arith.addf %broadcast_in_dim3A_444, %broadcast_in_dim3A_444 : vector<16xf32>
      %mul3A_446 = arith.mulf %add3A_445, %add3A_437 : vector<16xf32>
      %sub3A = arith.subf %add3A_439, %mul3A_446 : vector<16xf32>
      %mul3A_447 = arith.mulf %broadcast_in_dim3A_444, %broadcast_in_dim3A_444 : vector<16xf32>
      %div3A = arith.divf %sub3A, %mul3A_447 : vector<16xf32>
      %add3A_448 = arith.addf %scan3A_244, %div3A : vector<16xf32>
      %scan3A_449 = arith.constant 1 : i32
      %scan3A_450 = arith.addi %scan3A_242, %scan3A_449 : i32
      %broadcast_in_dim3A_451 = arith.constant 0.000000e+00 : f32
      %broadcast_in_dim3A_452 = vector.broadcast %broadcast_in_dim3A_451 : f32 to vector<16xf32>
      %broadcast_in_dim3A_453 = arith.constant 0.000000e+00 : f32
      %broadcast_in_dim3A_454 = vector.broadcast %broadcast_in_dim3A_453 : f32 to vector<16xf32>
      %broadcast_in_dim3A_455 = arith.constant 0.000000e+00 : f32
      %broadcast_in_dim3A_456 = vector.broadcast %broadcast_in_dim3A_455 : f32 to vector<16xf32>
      %get3A_457 = arith.constant 0 : i32
      %get3A_458 = arith.constant 0 : i32
      %get3A_459 = arith.constant 0 : i32
      %get3A_460 = tpu.memref_slice %arg8[%get3A_457, %get3A_458, %get3A_459] : memref<2x128x128xf32, #tpu.memory_space<vmem>> -> memref<1x128x128xf32, #tpu.memory_space<vmem>>
      %get3A_461 = tpu.memref_squeeze %get3A_460 : memref<1x128x128xf32, #tpu.memory_space<vmem>> -> memref<128x128xf32, #tpu.memory_space<vmem>>
      %get3A_462 = arith.index_cast %scan3A_450 : i32 to index
      %get3A_463 = arith.constant 0 : index
      %get3A_464 = tpu.vector_load %get3A_461[%get3A_462, %get3A_463] {strides = array<i32>} : memref<128x128xf32, #tpu.memory_space<vmem>>, vector<16xf32>,
      %exp3A_465 = math.exp %get3A_464 : vector<16xf32>
      %get3A_466 = arith.constant 0 : i32
      %get3A_467 = arith.constant 0 : i32
      %get3A_468 = arith.constant 0 : i32
      %get3A_469 = tpu.memref_slice %arg7[%get3A_466, %get3A_467, %get3A_468] : memref<2x128x128xf32, #tpu.memory_space<vmem>> -> memref<1x128x128xf32, #tpu.memory_space<vmem>>
      %get3A_470 = tpu.memref_squeeze %get3A_469 : memref<1x128x128xf32, #tpu.memory_space<vmem>> -> memref<128x128xf32, #tpu.memory_space<vmem>>
      %get3A_471 = arith.index_cast %scan3A_450 : i32 to index
      %get3A_472 = arith.constant 0 : index
      %get3A_473 = tpu.vector_load %get3A_470[%get3A_471, %get3A_472] {strides = array<i32>} : memref<128x128xf32, #tpu.memory_space<vmem>>, vector<16xf32>,
      %mul3A_474 = arith.mulf %get3A_473, %get3A_473 : vector<16xf32>
      %add3A_475 = arith.addf %add3A_435, %mul3A_474 : vector<16xf32>
      %mul3A_476 = arith.mulf %get3A_473, %exp3A_465 : vector<16xf32>
      %add3A_477 = arith.addf %broadcast_in_dim3A_452, %mul3A_476 : vector<16xf32>
      %mul3A_478 = arith.mulf %exp3A_465, %exp3A_465 : vector<16xf32>
      %add3A_479 = arith.addf %broadcast_in_dim3A_454, %mul3A_478 : vector<16xf32>
      %add3A_480 = arith.addf %broadcast_in_dim3A_456, %exp3A_465 : vector<16xf32>
      %get3A_481 = arith.constant 0 : i32
      %get3A_482 = arith.constant 0 : i32
      %get3A_483 = arith.constant 0 : i32
      %get3A_484 = tpu.memref_slice %arg8[%get3A_481, %get3A_482, %get3A_483] : memref<2x128x128xf32, #tpu.memory_space<vmem>> -> memref<1x128x128xf32, #tpu.memory_space<vmem>>
      %get3A_485 = tpu.memref_squeeze %get3A_484 : memref<1x128x128xf32, #tpu.memory_space<vmem>> -> memref<128x128xf32, #tpu.memory_space<vmem>>
      %get3A_486 = arith.index_cast %scan3A_450 : i32 to index
      %get3A_487 = arith.constant 16 : index
      %get3A_488 = tpu.vector_load %get3A_485[%get3A_486, %get3A_487] {strides = array<i32>} : memref<128x128xf32, #tpu.memory_space<vmem>>, vector<16xf32>,
      %exp3A_489 = math.exp %get3A_488 : vector<16xf32>
      %get3A_490 = arith.constant 0 : i32
      %get3A_491 = arith.constant 0 : i32
      %get3A_492 = arith.constant 0 : i32
      %get3A_493 = tpu.memref_slice %arg7[%get3A_490, %get3A_491, %get3A_492] : memref<2x128x128xf32, #tpu.memory_space<vmem>> -> memref<1x128x128xf32, #tpu.memory_space<vmem>>
      %get3A_494 = tpu.memref_squeeze %get3A_493 : memref<1x128x128xf32, #tpu.memory_space<vmem>> -> memref<128x128xf32, #tpu.memory_space<vmem>>
      %get3A_495 = arith.index_cast %scan3A_450 : i32 to index
      %get3A_496 = arith.constant 16 : index
      %get3A_497 = tpu.vector_load %get3A_494[%get3A_495, %get3A_496] {strides = array<i32>} : memref<128x128xf32, #tpu.memory_space<vmem>>, vector<16xf32>,
      %mul3A_498 = arith.mulf %get3A_497, %get3A_497 : vector<16xf32>
      %add3A_499 = arith.addf %add3A_475, %mul3A_498 : vector<16xf32>
      %mul3A_500 = arith.mulf %get3A_497, %exp3A_489 : vector<16xf32>
      %add3A_501 = arith.addf %add3A_477, %mul3A_500 : vector<16xf32>
      %mul3A_502 = arith.mulf %exp3A_489, %exp3A_489 : vector<16xf32>
      %add3A_503 = arith.addf %add3A_479, %mul3A_502 : vector<16xf32>
      %add3A_504 = arith.addf %add3A_480, %exp3A_489 : vector<16xf32>
      %get3A_505 = arith.constant 0 : i32
      %get3A_506 = arith.constant 0 : i32
      %get3A_507 = arith.constant 0 : i32
      %get3A_508 = tpu.memref_slice %arg8[%get3A_505, %get3A_506, %get3A_507] : memref<2x128x128xf32, #tpu.memory_space<vmem>> -> memref<1x128x128xf32, #tpu.memory_space<vmem>>
      %get3A_509 = tpu.memref_squeeze %get3A_508 : memref<1x128x128xf32, #tpu.memory_space<vmem>> -> memref<128x128xf32, #tpu.memory_space<vmem>>
      %get3A_510 = arith.index_cast %scan3A_450 : i32 to index
      %get3A_511 = arith.constant 32 : index
      %get3A_512 = tpu.vector_load %get3A_509[%get3A_510, %get3A_511] {strides = array<i32>} : memref<128x128xf32, #tpu.memory_space<vmem>>, vector<16xf32>,
      %exp3A_513 = math.exp %get3A_512 : vector<16xf32>
      %get3A_514 = arith.constant 0 : i32
      %get3A_515 = arith.constant 0 : i32
      %get3A_516 = arith.constant 0 : i32
      %get3A_517 = tpu.memref_slice %arg7[%get3A_514, %get3A_515, %get3A_516] : memref<2x128x128xf32, #tpu.memory_space<vmem>> -> memref<1x128x128xf32, #tpu.memory_space<vmem>>
      %get3A_518 = tpu.memref_squeeze %get3A_517 : memref<1x128x128xf32, #tpu.memory_space<vmem>> -> memref<128x128xf32, #tpu.memory_space<vmem>>
      %get3A_519 = arith.index_cast %scan3A_450 : i32 to index
      %get3A_520 = arith.constant 32 : index
      %get3A_521 = tpu.vector_load %get3A_518[%get3A_519, %get3A_520] {strides = array<i32>} : memref<128x128xf32, #tpu.memory_space<vmem>>, vector<16xf32>,
      %mul3A_522 = arith.mulf %get3A_521, %get3A_521 : vector<16xf32>
      %add3A_523 = arith.addf %add3A_499, %mul3A_522 : vector<16xf32>
      %mul3A_524 = arith.mulf %get3A_521, %exp3A_513 : vector<16xf32>
      %add3A_525 = arith.addf %add3A_501, %mul3A_524 : vector<16xf32>
      %mul3A_526 = arith.mulf %exp3A_513, %exp3A_513 : vector<16xf32>
      %add3A_527 = arith.addf %add3A_503, %mul3A_526 : vector<16xf32>
      %add3A_528 = arith.addf %add3A_504, %exp3A_513 : vector<16xf32>
      %get3A_529 = arith.constant 0 : i32
      %get3A_530 = arith.constant 0 : i32
      %get3A_531 = arith.constant 0 : i32
      %get3A_532 = tpu.memref_slice %arg8[%get3A_529, %get3A_530, %get3A_531] : memref<2x128x128xf32, #tpu.memory_space<vmem>> -> memref<1x128x128xf32, #tpu.memory_space<vmem>>
      %get3A_533 = tpu.memref_squeeze %get3A_532 : memref<1x128x128xf32, #tpu.memory_space<vmem>> -> memref<128x128xf32, #tpu.memory_space<vmem>>
      %get3A_534 = arith.index_cast %scan3A_450 : i32 to index
      %get3A_535 = arith.constant 48 : index
      %get3A_536 = tpu.vector_load %get3A_533[%get3A_534, %get3A_535] {strides = array<i32>} : memref<128x128xf32, #tpu.memory_space<vmem>>, vector<16xf32>,
      %exp3A_537 = math.exp %get3A_536 : vector<16xf32>
      %get3A_538 = arith.constant 0 : i32
      %get3A_539 = arith.constant 0 : i32
      %get3A_540 = arith.constant 0 : i32
      %get3A_541 = tpu.memref_slice %arg7[%get3A_538, %get3A_539, %get3A_540] : memref<2x128x128xf32, #tpu.memory_space<vmem>> -> memref<1x128x128xf32, #tpu.memory_space<vmem>>
      %get3A_542 = tpu.memref_squeeze %get3A_541 : memref<1x128x128xf32, #tpu.memory_space<vmem>> -> memref<128x128xf32, #tpu.memory_space<vmem>>
      %get3A_543 = arith.index_cast %scan3A_450 : i32 to index
      %get3A_544 = arith.constant 48 : index
      %get3A_545 = tpu.vector_load %get3A_542[%get3A_543, %get3A_544] {strides = array<i32>} : memref<128x128xf32, #tpu.memory_space<vmem>>, vector<16xf32>,
      %mul3A_546 = arith.mulf %get3A_545, %get3A_545 : vector<16xf32>
      %add3A_547 = arith.addf %add3A_523, %mul3A_546 : vector<16xf32>
      %mul3A_548 = arith.mulf %get3A_545, %exp3A_537 : vector<16xf32>
      %add3A_549 = arith.addf %add3A_525, %mul3A_548 : vector<16xf32>
      %mul3A_550 = arith.mulf %exp3A_537, %exp3A_537 : vector<16xf32>
      %add3A_551 = arith.addf %add3A_527, %mul3A_550 : vector<16xf32>
      %add3A_552 = arith.addf %add3A_528, %exp3A_537 : vector<16xf32>
      %get3A_553 = arith.constant 0 : i32
      %get3A_554 = arith.constant 0 : i32
      %get3A_555 = arith.constant 0 : i32
      %get3A_556 = tpu.memref_slice %arg8[%get3A_553, %get3A_554, %get3A_555] : memref<2x128x128xf32, #tpu.memory_space<vmem>> -> memref<1x128x128xf32, #tpu.memory_space<vmem>>
      %get3A_557 = tpu.memref_squeeze %get3A_556 : memref<1x128x128xf32, #tpu.memory_space<vmem>> -> memref<128x128xf32, #tpu.memory_space<vmem>>
      %get3A_558 = arith.index_cast %scan3A_450 : i32 to index
      %get3A_559 = arith.constant 64 : index
      %get3A_560 = tpu.vector_load %get3A_557[%get3A_558, %get3A_559] {strides = array<i32>} : memref<128x128xf32, #tpu.memory_space<vmem>>, vector<16xf32>,
      %exp3A_561 = math.exp %get3A_560 : vector<16xf32>
      %get3A_562 = arith.constant 0 : i32
      %get3A_563 = arith.constant 0 : i32
      %get3A_564 = arith.constant 0 : i32
      %get3A_565 = tpu.memref_slice %arg7[%get3A_562, %get3A_563, %get3A_564] : memref<2x128x128xf32, #tpu.memory_space<vmem>> -> memref<1x128x128xf32, #tpu.memory_space<vmem>>
      %get3A_566 = tpu.memref_squeeze %get3A_565 : memref<1x128x128xf32, #tpu.memory_space<vmem>> -> memref<128x128xf32, #tpu.memory_space<vmem>>
      %get3A_567 = arith.index_cast %scan3A_450 : i32 to index
      %get3A_568 = arith.constant 64 : index
      %get3A_569 = tpu.vector_load %get3A_566[%get3A_567, %get3A_568] {strides = array<i32>} : memref<128x128xf32, #tpu.memory_space<vmem>>, vector<16xf32>,
      %mul3A_570 = arith.mulf %get3A_569, %get3A_569 : vector<16xf32>
      %add3A_571 = arith.addf %add3A_547, %mul3A_570 : vector<16xf32>
      %mul3A_572 = arith.mulf %get3A_569, %exp3A_561 : vector<16xf32>
      %add3A_573 = arith.addf %add3A_549, %mul3A_572 : vector<16xf32>
      %mul3A_574 = arith.mulf %exp3A_561, %exp3A_561 : vector<16xf32>
      %add3A_575 = arith.addf %add3A_551, %mul3A_574 : vector<16xf32>
      %add3A_576 = arith.addf %add3A_552, %exp3A_561 : vector<16xf32>
      %get3A_577 = arith.constant 0 : i32
      %get3A_578 = arith.constant 0 : i32
      %get3A_579 = arith.constant 0 : i32
      %get3A_580 = tpu.memref_slice %arg8[%get3A_577, %get3A_578, %get3A_579] : memref<2x128x128xf32, #tpu.memory_space<vmem>> -> memref<1x128x128xf32, #tpu.memory_space<vmem>>
      %get3A_581 = tpu.memref_squeeze %get3A_580 : memref<1x128x128xf32, #tpu.memory_space<vmem>> -> memref<128x128xf32, #tpu.memory_space<vmem>>
      %get3A_582 = arith.index_cast %scan3A_450 : i32 to index
      %get3A_583 = arith.constant 80 : index
      %get3A_584 = tpu.vector_load %get3A_581[%get3A_582, %get3A_583] {strides = array<i32>} : memref<128x128xf32, #tpu.memory_space<vmem>>, vector<16xf32>,
      %exp3A_585 = math.exp %get3A_584 : vector<16xf32>
      %get3A_586 = arith.constant 0 : i32
      %get3A_587 = arith.constant 0 : i32
      %get3A_588 = arith.constant 0 : i32
      %get3A_589 = tpu.memref_slice %arg7[%get3A_586, %get3A_587, %get3A_588] : memref<2x128x128xf32, #tpu.memory_space<vmem>> -> memref<1x128x128xf32, #tpu.memory_space<vmem>>
      %get3A_590 = tpu.memref_squeeze %get3A_589 : memref<1x128x128xf32, #tpu.memory_space<vmem>> -> memref<128x128xf32, #tpu.memory_space<vmem>>
      %get3A_591 = arith.index_cast %scan3A_450 : i32 to index
      %get3A_592 = arith.constant 80 : index
      %get3A_593 = tpu.vector_load %get3A_590[%get3A_591, %get3A_592] {strides = array<i32>} : memref<128x128xf32, #tpu.memory_space<vmem>>, vector<16xf32>,
      %mul3A_594 = arith.mulf %get3A_593, %get3A_593 : vector<16xf32>
      %add3A_595 = arith.addf %add3A_571, %mul3A_594 : vector<16xf32>
      %mul3A_596 = arith.mulf %get3A_593, %exp3A_585 : vector<16xf32>
      %add3A_597 = arith.addf %add3A_573, %mul3A_596 : vector<16xf32>
      %mul3A_598 = arith.mulf %exp3A_585, %exp3A_585 : vector<16xf32>
      %add3A_599 = arith.addf %add3A_575, %mul3A_598 : vector<16xf32>
      %add3A_600 = arith.addf %add3A_576, %exp3A_585 : vector<16xf32>
      %get3A_601 = arith.constant 0 : i32
      %get3A_602 = arith.constant 0 : i32
      %get3A_603 = arith.constant 0 : i32
      %get3A_604 = tpu.memref_slice %arg8[%get3A_601, %get3A_602, %get3A_603] : memref<2x128x128xf32, #tpu.memory_space<vmem>> -> memref<1x128x128xf32, #tpu.memory_space<vmem>>
      %get3A_605 = tpu.memref_squeeze %get3A_604 : memref<1x128x128xf32, #tpu.memory_space<vmem>> -> memref<128x128xf32, #tpu.memory_space<vmem>>
      %get3A_606 = arith.index_cast %scan3A_450 : i32 to index
      %get3A_607 = arith.constant 96 : index
      %get3A_608 = tpu.vector_load %get3A_605[%get3A_606, %get3A_607] {strides = array<i32>} : memref<128x128xf32, #tpu.memory_space<vmem>>, vector<16xf32>,
      %exp3A_609 = math.exp %get3A_608 : vector<16xf32>
      %get3A_610 = arith.constant 0 : i32
      %get3A_611 = arith.constant 0 : i32
      %get3A_612 = arith.constant 0 : i32
      %get3A_613 = tpu.memref_slice %arg7[%get3A_610, %get3A_611, %get3A_612] : memref<2x128x128xf32, #tpu.memory_space<vmem>> -> memref<1x128x128xf32, #tpu.memory_space<vmem>>
      %get3A_614 = tpu.memref_squeeze %get3A_613 : memref<1x128x128xf32, #tpu.memory_space<vmem>> -> memref<128x128xf32, #tpu.memory_space<vmem>>
      %get3A_615 = arith.index_cast %scan3A_450 : i32 to index
      %get3A_616 = arith.constant 96 : index
      %get3A_617 = tpu.vector_load %get3A_614[%get3A_615, %get3A_616] {strides = array<i32>} : memref<128x128xf32, #tpu.memory_space<vmem>>, vector<16xf32>,
      %mul3A_618 = arith.mulf %get3A_617, %get3A_617 : vector<16xf32>
      %add3A_619 = arith.addf %add3A_595, %mul3A_618 : vector<16xf32>
      %mul3A_620 = arith.mulf %get3A_617, %exp3A_609 : vector<16xf32>
      %add3A_621 = arith.addf %add3A_597, %mul3A_620 : vector<16xf32>
      %mul3A_622 = arith.mulf %exp3A_609, %exp3A_609 : vector<16xf32>
      %add3A_623 = arith.addf %add3A_599, %mul3A_622 : vector<16xf32>
      %add3A_624 = arith.addf %add3A_600, %exp3A_609 : vector<16xf32>
      %get3A_625 = arith.constant 0 : i32
      %get3A_626 = arith.constant 0 : i32
      %get3A_627 = arith.constant 0 : i32
      %get3A_628 = tpu.memref_slice %arg8[%get3A_625, %get3A_626, %get3A_627] : memref<2x128x128xf32, #tpu.memory_space<vmem>> -> memref<1x128x128xf32, #tpu.memory_space<vmem>>
      %get3A_629 = tpu.memref_squeeze %get3A_628 : memref<1x128x128xf32, #tpu.memory_space<vmem>> -> memref<128x128xf32, #tpu.memory_space<vmem>>
      %get3A_630 = arith.index_cast %scan3A_450 : i32 to index
      %get3A_631 = arith.constant 112 : index
      %get3A_632 = tpu.vector_load %get3A_629[%get3A_630, %get3A_631] {strides = array<i32>} : memref<128x128xf32, #tpu.memory_space<vmem>>, vector<16xf32>,
      %exp3A_633 = math.exp %get3A_632 : vector<16xf32>
      %get3A_634 = arith.constant 0 : i32
      %get3A_635 = arith.constant 0 : i32
      %get3A_636 = arith.constant 0 : i32
      %get3A_637 = tpu.memref_slice %arg7[%get3A_634, %get3A_635, %get3A_636] : memref<2x128x128xf32, #tpu.memory_space<vmem>> -> memref<1x128x128xf32, #tpu.memory_space<vmem>>
      %get3A_638 = tpu.memref_squeeze %get3A_637 : memref<1x128x128xf32, #tpu.memory_space<vmem>> -> memref<128x128xf32, #tpu.memory_space<vmem>>
      %get3A_639 = arith.index_cast %scan3A_450 : i32 to index
      %get3A_640 = arith.constant 112 : index
      %get3A_641 = tpu.vector_load %get3A_638[%get3A_639, %get3A_640] {strides = array<i32>} : memref<128x128xf32, #tpu.memory_space<vmem>>, vector<16xf32>,
      %mul3A_642 = arith.mulf %get3A_641, %get3A_641 : vector<16xf32>
      %add3A_643 = arith.addf %add3A_619, %mul3A_642 : vector<16xf32>
      %mul3A_644 = arith.mulf %get3A_641, %exp3A_633 : vector<16xf32>
      %add3A_645 = arith.addf %add3A_621, %mul3A_644 : vector<16xf32>
      %mul3A_646 = arith.mulf %exp3A_633, %exp3A_633 : vector<16xf32>
      %add3A_647 = arith.addf %add3A_623, %mul3A_646 : vector<16xf32>
      %add3A_648 = arith.addf %add3A_624, %exp3A_633 : vector<16xf32>
      %reduce_sum3A_649 = arith.constant true
      %reduce_sum3A_650 = vector.broadcast %reduce_sum3A_649 : i1 to vector<16xi1>
      %reduce_sum3A_651 = tpu.scan <sum>, %add3A_648 masked %reduce_sum3A_650 : vector<16xf32>, vector<16xi1> -> vector<16xf32>
      %reduce_sum3A_652 = vector.extract %reduce_sum3A_651[15] : f32 from vector<16xf32>
      %broadcast_in_dim3A_653 = vector.broadcast %reduce_sum3A_652 : f32 to vector<16xf32>
      %add3A_654 = arith.addf %broadcast_in_dim3A_653, %broadcast_in_dim3A_653 : vector<16xf32>
      %mul3A_655 = arith.mulf %add3A_654, %add3A_645 : vector<16xf32>
      %sub3A_656 = arith.subf %add3A_647, %mul3A_655 : vector<16xf32>
      %mul3A_657 = arith.mulf %broadcast_in_dim3A_653, %broadcast_in_dim3A_653 : vector<16xf32>
      %div3A_658 = arith.divf %sub3A_656, %mul3A_657 : vector<16xf32>
      %add3A_659 = arith.addf %add3A_448, %div3A_658 : vector<16xf32>
      scf.yield %add3A_643, %add3A_659 : vector<16xf32>, vector<16xf32>
    }
    %scan3A_206 = arith.constant 128 : i32
    %dma_wait3A_207 = arith.constant 1 : i32
    %dma_wait3A_208 = arith.constant 1 : i32
    %dma_wait3A_209 = arith.constant 0 : i32
    %dma_wait3A_210 = arith.constant 0 : i32
    %dma_wait3A_211 = tpu.memref_slice %arg7[%dma_wait3A_208, %dma_wait3A_209, %dma_wait3A_210] : memref<2x128x128xf32, #tpu.memory_space<vmem>> -> memref<1x128x128xf32, #tpu.memory_space<vmem>>
    %dma_wait3A_212 = tpu.memref_squeeze %dma_wait3A_211 : memref<1x128x128xf32, #tpu.memory_space<vmem>> -> memref<128x128xf32, #tpu.memory_space<vmem>>
    %dma_wait3A_213 = arith.constant 0 : i32
    %dma_wait3A_214 = tpu.memref_slice %arg6[%dma_wait3A_207, %dma_wait3A_213] : memref<2x128xi32, #tpu.memory_space<vmem>> -> memref<1x128xi32, #tpu.memory_space<vmem>>
    %dma_wait3A_215 = tpu.memref_squeeze %dma_wait3A_214 : memref<1x128xi32, #tpu.memory_space<vmem>> -> memref<128xi32, #tpu.memory_space<vmem>>
    %dma_wait3A_216 = arith.constant 0 : i32
    %dma_wait3A_217 = arith.constant 0 : i32
    %dma_wait3A_218 = tpu.memref_slice %arg4[%dma_wait3A_216, %dma_wait3A_217] : memref<1000000x128xf32, #tpu.memory_space<hbm>> -> memref<1000000x128xf32, #tpu.memory_space<hbm>>
    tpu.wait_indirect_dma semaphore(%arg11 : memref<!tpu.dma_semaphore, #tpu.memory_space<semaphore_mem>>) src(%dma_wait3A_218 : memref<1000000x128xf32, #tpu.memory_space<hbm>>) dst(%dma_wait3A_212 : memref<128x128xf32, #tpu.memory_space<vmem>>)
    %dma_wait3A_219 = arith.constant 1 : i32
    %dma_wait3A_220 = arith.constant 0 : i32
    %dma_wait3A_221 = arith.constant 0 : i32
    %dma_wait3A_222 = tpu.memref_slice %arg8[%dma_wait3A_219, %dma_wait3A_220, %dma_wait3A_221] : memref<2x128x128xf32, #tpu.memory_space<vmem>> -> memref<1x128x128xf32, #tpu.memory_space<vmem>>
    %dma_wait3A_223 = tpu.memref_squeeze %dma_wait3A_222 : memref<1x128x128xf32, #tpu.memory_space<vmem>> -> memref<128x128xf32, #tpu.memory_space<vmem>>
    %dma_wait3A_224 = arith.constant 0 : i32
    %dma_wait3A_225 = tpu.memref_slice %arg3[%add3A_174, %dma_wait3A_224] : memref<16384x128xf32, #tpu.memory_space<hbm>> -> memref<128x128xf32, #tpu.memory_space<hbm>>
    %dma_wait3A_226 = arith.constant 0 : i32
    %dma_wait3A_227 = arith.constant 0 : i32
    %dma_wait3A_228 = tpu.memref_slice %arg8[%dma_wait3A_219, %dma_wait3A_226, %dma_wait3A_227] : memref<2x128x128xf32, #tpu.memory_space<vmem>> -> memref<1x128x128xf32, #tpu.memory_space<vmem>>
    %dma_wait3A_229 = tpu.memref_squeeze %dma_wait3A_228 : memref<1x128x128xf32, #tpu.memory_space<vmem>> -> memref<128x128xf32, #tpu.memory_space<vmem>>
    %dma_wait3A_230 = arith.constant 0 : i32
    %dma_wait3A_231 = tpu.memref_slice %arg3[%add3A_174, %dma_wait3A_230] : memref<16384x128xf32, #tpu.memory_space<hbm>> -> memref<128x128xf32, #tpu.memory_space<hbm>>
    tpu.wait_dma2 semaphore(%arg13 : memref<!tpu.dma_semaphore, #tpu.memory_space<semaphore_mem>>) src(%dma_wait3A_231 : memref<128x128xf32, #tpu.memory_space<hbm>>) dst(%dma_wait3A_229 : memref<128x128xf32, #tpu.memory_space<vmem>>)
    %scan3A_232 = arith.constant 0 : i32
    %scan3A_233 = arith.constant 128 : i32
    %scan3A_234 = arith.addi %scan3A_232, %scan3A_233 : i32
    %scan3A_235 = arith.constant 2 : i32
    %scan3A_236:2 = scf.for %scan3A_242 = %scan3A_232 to %scan3A_234 step %scan3A_235 iter_args(%scan3A_243 = %scan3A_205#0, %scan3A_244 = %scan3A_205#1) -> (vector<16xf32>, vector<16xf32>)  : i32 {
      %broadcast_in_dim3A_245 = arith.constant 0.000000e+00 : f32
      %broadcast_in_dim3A_246 = vector.broadcast %broadcast_in_dim3A_245 : f32 to vector<16xf32>
      %broadcast_in_dim3A_247 = arith.constant 0.000000e+00 : f32
      %broadcast_in_dim3A_248 = vector.broadcast %broadcast_in_dim3A_247 : f32 to vector<16xf32>
      %broadcast_in_dim3A_249 = arith.constant 0.000000e+00 : f32
      %broadcast_in_dim3A_250 = vector.broadcast %broadcast_in_dim3A_249 : f32 to vector<16xf32>
      %get3A = arith.constant 1 : i32
      %get3A_251 = arith.constant 0 : i32
      %get3A_252 = arith.constant 0 : i32
      %get3A_253 = tpu.memref_slice %arg8[%get3A, %get3A_251, %get3A_252] : memref<2x128x128xf32, #tpu.memory_space<vmem>> -> memref<1x128x128xf32, #tpu.memory_space<vmem>>
      %get3A_254 = tpu.memref_squeeze %get3A_253 : memref<1x128x128xf32, #tpu.memory_space<vmem>> -> memref<128x128xf32, #tpu.memory_space<vmem>>
      %get3A_255 = arith.index_cast %scan3A_242 : i32 to index
      %get3A_256 = arith.constant 0 : index
      %get3A_257 = tpu.vector_load %get3A_254[%get3A_255, %get3A_256] {strides = array<i32>} : memref<128x128xf32, #tpu.memory_space<vmem>>, vector<16xf32>,
      %exp3A = math.exp %get3A_257 : vector<16xf32>
      %get3A_258 = arith.constant 1 : i32
      %get3A_259 = arith.constant 0 : i32
      %get3A_260 = arith.constant 0 : i32
      %get3A_261 = tpu.memref_slice %arg7[%get3A_258, %get3A_259, %get3A_260] : memref<2x128x128xf32, #tpu.memory_space<vmem>> -> memref<1x128x128xf32, #tpu.memory_space<vmem>>
      %get3A_262 = tpu.memref_squeeze %get3A_261 : memref<1x128x128xf32, #tpu.memory_space<vmem>> -> memref<128x128xf32, #tpu.memory_space<vmem>>
      %get3A_263 = arith.index_cast %scan3A_242 : i32 to index
      %get3A_264 = arith.constant 0 : index
      %get3A_265 = tpu.vector_load %get3A_262[%get3A_263, %get3A_264] {strides = array<i32>} : memref<128x128xf32, #tpu.memory_space<vmem>>, vector<16xf32>,
      %mul3A_266 = arith.mulf %get3A_265, %get3A_265 : vector<16xf32>
      %add3A_267 = arith.addf %scan3A_243, %mul3A_266 : vector<16xf32>
      %mul3A_268 = arith.mulf %get3A_265, %exp3A : vector<16xf32>
      %add3A_269 = arith.addf %broadcast_in_dim3A_246, %mul3A_268 : vector<16xf32>
      %mul3A_270 = arith.mulf %exp3A, %exp3A : vector<16xf32>
      %add3A_271 = arith.addf %broadcast_in_dim3A_248, %mul3A_270 : vector<16xf32>
      %add3A_272 = arith.addf %broadcast_in_dim3A_250, %exp3A : vector<16xf32>
      %get3A_273 = arith.constant 1 : i32
      %get3A_274 = arith.constant 0 : i32
      %get3A_275 = arith.constant 0 : i32
      %get3A_276 = tpu.memref_slice %arg8[%get3A_273, %get3A_274, %get3A_275] : memref<2x128x128xf32, #tpu.memory_space<vmem>> -> memref<1x128x128xf32, #tpu.memory_space<vmem>>
      %get3A_277 = tpu.memref_squeeze %get3A_276 : memref<1x128x128xf32, #tpu.memory_space<vmem>> -> memref<128x128xf32, #tpu.memory_space<vmem>>
      %get3A_278 = arith.index_cast %scan3A_242 : i32 to index
      %get3A_279 = arith.constant 16 : index
      %get3A_280 = tpu.vector_load %get3A_277[%get3A_278, %get3A_279] {strides = array<i32>} : memref<128x128xf32, #tpu.memory_space<vmem>>, vector<16xf32>,
      %exp3A_281 = math.exp %get3A_280 : vector<16xf32>
      %get3A_282 = arith.constant 1 : i32
      %get3A_283 = arith.constant 0 : i32
      %get3A_284 = arith.constant 0 : i32
      %get3A_285 = tpu.memref_slice %arg7[%get3A_282, %get3A_283, %get3A_284] : memref<2x128x128xf32, #tpu.memory_space<vmem>> -> memref<1x128x128xf32, #tpu.memory_space<vmem>>
      %get3A_286 = tpu.memref_squeeze %get3A_285 : memref<1x128x128xf32, #tpu.memory_space<vmem>> -> memref<128x128xf32, #tpu.memory_space<vmem>>
      %get3A_287 = arith.index_cast %scan3A_242 : i32 to index
      %get3A_288 = arith.constant 16 : index
      %get3A_289 = tpu.vector_load %get3A_286[%get3A_287, %get3A_288] {strides = array<i32>} : memref<128x128xf32, #tpu.memory_space<vmem>>, vector<16xf32>,
      %mul3A_290 = arith.mulf %get3A_289, %get3A_289 : vector<16xf32>
      %add3A_291 = arith.addf %add3A_267, %mul3A_290 : vector<16xf32>
      %mul3A_292 = arith.mulf %get3A_289, %exp3A_281 : vector<16xf32>
      %add3A_293 = arith.addf %add3A_269, %mul3A_292 : vector<16xf32>
      %mul3A_294 = arith.mulf %exp3A_281, %exp3A_281 : vector<16xf32>
      %add3A_295 = arith.addf %add3A_271, %mul3A_294 : vector<16xf32>
      %add3A_296 = arith.addf %add3A_272, %exp3A_281 : vector<16xf32>
      %get3A_297 = arith.constant 1 : i32
      %get3A_298 = arith.constant 0 : i32
      %get3A_299 = arith.constant 0 : i32
      %get3A_300 = tpu.memref_slice %arg8[%get3A_297, %get3A_298, %get3A_299] : memref<2x128x128xf32, #tpu.memory_space<vmem>> -> memref<1x128x128xf32, #tpu.memory_space<vmem>>
      %get3A_301 = tpu.memref_squeeze %get3A_300 : memref<1x128x128xf32, #tpu.memory_space<vmem>> -> memref<128x128xf32, #tpu.memory_space<vmem>>
      %get3A_302 = arith.index_cast %scan3A_242 : i32 to index
      %get3A_303 = arith.constant 32 : index
      %get3A_304 = tpu.vector_load %get3A_301[%get3A_302, %get3A_303] {strides = array<i32>} : memref<128x128xf32, #tpu.memory_space<vmem>>, vector<16xf32>,
      %exp3A_305 = math.exp %get3A_304 : vector<16xf32>
      %get3A_306 = arith.constant 1 : i32
      %get3A_307 = arith.constant 0 : i32
      %get3A_308 = arith.constant 0 : i32
      %get3A_309 = tpu.memref_slice %arg7[%get3A_306, %get3A_307, %get3A_308] : memref<2x128x128xf32, #tpu.memory_space<vmem>> -> memref<1x128x128xf32, #tpu.memory_space<vmem>>
      %get3A_310 = tpu.memref_squeeze %get3A_309 : memref<1x128x128xf32, #tpu.memory_space<vmem>> -> memref<128x128xf32, #tpu.memory_space<vmem>>
      %get3A_311 = arith.index_cast %scan3A_242 : i32 to index
      %get3A_312 = arith.constant 32 : index
      %get3A_313 = tpu.vector_load %get3A_310[%get3A_311, %get3A_312] {strides = array<i32>} : memref<128x128xf32, #tpu.memory_space<vmem>>, vector<16xf32>,
      %mul3A_314 = arith.mulf %get3A_313, %get3A_313 : vector<16xf32>
      %add3A_315 = arith.addf %add3A_291, %mul3A_314 : vector<16xf32>
      %mul3A_316 = arith.mulf %get3A_313, %exp3A_305 : vector<16xf32>
      %add3A_317 = arith.addf %add3A_293, %mul3A_316 : vector<16xf32>
      %mul3A_318 = arith.mulf %exp3A_305, %exp3A_305 : vector<16xf32>
      %add3A_319 = arith.addf %add3A_295, %mul3A_318 : vector<16xf32>
      %add3A_320 = arith.addf %add3A_296, %exp3A_305 : vector<16xf32>
      %get3A_321 = arith.constant 1 : i32
      %get3A_322 = arith.constant 0 : i32
      %get3A_323 = arith.constant 0 : i32
      %get3A_324 = tpu.memref_slice %arg8[%get3A_321, %get3A_322, %get3A_323] : memref<2x128x128xf32, #tpu.memory_space<vmem>> -> memref<1x128x128xf32, #tpu.memory_space<vmem>>
      %get3A_325 = tpu.memref_squeeze %get3A_324 : memref<1x128x128xf32, #tpu.memory_space<vmem>> -> memref<128x128xf32, #tpu.memory_space<vmem>>
      %get3A_326 = arith.index_cast %scan3A_242 : i32 to index
      %get3A_327 = arith.constant 48 : index
      %get3A_328 = tpu.vector_load %get3A_325[%get3A_326, %get3A_327] {strides = array<i32>} : memref<128x128xf32, #tpu.memory_space<vmem>>, vector<16xf32>,
      %exp3A_329 = math.exp %get3A_328 : vector<16xf32>
      %get3A_330 = arith.constant 1 : i32
      %get3A_331 = arith.constant 0 : i32
      %get3A_332 = arith.constant 0 : i32
      %get3A_333 = tpu.memref_slice %arg7[%get3A_330, %get3A_331, %get3A_332] : memref<2x128x128xf32, #tpu.memory_space<vmem>> -> memref<1x128x128xf32, #tpu.memory_space<vmem>>
      %get3A_334 = tpu.memref_squeeze %get3A_333 : memref<1x128x128xf32, #tpu.memory_space<vmem>> -> memref<128x128xf32, #tpu.memory_space<vmem>>
      %get3A_335 = arith.index_cast %scan3A_242 : i32 to index
      %get3A_336 = arith.constant 48 : index
      %get3A_337 = tpu.vector_load %get3A_334[%get3A_335, %get3A_336] {strides = array<i32>} : memref<128x128xf32, #tpu.memory_space<vmem>>, vector<16xf32>,
      %mul3A_338 = arith.mulf %get3A_337, %get3A_337 : vector<16xf32>
      %add3A_339 = arith.addf %add3A_315, %mul3A_338 : vector<16xf32>
      %mul3A_340 = arith.mulf %get3A_337, %exp3A_329 : vector<16xf32>
      %add3A_341 = arith.addf %add3A_317, %mul3A_340 : vector<16xf32>
      %mul3A_342 = arith.mulf %exp3A_329, %exp3A_329 : vector<16xf32>
      %add3A_343 = arith.addf %add3A_319, %mul3A_342 : vector<16xf32>
      %add3A_344 = arith.addf %add3A_320, %exp3A_329 : vector<16xf32>
      %get3A_345 = arith.constant 1 : i32
      %get3A_346 = arith.constant 0 : i32
      %get3A_347 = arith.constant 0 : i32
      %get3A_348 = tpu.memref_slice %arg8[%get3A_345, %get3A_346, %get3A_347] : memref<2x128x128xf32, #tpu.memory_space<vmem>> -> memref<1x128x128xf32, #tpu.memory_space<vmem>>
      %get3A_349 = tpu.memref_squeeze %get3A_348 : memref<1x128x128xf32, #tpu.memory_space<vmem>> -> memref<128x128xf32, #tpu.memory_space<vmem>>
      %get3A_350 = arith.index_cast %scan3A_242 : i32 to index
      %get3A_351 = arith.constant 64 : index
      %get3A_352 = tpu.vector_load %get3A_349[%get3A_350, %get3A_351] {strides = array<i32>} : memref<128x128xf32, #tpu.memory_space<vmem>>, vector<16xf32>,
      %exp3A_353 = math.exp %get3A_352 : vector<16xf32>
      %get3A_354 = arith.constant 1 : i32
      %get3A_355 = arith.constant 0 : i32
      %get3A_356 = arith.constant 0 : i32
      %get3A_357 = tpu.memref_slice %arg7[%get3A_354, %get3A_355, %get3A_356] : memref<2x128x128xf32, #tpu.memory_space<vmem>> -> memref<1x128x128xf32, #tpu.memory_space<vmem>>
      %get3A_358 = tpu.memref_squeeze %get3A_357 : memref<1x128x128xf32, #tpu.memory_space<vmem>> -> memref<128x128xf32, #tpu.memory_space<vmem>>
      %get3A_359 = arith.index_cast %scan3A_242 : i32 to index
      %get3A_360 = arith.constant 64 : index
      %get3A_361 = tpu.vector_load %get3A_358[%get3A_359, %get3A_360] {strides = array<i32>} : memref<128x128xf32, #tpu.memory_space<vmem>>, vector<16xf32>,
      %mul3A_362 = arith.mulf %get3A_361, %get3A_361 : vector<16xf32>
      %add3A_363 = arith.addf %add3A_339, %mul3A_362 : vector<16xf32>
      %mul3A_364 = arith.mulf %get3A_361, %exp3A_353 : vector<16xf32>
      %add3A_365 = arith.addf %add3A_341, %mul3A_364 : vector<16xf32>
      %mul3A_366 = arith.mulf %exp3A_353, %exp3A_353 : vector<16xf32>
      %add3A_367 = arith.addf %add3A_343, %mul3A_366 : vector<16xf32>
      %add3A_368 = arith.addf %add3A_344, %exp3A_353 : vector<16xf32>
      %get3A_369 = arith.constant 1 : i32
      %get3A_370 = arith.constant 0 : i32
      %get3A_371 = arith.constant 0 : i32
      %get3A_372 = tpu.memref_slice %arg8[%get3A_369, %get3A_370, %get3A_371] : memref<2x128x128xf32, #tpu.memory_space<vmem>> -> memref<1x128x128xf32, #tpu.memory_space<vmem>>
      %get3A_373 = tpu.memref_squeeze %get3A_372 : memref<1x128x128xf32, #tpu.memory_space<vmem>> -> memref<128x128xf32, #tpu.memory_space<vmem>>
      %get3A_374 = arith.index_cast %scan3A_242 : i32 to index
      %get3A_375 = arith.constant 80 : index
      %get3A_376 = tpu.vector_load %get3A_373[%get3A_374, %get3A_375] {strides = array<i32>} : memref<128x128xf32, #tpu.memory_space<vmem>>, vector<16xf32>,
      %exp3A_377 = math.exp %get3A_376 : vector<16xf32>
      %get3A_378 = arith.constant 1 : i32
      %get3A_379 = arith.constant 0 : i32
      %get3A_380 = arith.constant 0 : i32
      %get3A_381 = tpu.memref_slice %arg7[%get3A_378, %get3A_379, %get3A_380] : memref<2x128x128xf32, #tpu.memory_space<vmem>> -> memref<1x128x128xf32, #tpu.memory_space<vmem>>
      %get3A_382 = tpu.memref_squeeze %get3A_381 : memref<1x128x128xf32, #tpu.memory_space<vmem>> -> memref<128x128xf32, #tpu.memory_space<vmem>>
      %get3A_383 = arith.index_cast %scan3A_242 : i32 to index
      %get3A_384 = arith.constant 80 : index
      %get3A_385 = tpu.vector_load %get3A_382[%get3A_383, %get3A_384] {strides = array<i32>} : memref<128x128xf32, #tpu.memory_space<vmem>>, vector<16xf32>,
      %mul3A_386 = arith.mulf %get3A_385, %get3A_385 : vector<16xf32>
      %add3A_387 = arith.addf %add3A_363, %mul3A_386 : vector<16xf32>
      %mul3A_388 = arith.mulf %get3A_385, %exp3A_377 : vector<16xf32>
      %add3A_389 = arith.addf %add3A_365, %mul3A_388 : vector<16xf32>
      %mul3A_390 = arith.mulf %exp3A_377, %exp3A_377 : vector<16xf32>
      %add3A_391 = arith.addf %add3A_367, %mul3A_390 : vector<16xf32>
      %add3A_392 = arith.addf %add3A_368, %exp3A_377 : vector<16xf32>
      %get3A_393 = arith.constant 1 : i32
      %get3A_394 = arith.constant 0 : i32
      %get3A_395 = arith.constant 0 : i32
      %get3A_396 = tpu.memref_slice %arg8[%get3A_393, %get3A_394, %get3A_395] : memref<2x128x128xf32, #tpu.memory_space<vmem>> -> memref<1x128x128xf32, #tpu.memory_space<vmem>>
      %get3A_397 = tpu.memref_squeeze %get3A_396 : memref<1x128x128xf32, #tpu.memory_space<vmem>> -> memref<128x128xf32, #tpu.memory_space<vmem>>
      %get3A_398 = arith.index_cast %scan3A_242 : i32 to index
      %get3A_399 = arith.constant 96 : index
      %get3A_400 = tpu.vector_load %get3A_397[%get3A_398, %get3A_399] {strides = array<i32>} : memref<128x128xf32, #tpu.memory_space<vmem>>, vector<16xf32>,
      %exp3A_401 = math.exp %get3A_400 : vector<16xf32>
      %get3A_402 = arith.constant 1 : i32
      %get3A_403 = arith.constant 0 : i32
      %get3A_404 = arith.constant 0 : i32
      %get3A_405 = tpu.memref_slice %arg7[%get3A_402, %get3A_403, %get3A_404] : memref<2x128x128xf32, #tpu.memory_space<vmem>> -> memref<1x128x128xf32, #tpu.memory_space<vmem>>
      %get3A_406 = tpu.memref_squeeze %get3A_405 : memref<1x128x128xf32, #tpu.memory_space<vmem>> -> memref<128x128xf32, #tpu.memory_space<vmem>>
      %get3A_407 = arith.index_cast %scan3A_242 : i32 to index
      %get3A_408 = arith.constant 96 : index
      %get3A_409 = tpu.vector_load %get3A_406[%get3A_407, %get3A_408] {strides = array<i32>} : memref<128x128xf32, #tpu.memory_space<vmem>>, vector<16xf32>,
      %mul3A_410 = arith.mulf %get3A_409, %get3A_409 : vector<16xf32>
      %add3A_411 = arith.addf %add3A_387, %mul3A_410 : vector<16xf32>
      %mul3A_412 = arith.mulf %get3A_409, %exp3A_401 : vector<16xf32>
      %add3A_413 = arith.addf %add3A_389, %mul3A_412 : vector<16xf32>
      %mul3A_414 = arith.mulf %exp3A_401, %exp3A_401 : vector<16xf32>
      %add3A_415 = arith.addf %add3A_391, %mul3A_414 : vector<16xf32>
      %add3A_416 = arith.addf %add3A_392, %exp3A_401 : vector<16xf32>
      %get3A_417 = arith.constant 1 : i32
      %get3A_418 = arith.constant 0 : i32
      %get3A_419 = arith.constant 0 : i32
      %get3A_420 = tpu.memref_slice %arg8[%get3A_417, %get3A_418, %get3A_419] : memref<2x128x128xf32, #tpu.memory_space<vmem>> -> memref<1x128x128xf32, #tpu.memory_space<vmem>>
      %get3A_421 = tpu.memref_squeeze %get3A_420 : memref<1x128x128xf32, #tpu.memory_space<vmem>> -> memref<128x128xf32, #tpu.memory_space<vmem>>
      %get3A_422 = arith.index_cast %scan3A_242 : i32 to index
      %get3A_423 = arith.constant 112 : index
      %get3A_424 = tpu.vector_load %get3A_421[%get3A_422, %get3A_423] {strides = array<i32>} : memref<128x128xf32, #tpu.memory_space<vmem>>, vector<16xf32>,
      %exp3A_425 = math.exp %get3A_424 : vector<16xf32>
      %get3A_426 = arith.constant 1 : i32
      %get3A_427 = arith.constant 0 : i32
      %get3A_428 = arith.constant 0 : i32
      %get3A_429 = tpu.memref_slice %arg7[%get3A_426, %get3A_427, %get3A_428] : memref<2x128x128xf32, #tpu.memory_space<vmem>> -> memref<1x128x128xf32, #tpu.memory_space<vmem>>
      %get3A_430 = tpu.memref_squeeze %get3A_429 : memref<1x128x128xf32, #tpu.memory_space<vmem>> -> memref<128x128xf32, #tpu.memory_space<vmem>>
      %get3A_431 = arith.index_cast %scan3A_242 : i32 to index
      %get3A_432 = arith.constant 112 : index
      %get3A_433 = tpu.vector_load %get3A_430[%get3A_431, %get3A_432] {strides = array<i32>} : memref<128x128xf32, #tpu.memory_space<vmem>>, vector<16xf32>,
      %mul3A_434 = arith.mulf %get3A_433, %get3A_433 : vector<16xf32>
      %add3A_435 = arith.addf %add3A_411, %mul3A_434 : vector<16xf32>
      %mul3A_436 = arith.mulf %get3A_433, %exp3A_425 : vector<16xf32>
      %add3A_437 = arith.addf %add3A_413, %mul3A_436 : vector<16xf32>
      %mul3A_438 = arith.mulf %exp3A_425, %exp3A_425 : vector<16xf32>
      %add3A_439 = arith.addf %add3A_415, %mul3A_438 : vector<16xf32>
      %add3A_440 = arith.addf %add3A_416, %exp3A_425 : vector<16xf32>
      %reduce_sum3A = arith.constant true
      %reduce_sum3A_441 = vector.broadcast %reduce_sum3A : i1 to vector<16xi1>
      %reduce_sum3A_442 = tpu.scan <sum>, %add3A_440 masked %reduce_sum3A_441 : vector<16xf32>, vector<16xi1> -> vector<16xf32>
      %reduce_sum3A_443 = vector.extract %reduce_sum3A_442[15] : f32 from vector<16xf32>
      %broadcast_in_dim3A_444 = vector.broadcast %reduce_sum3A_443 : f32 to vector<16xf32>
      %add3A_445 = arith.addf %broadcast_in_dim3A_444, %broadcast_in_dim3A_444 : vector<16xf32>
      %mul3A_446 = arith.mulf %add3A_445, %add3A_437 : vector<16xf32>
      %sub3A = arith.subf %add3A_439, %mul3A_446 : vector<16xf32>
      %mul3A_447 = arith.mulf %broadcast_in_dim3A_444, %broadcast_in_dim3A_444 : vector<16xf32>
      %div3A = arith.divf %sub3A, %mul3A_447 : vector<16xf32>
      %add3A_448 = arith.addf %scan3A_244, %div3A : vector<16xf32>
      %scan3A_449 = arith.constant 1 : i32
      %scan3A_450 = arith.addi %scan3A_242, %scan3A_449 : i32
      %broadcast_in_dim3A_451 = arith.constant 0.000000e+00 : f32
      %broadcast_in_dim3A_452 = vector.broadcast %broadcast_in_dim3A_451 : f32 to vector<16xf32>
      %broadcast_in_dim3A_453 = arith.constant 0.000000e+00 : f32
      %broadcast_in_dim3A_454 = vector.broadcast %broadcast_in_dim3A_453 : f32 to vector<16xf32>
      %broadcast_in_dim3A_455 = arith.constant 0.000000e+00 : f32
      %broadcast_in_dim3A_456 = vector.broadcast %broadcast_in_dim3A_455 : f32 to vector<16xf32>
      %get3A_457 = arith.constant 1 : i32
      %get3A_458 = arith.constant 0 : i32
      %get3A_459 = arith.constant 0 : i32
      %get3A_460 = tpu.memref_slice %arg8[%get3A_457, %get3A_458, %get3A_459] : memref<2x128x128xf32, #tpu.memory_space<vmem>> -> memref<1x128x128xf32, #tpu.memory_space<vmem>>
      %get3A_461 = tpu.memref_squeeze %get3A_460 : memref<1x128x128xf32, #tpu.memory_space<vmem>> -> memref<128x128xf32, #tpu.memory_space<vmem>>
      %get3A_462 = arith.index_cast %scan3A_450 : i32 to index
      %get3A_463 = arith.constant 0 : index
      %get3A_464 = tpu.vector_load %get3A_461[%get3A_462, %get3A_463] {strides = array<i32>} : memref<128x128xf32, #tpu.memory_space<vmem>>, vector<16xf32>,
      %exp3A_465 = math.exp %get3A_464 : vector<16xf32>
      %get3A_466 = arith.constant 1 : i32
      %get3A_467 = arith.constant 0 : i32
      %get3A_468 = arith.constant 0 : i32
      %get3A_469 = tpu.memref_slice %arg7[%get3A_466, %get3A_467, %get3A_468] : memref<2x128x128xf32, #tpu.memory_space<vmem>> -> memref<1x128x128xf32, #tpu.memory_space<vmem>>
      %get3A_470 = tpu.memref_squeeze %get3A_469 : memref<1x128x128xf32, #tpu.memory_space<vmem>> -> memref<128x128xf32, #tpu.memory_space<vmem>>
      %get3A_471 = arith.index_cast %scan3A_450 : i32 to index
      %get3A_472 = arith.constant 0 : index
      %get3A_473 = tpu.vector_load %get3A_470[%get3A_471, %get3A_472] {strides = array<i32>} : memref<128x128xf32, #tpu.memory_space<vmem>>, vector<16xf32>,
      %mul3A_474 = arith.mulf %get3A_473, %get3A_473 : vector<16xf32>
      %add3A_475 = arith.addf %add3A_435, %mul3A_474 : vector<16xf32>
      %mul3A_476 = arith.mulf %get3A_473, %exp3A_465 : vector<16xf32>
      %add3A_477 = arith.addf %broadcast_in_dim3A_452, %mul3A_476 : vector<16xf32>
      %mul3A_478 = arith.mulf %exp3A_465, %exp3A_465 : vector<16xf32>
      %add3A_479 = arith.addf %broadcast_in_dim3A_454, %mul3A_478 : vector<16xf32>
      %add3A_480 = arith.addf %broadcast_in_dim3A_456, %exp3A_465 : vector<16xf32>
      %get3A_481 = arith.constant 1 : i32
      %get3A_482 = arith.constant 0 : i32
      %get3A_483 = arith.constant 0 : i32
      %get3A_484 = tpu.memref_slice %arg8[%get3A_481, %get3A_482, %get3A_483] : memref<2x128x128xf32, #tpu.memory_space<vmem>> -> memref<1x128x128xf32, #tpu.memory_space<vmem>>
      %get3A_485 = tpu.memref_squeeze %get3A_484 : memref<1x128x128xf32, #tpu.memory_space<vmem>> -> memref<128x128xf32, #tpu.memory_space<vmem>>
      %get3A_486 = arith.index_cast %scan3A_450 : i32 to index
      %get3A_487 = arith.constant 16 : index
      %get3A_488 = tpu.vector_load %get3A_485[%get3A_486, %get3A_487] {strides = array<i32>} : memref<128x128xf32, #tpu.memory_space<vmem>>, vector<16xf32>,
      %exp3A_489 = math.exp %get3A_488 : vector<16xf32>
      %get3A_490 = arith.constant 1 : i32
      %get3A_491 = arith.constant 0 : i32
      %get3A_492 = arith.constant 0 : i32
      %get3A_493 = tpu.memref_slice %arg7[%get3A_490, %get3A_491, %get3A_492] : memref<2x128x128xf32, #tpu.memory_space<vmem>> -> memref<1x128x128xf32, #tpu.memory_space<vmem>>
      %get3A_494 = tpu.memref_squeeze %get3A_493 : memref<1x128x128xf32, #tpu.memory_space<vmem>> -> memref<128x128xf32, #tpu.memory_space<vmem>>
      %get3A_495 = arith.index_cast %scan3A_450 : i32 to index
      %get3A_496 = arith.constant 16 : index
      %get3A_497 = tpu.vector_load %get3A_494[%get3A_495, %get3A_496] {strides = array<i32>} : memref<128x128xf32, #tpu.memory_space<vmem>>, vector<16xf32>,
      %mul3A_498 = arith.mulf %get3A_497, %get3A_497 : vector<16xf32>
      %add3A_499 = arith.addf %add3A_475, %mul3A_498 : vector<16xf32>
      %mul3A_500 = arith.mulf %get3A_497, %exp3A_489 : vector<16xf32>
      %add3A_501 = arith.addf %add3A_477, %mul3A_500 : vector<16xf32>
      %mul3A_502 = arith.mulf %exp3A_489, %exp3A_489 : vector<16xf32>
      %add3A_503 = arith.addf %add3A_479, %mul3A_502 : vector<16xf32>
      %add3A_504 = arith.addf %add3A_480, %exp3A_489 : vector<16xf32>
      %get3A_505 = arith.constant 1 : i32
      %get3A_506 = arith.constant 0 : i32
      %get3A_507 = arith.constant 0 : i32
      %get3A_508 = tpu.memref_slice %arg8[%get3A_505, %get3A_506, %get3A_507] : memref<2x128x128xf32, #tpu.memory_space<vmem>> -> memref<1x128x128xf32, #tpu.memory_space<vmem>>
      %get3A_509 = tpu.memref_squeeze %get3A_508 : memref<1x128x128xf32, #tpu.memory_space<vmem>> -> memref<128x128xf32, #tpu.memory_space<vmem>>
      %get3A_510 = arith.index_cast %scan3A_450 : i32 to index
      %get3A_511 = arith.constant 32 : index
      %get3A_512 = tpu.vector_load %get3A_509[%get3A_510, %get3A_511] {strides = array<i32>} : memref<128x128xf32, #tpu.memory_space<vmem>>, vector<16xf32>,
      %exp3A_513 = math.exp %get3A_512 : vector<16xf32>
      %get3A_514 = arith.constant 1 : i32
      %get3A_515 = arith.constant 0 : i32
      %get3A_516 = arith.constant 0 : i32
      %get3A_517 = tpu.memref_slice %arg7[%get3A_514, %get3A_515, %get3A_516] : memref<2x128x128xf32, #tpu.memory_space<vmem>> -> memref<1x128x128xf32, #tpu.memory_space<vmem>>
      %get3A_518 = tpu.memref_squeeze %get3A_517 : memref<1x128x128xf32, #tpu.memory_space<vmem>> -> memref<128x128xf32, #tpu.memory_space<vmem>>
      %get3A_519 = arith.index_cast %scan3A_450 : i32 to index
      %get3A_520 = arith.constant 32 : index
      %get3A_521 = tpu.vector_load %get3A_518[%get3A_519, %get3A_520] {strides = array<i32>} : memref<128x128xf32, #tpu.memory_space<vmem>>, vector<16xf32>,
      %mul3A_522 = arith.mulf %get3A_521, %get3A_521 : vector<16xf32>
      %add3A_523 = arith.addf %add3A_499, %mul3A_522 : vector<16xf32>
      %mul3A_524 = arith.mulf %get3A_521, %exp3A_513 : vector<16xf32>
      %add3A_525 = arith.addf %add3A_501, %mul3A_524 : vector<16xf32>
      %mul3A_526 = arith.mulf %exp3A_513, %exp3A_513 : vector<16xf32>
      %add3A_527 = arith.addf %add3A_503, %mul3A_526 : vector<16xf32>
      %add3A_528 = arith.addf %add3A_504, %exp3A_513 : vector<16xf32>
      %get3A_529 = arith.constant 1 : i32
      %get3A_530 = arith.constant 0 : i32
      %get3A_531 = arith.constant 0 : i32
      %get3A_532 = tpu.memref_slice %arg8[%get3A_529, %get3A_530, %get3A_531] : memref<2x128x128xf32, #tpu.memory_space<vmem>> -> memref<1x128x128xf32, #tpu.memory_space<vmem>>
      %get3A_533 = tpu.memref_squeeze %get3A_532 : memref<1x128x128xf32, #tpu.memory_space<vmem>> -> memref<128x128xf32, #tpu.memory_space<vmem>>
      %get3A_534 = arith.index_cast %scan3A_450 : i32 to index
      %get3A_535 = arith.constant 48 : index
      %get3A_536 = tpu.vector_load %get3A_533[%get3A_534, %get3A_535] {strides = array<i32>} : memref<128x128xf32, #tpu.memory_space<vmem>>, vector<16xf32>,
      %exp3A_537 = math.exp %get3A_536 : vector<16xf32>
      %get3A_538 = arith.constant 1 : i32
      %get3A_539 = arith.constant 0 : i32
      %get3A_540 = arith.constant 0 : i32
      %get3A_541 = tpu.memref_slice %arg7[%get3A_538, %get3A_539, %get3A_540] : memref<2x128x128xf32, #tpu.memory_space<vmem>> -> memref<1x128x128xf32, #tpu.memory_space<vmem>>
      %get3A_542 = tpu.memref_squeeze %get3A_541 : memref<1x128x128xf32, #tpu.memory_space<vmem>> -> memref<128x128xf32, #tpu.memory_space<vmem>>
      %get3A_543 = arith.index_cast %scan3A_450 : i32 to index
      %get3A_544 = arith.constant 48 : index
      %get3A_545 = tpu.vector_load %get3A_542[%get3A_543, %get3A_544] {strides = array<i32>} : memref<128x128xf32, #tpu.memory_space<vmem>>, vector<16xf32>,
      %mul3A_546 = arith.mulf %get3A_545, %get3A_545 : vector<16xf32>
      %add3A_547 = arith.addf %add3A_523, %mul3A_546 : vector<16xf32>
      %mul3A_548 = arith.mulf %get3A_545, %exp3A_537 : vector<16xf32>
      %add3A_549 = arith.addf %add3A_525, %mul3A_548 : vector<16xf32>
      %mul3A_550 = arith.mulf %exp3A_537, %exp3A_537 : vector<16xf32>
      %add3A_551 = arith.addf %add3A_527, %mul3A_550 : vector<16xf32>
      %add3A_552 = arith.addf %add3A_528, %exp3A_537 : vector<16xf32>
      %get3A_553 = arith.constant 1 : i32
      %get3A_554 = arith.constant 0 : i32
      %get3A_555 = arith.constant 0 : i32
      %get3A_556 = tpu.memref_slice %arg8[%get3A_553, %get3A_554, %get3A_555] : memref<2x128x128xf32, #tpu.memory_space<vmem>> -> memref<1x128x128xf32, #tpu.memory_space<vmem>>
      %get3A_557 = tpu.memref_squeeze %get3A_556 : memref<1x128x128xf32, #tpu.memory_space<vmem>> -> memref<128x128xf32, #tpu.memory_space<vmem>>
      %get3A_558 = arith.index_cast %scan3A_450 : i32 to index
      %get3A_559 = arith.constant 64 : index
      %get3A_560 = tpu.vector_load %get3A_557[%get3A_558, %get3A_559] {strides = array<i32>} : memref<128x128xf32, #tpu.memory_space<vmem>>, vector<16xf32>,
      %exp3A_561 = math.exp %get3A_560 : vector<16xf32>
      %get3A_562 = arith.constant 1 : i32
      %get3A_563 = arith.constant 0 : i32
      %get3A_564 = arith.constant 0 : i32
      %get3A_565 = tpu.memref_slice %arg7[%get3A_562, %get3A_563, %get3A_564] : memref<2x128x128xf32, #tpu.memory_space<vmem>> -> memref<1x128x128xf32, #tpu.memory_space<vmem>>
      %get3A_566 = tpu.memref_squeeze %get3A_565 : memref<1x128x128xf32, #tpu.memory_space<vmem>> -> memref<128x128xf32, #tpu.memory_space<vmem>>
      %get3A_567 = arith.index_cast %scan3A_450 : i32 to index
      %get3A_568 = arith.constant 64 : index
      %get3A_569 = tpu.vector_load %get3A_566[%get3A_567, %get3A_568] {strides = array<i32>} : memref<128x128xf32, #tpu.memory_space<vmem>>, vector<16xf32>,
      %mul3A_570 = arith.mulf %get3A_569, %get3A_569 : vector<16xf32>
      %add3A_571 = arith.addf %add3A_547, %mul3A_570 : vector<16xf32>
      %mul3A_572 = arith.mulf %get3A_569, %exp3A_561 : vector<16xf32>
      %add3A_573 = arith.addf %add3A_549, %mul3A_572 : vector<16xf32>
      %mul3A_574 = arith.mulf %exp3A_561, %exp3A_561 : vector<16xf32>
      %add3A_575 = arith.addf %add3A_551, %mul3A_574 : vector<16xf32>
      %add3A_576 = arith.addf %add3A_552, %exp3A_561 : vector<16xf32>
      %get3A_577 = arith.constant 1 : i32
      %get3A_578 = arith.constant 0 : i32
      %get3A_579 = arith.constant 0 : i32
      %get3A_580 = tpu.memref_slice %arg8[%get3A_577, %get3A_578, %get3A_579] : memref<2x128x128xf32, #tpu.memory_space<vmem>> -> memref<1x128x128xf32, #tpu.memory_space<vmem>>
      %get3A_581 = tpu.memref_squeeze %get3A_580 : memref<1x128x128xf32, #tpu.memory_space<vmem>> -> memref<128x128xf32, #tpu.memory_space<vmem>>
      %get3A_582 = arith.index_cast %scan3A_450 : i32 to index
      %get3A_583 = arith.constant 80 : index
      %get3A_584 = tpu.vector_load %get3A_581[%get3A_582, %get3A_583] {strides = array<i32>} : memref<128x128xf32, #tpu.memory_space<vmem>>, vector<16xf32>,
      %exp3A_585 = math.exp %get3A_584 : vector<16xf32>
      %get3A_586 = arith.constant 1 : i32
      %get3A_587 = arith.constant 0 : i32
      %get3A_588 = arith.constant 0 : i32
      %get3A_589 = tpu.memref_slice %arg7[%get3A_586, %get3A_587, %get3A_588] : memref<2x128x128xf32, #tpu.memory_space<vmem>> -> memref<1x128x128xf32, #tpu.memory_space<vmem>>
      %get3A_590 = tpu.memref_squeeze %get3A_589 : memref<1x128x128xf32, #tpu.memory_space<vmem>> -> memref<128x128xf32, #tpu.memory_space<vmem>>
      %get3A_591 = arith.index_cast %scan3A_450 : i32 to index
      %get3A_592 = arith.constant 80 : index
      %get3A_593 = tpu.vector_load %get3A_590[%get3A_591, %get3A_592] {strides = array<i32>} : memref<128x128xf32, #tpu.memory_space<vmem>>, vector<16xf32>,
      %mul3A_594 = arith.mulf %get3A_593, %get3A_593 : vector<16xf32>
      %add3A_595 = arith.addf %add3A_571, %mul3A_594 : vector<16xf32>
      %mul3A_596 = arith.mulf %get3A_593, %exp3A_585 : vector<16xf32>
      %add3A_597 = arith.addf %add3A_573, %mul3A_596 : vector<16xf32>
      %mul3A_598 = arith.mulf %exp3A_585, %exp3A_585 : vector<16xf32>
      %add3A_599 = arith.addf %add3A_575, %mul3A_598 : vector<16xf32>
      %add3A_600 = arith.addf %add3A_576, %exp3A_585 : vector<16xf32>
      %get3A_601 = arith.constant 1 : i32
      %get3A_602 = arith.constant 0 : i32
      %get3A_603 = arith.constant 0 : i32
      %get3A_604 = tpu.memref_slice %arg8[%get3A_601, %get3A_602, %get3A_603] : memref<2x128x128xf32, #tpu.memory_space<vmem>> -> memref<1x128x128xf32, #tpu.memory_space<vmem>>
      %get3A_605 = tpu.memref_squeeze %get3A_604 : memref<1x128x128xf32, #tpu.memory_space<vmem>> -> memref<128x128xf32, #tpu.memory_space<vmem>>
      %get3A_606 = arith.index_cast %scan3A_450 : i32 to index
      %get3A_607 = arith.constant 96 : index
      %get3A_608 = tpu.vector_load %get3A_605[%get3A_606, %get3A_607] {strides = array<i32>} : memref<128x128xf32, #tpu.memory_space<vmem>>, vector<16xf32>,
      %exp3A_609 = math.exp %get3A_608 : vector<16xf32>
      %get3A_610 = arith.constant 1 : i32
      %get3A_611 = arith.constant 0 : i32
      %get3A_612 = arith.constant 0 : i32
      %get3A_613 = tpu.memref_slice %arg7[%get3A_610, %get3A_611, %get3A_612] : memref<2x128x128xf32, #tpu.memory_space<vmem>> -> memref<1x128x128xf32, #tpu.memory_space<vmem>>
      %get3A_614 = tpu.memref_squeeze %get3A_613 : memref<1x128x128xf32, #tpu.memory_space<vmem>> -> memref<128x128xf32, #tpu.memory_space<vmem>>
      %get3A_615 = arith.index_cast %scan3A_450 : i32 to index
      %get3A_616 = arith.constant 96 : index
      %get3A_617 = tpu.vector_load %get3A_614[%get3A_615, %get3A_616] {strides = array<i32>} : memref<128x128xf32, #tpu.memory_space<vmem>>, vector<16xf32>,
      %mul3A_618 = arith.mulf %get3A_617, %get3A_617 : vector<16xf32>
      %add3A_619 = arith.addf %add3A_595, %mul3A_618 : vector<16xf32>
      %mul3A_620 = arith.mulf %get3A_617, %exp3A_609 : vector<16xf32>
      %add3A_621 = arith.addf %add3A_597, %mul3A_620 : vector<16xf32>
      %mul3A_622 = arith.mulf %exp3A_609, %exp3A_609 : vector<16xf32>
      %add3A_623 = arith.addf %add3A_599, %mul3A_622 : vector<16xf32>
      %add3A_624 = arith.addf %add3A_600, %exp3A_609 : vector<16xf32>
      %get3A_625 = arith.constant 1 : i32
      %get3A_626 = arith.constant 0 : i32
      %get3A_627 = arith.constant 0 : i32
      %get3A_628 = tpu.memref_slice %arg8[%get3A_625, %get3A_626, %get3A_627] : memref<2x128x128xf32, #tpu.memory_space<vmem>> -> memref<1x128x128xf32, #tpu.memory_space<vmem>>
      %get3A_629 = tpu.memref_squeeze %get3A_628 : memref<1x128x128xf32, #tpu.memory_space<vmem>> -> memref<128x128xf32, #tpu.memory_space<vmem>>
      %get3A_630 = arith.index_cast %scan3A_450 : i32 to index
      %get3A_631 = arith.constant 112 : index
      %get3A_632 = tpu.vector_load %get3A_629[%get3A_630, %get3A_631] {strides = array<i32>} : memref<128x128xf32, #tpu.memory_space<vmem>>, vector<16xf32>,
      %exp3A_633 = math.exp %get3A_632 : vector<16xf32>
      %get3A_634 = arith.constant 1 : i32
      %get3A_635 = arith.constant 0 : i32
      %get3A_636 = arith.constant 0 : i32
      %get3A_637 = tpu.memref_slice %arg7[%get3A_634, %get3A_635, %get3A_636] : memref<2x128x128xf32, #tpu.memory_space<vmem>> -> memref<1x128x128xf32, #tpu.memory_space<vmem>>
      %get3A_638 = tpu.memref_squeeze %get3A_637 : memref<1x128x128xf32, #tpu.memory_space<vmem>> -> memref<128x128xf32, #tpu.memory_space<vmem>>
      %get3A_639 = arith.index_cast %scan3A_450 : i32 to index
      %get3A_640 = arith.constant 112 : index
      %get3A_641 = tpu.vector_load %get3A_638[%get3A_639, %get3A_640] {strides = array<i32>} : memref<128x128xf32, #tpu.memory_space<vmem>>, vector<16xf32>,
      %mul3A_642 = arith.mulf %get3A_641, %get3A_641 : vector<16xf32>
      %add3A_643 = arith.addf %add3A_619, %mul3A_642 : vector<16xf32>
      %mul3A_644 = arith.mulf %get3A_641, %exp3A_633 : vector<16xf32>
      %add3A_645 = arith.addf %add3A_621, %mul3A_644 : vector<16xf32>
      %mul3A_646 = arith.mulf %exp3A_633, %exp3A_633 : vector<16xf32>
      %add3A_647 = arith.addf %add3A_623, %mul3A_646 : vector<16xf32>
      %add3A_648 = arith.addf %add3A_624, %exp3A_633 : vector<16xf32>
      %reduce_sum3A_649 = arith.constant true
      %reduce_sum3A_650 = vector.broadcast %reduce_sum3A_649 : i1 to vector<16xi1>
      %reduce_sum3A_651 = tpu.scan <sum>, %add3A_648 masked %reduce_sum3A_650 : vector<16xf32>, vector<16xi1> -> vector<16xf32>
      %reduce_sum3A_652 = vector.extract %reduce_sum3A_651[15] : f32 from vector<16xf32>
      %broadcast_in_dim3A_653 = vector.broadcast %reduce_sum3A_652 : f32 to vector<16xf32>
      %add3A_654 = arith.addf %broadcast_in_dim3A_653, %broadcast_in_dim3A_653 : vector<16xf32>
      %mul3A_655 = arith.mulf %add3A_654, %add3A_645 : vector<16xf32>
      %sub3A_656 = arith.subf %add3A_647, %mul3A_655 : vector<16xf32>
      %mul3A_657 = arith.mulf %broadcast_in_dim3A_653, %broadcast_in_dim3A_653 : vector<16xf32>
      %div3A_658 = arith.divf %sub3A_656, %mul3A_657 : vector<16xf32>
      %add3A_659 = arith.addf %add3A_448, %div3A_658 : vector<16xf32>
      scf.yield %add3A_643, %add3A_659 : vector<16xf32>, vector<16xf32>
    }
    %scan3A_237 = arith.constant 128 : i32
    %add3A_238 = arith.addf %scan3A_236#0, %scan3A_236#1 : vector<16xf32>
    %swap3A = arith.constant 0 : index
    %swap3A_239 = tpu.vector_load %arg9[%swap3A] {strides = array<i32>} : memref<16xf32, #tpu.memory_space<vmem>>, vector<16xf32>,
    tpu.vector_store %arg9[%swap3A], %add3A_238 {strides = array<i32>} : memref<16xf32, #tpu.memory_space<vmem>>, vector<16xf32>,
    %mul3A_240 = arith.constant 16 : i32
    %mul3A_241 = arith.muli %add3A, %mul3A_240 : i32
    "tpu.region"() ({
      %run_scoped3A_242 = tpu.sem_alloc : memref<!tpu.dma_semaphore, #tpu.memory_space<semaphore_mem>>
      %dma_start3A_243 = tpu.memref_slice %arg5[%mul3A_241] : memref<512xf32, #tpu.memory_space<hbm>> -> memref<16xf32, #tpu.memory_space<hbm>>
      %dma_start3A_244 = tpu.memref_slice %arg5[%mul3A_241] : memref<512xf32, #tpu.memory_space<hbm>> -> memref<16xf32, #tpu.memory_space<hbm>>
      tpu.enqueue_dma source(%arg9 : memref<16xf32, #tpu.memory_space<vmem>>) target(%dma_start3A_244 : memref<16xf32, #tpu.memory_space<hbm>>) target_semaphore(%run_scoped3A_242 : memref<!tpu.dma_semaphore, #tpu.memory_space<semaphore_mem>>)
      %dma_wait3A_245 = tpu.memref_slice %arg5[%mul3A_241] : memref<512xf32, #tpu.memory_space<hbm>> -> memref<16xf32, #tpu.memory_space<hbm>>
      %dma_wait3A_246 = tpu.memref_slice %arg5[%mul3A_241] : memref<512xf32, #tpu.memory_space<hbm>> -> memref<16xf32, #tpu.memory_space<hbm>>
      tpu.wait_dma2 semaphore(%run_scoped3A_242 : memref<!tpu.dma_semaphore, #tpu.memory_space<semaphore_mem>>) src(%arg9 : memref<16xf32, #tpu.memory_space<vmem>>) dst(%dma_wait3A_246 : memref<16xf32, #tpu.memory_space<hbm>>)
      tpu.yield
    }) : () -> ()
    return
  }
}

</mosaic_0001>

<sc_bundles>
// kernel: _sc_partials.3.cloned.1.call-start
scs
__scs_entry_jumppad:
0x0: {  	(pc) =	sbr.rel $0x88, $3  }
0x1: {  	(tag) =	ssettag $0x0;
	lr =	simm.s32 $0x1  }
0x2: {  	[smem:$0x3F9E] =	sst lr;
	_ =	strace $0xD0000000  }
0x3: {  	_ = 	snop  }
0x4: {  	_ = 	snop  }
0x5: {  	_ = 	snop  }
0x6: {  	_ = 	snop  }
0x7: {  	_ = 	snop  }
__scs_overlays_trampoline_lowered:
0x8: {  	[smem:$0x3FAD] =	sst s0  }
0x9: {  	[smem:$0x3FAE] =	sst s1  }
0xa: {  	[smem:$0x3FAF] =	sst s2  }
0xb: {  	[smem:$0x3FB0] =	sst s3  }
0xc: {  	[smem:$0x3FB1] =	sst s4  }
0xd: {  	[smem:$0x3FB2] =	sst s5  }
0xe: {  	[smem:$0x3FB3] =	sst s6  }
0xf: {  	[smem:$0x3FB4] =	sst s7  }
0x10: {  	[smem:$0x3FB5] =	sst s8  }
0x11: {  	[smem:$0x3FB6] =	sst s9;
	s0 =	simm.s32 @!p0 $0x0  }
0x12: {  	s1 =	sld [smem:$0x3F9C];
	s0 =	simm.s32 @p0 $0x1  }
0x13: {  	[smem:$0x3FB7] =	sst s0;
	s0 =	simm.s32 @!p1 $0x0  }
0x14: {  	s2 =	sld [smem:$0x3F9B];
	s0 =	simm.s32 @p1 $0x1  }
0x15: {  	[smem:$0x3FB8] =	sst s0;
	s0 =	simm.s32 @!p2 $0x0  }
0x16: {  	s3 =	sld [smem:$0x3FDB];
	s0 =	simm.s32 @p2 $0x1  }
0x17: {  	s4 =	simm.s32 $0x1BF5;
	[smem:$0x3FBA] =	sst s0  }
0x18: {  	s0 =	sld [smem:$0x3F9D];
	_ =	swait.ge [sflag:s4], $0x0  }
0x19: {  	s7 =	sld [smem:$0x3F9E]  }
0x1a: {  	s8 =	sadd.s32 $0xFFFFE003, lr  }
0x1b: {  	s9 =	sadd.s32 $0xFFFFFEF7, lr;
	s5 =	simm.s32 $0xFFFFFFFF;
	p2 =	slt.u32 s8, $0xFFFFF086  }
0x1c: {  	p1 =	slt.u32 s9, $0xF7A;
	s5 =	simm.s32 @!p2 $0x0  }
0x1d: {  	s5 =	simm.s32 @p1 $0x1;
	p0 =	seq.s32 s7, s2  }
0x1e: {  	s7 =	smul.u32 @!p0 $0xF7A, s2;
	p2 =	seq.s32 @!p0 s5, $0x0  }
0x1f: {  	s9 =	smul.u32 $0xF7A, s1;
	s8 =	simm.s32 @!p0 $0x1BF5;
	p2 =	por !p2, p0  }
0x20: {  	[sflag:s8] =	ssyncset.s32 @!p0 $0xFFFFF086;
	s6 =	sadd.s32 @!p0 s3, s7;
	s7 =	simm.s32 @!p0 $0x108  }
0x21: {  	s3 =	sadd.s32 s3, s9;
	s6 =	sadd.s32 @!p0 $0x88, s6;
	s7 =	simm.s32 @p2 $0x1082  }
0x22: {  	[simem:s7], [sflag:s8] =	dma.local @!p0 [hbm:s6], $0xF7A  }
0x23: {  	s9 =	sor.u32 $0xD0000000, s2;
	s6 =	simm.s32 $0x108;
	_ =	swait.ge @!p0 [sflag:s8], $0x0  }
0x24: {  	s3 =	sadd.s32 $0x88, s3;
	s6 =	simm.s32 @!p1 $0x1082;
	[sflag:s4] =	ssyncset.s32 $0xFFFFF086  }
0x25: {  	[simem:s6], [sflag:s4] =	dma.local [hbm:s3], $0xF7A  }
0x26: {  	[smem:$0x3F9E] =	sst s1;
	(tag) =	ssettag s2;
	_ =	strace s9  }
0x27: {  	s1 =	sld [smem:$0x3FAE]  }
0x28: {  	s2 =	sld [smem:$0x3FAF]  }
0x29: {  	s4 =	sld [smem:$0x3FB1]  }
0x2a: {  	p0 =	seq.s32 s5, $0x0;
	s5 =	sld [smem:$0x3FB2]  }
0x2b: {  	s6 =	sld [smem:$0x3FB3]  }
0x2c: {  	s7 =	sld [smem:$0x3FB4]  }
0x2d: {  	s3 =	simm.s32 $0x108;
	s8 =	sld [smem:$0x3FB5]  }
0x2e: {  	s3 =	simm.s32 @!p0 $0x1082;
	s9 =	sld [smem:$0x3FB6]  }
0x2f: {  	lr =	sadd.s32 s0, s3;
	s0 =	sld [smem:$0x3FAD]  }
0x30: {  	s3 =	sld [smem:$0x3FB0]  }
0x31: {  	[smem:$0x3FB9] =	sst s10  }
0x32: {  	s10 =	sld [smem:$0x3FB7];
	_ =	sdelay $0x3  }
0x33: {  	p0 =	seq.s32 s10, $0x1;
	s10 =	sld [smem:$0x3FB9];
	_ =	sdelay $0x3  }
0x34: {  	[smem:$0x3FB9] =	sst s10  }
0x35: {  	s10 =	sld [smem:$0x3FB8];
	_ =	sdelay $0x3  }
0x36: {  	p1 =	seq.s32 s10, $0x1;
	s10 =	sld [smem:$0x3FB9];
	_ =	sdelay $0x3  }
0x37: {  	[smem:$0x3FB9] =	sst s10  }
0x38: {  	s10 =	sld [smem:$0x3FBA]  }
0x39: {  	_ = 	snop;
	(pc) =	sbr.ind lr, $3  }
0x3a: {  	_ = 	snop  }
0x3b: {  	_ = 	snop  }
0x3c: {  	p2 =	seq.s32 s10, $0x1;
	s10 =	sld [smem:$0x3FB9]  }
0x3d: {  	_ =	shalt  }
0x3e: {  	_ =	shalt  }
0x3f: {  	_ =	shalt  }
0x40: {  	_ =	shalt  }
0x41: {  	_ =	shalt  }
0x42: {  	_ =	shalt  }
0x43: {  	_ =	shalt  }
0x44: {  	_ =	shalt  }
0x45: {  	_ =	shalt  }
0x46: {  	_ =	shalt  }
0x47: {  	_ =	shalt  }
0x48: {  	_ =	shalt  }
0x49: {  	_ =	shalt  }
0x4a: {  	_ =	shalt  }
0x4b: {  	_ =	shalt  }
0x4c: {  	_ =	shalt  }
0x4d: {  	_ =	shalt  }
0x4e: {  	_ =	shalt  }
0x4f: {  	_ =	shalt  }
0x50: {  	_ =	shalt  }
0x51: {  	_ =	shalt  }
0x52: {  	_ =	shalt  }
0x53: {  	_ =	shalt  }
0x54: {  	_ =	shalt  }
0x55: {  	_ =	shalt  }
0x56: {  	_ =	shalt  }
0x57: {  	_ =	shalt  }
0x58: {  	_ =	shalt  }
0x59: {  	_ =	shalt  }
0x5a: {  	_ =	shalt  }
0x5b: {  	_ =	shalt  }
0x5c: {  	_ =	shalt  }
0x5d: {  	_ =	shalt  }
0x5e: {  	_ =	shalt  }
0x5f: {  	_ =	shalt  }
0x60: {  	_ =	shalt  }
0x61: {  	_ =	shalt  }
0x62: {  	_ =	shalt  }
0x63: {  	_ =	shalt  }
0x64: {  	_ =	shalt  }
0x65: {  	_ =	shalt  }
0x66: {  	_ =	shalt  }
0x67: {  	_ =	shalt  }
0x68: {  	_ =	shalt  }
0x69: {  	_ =	shalt  }
0x6a: {  	_ =	shalt  }
0x6b: {  	_ =	shalt  }
0x6c: {  	_ =	shalt  }
0x6d: {  	_ =	shalt  }
0x6e: {  	_ =	shalt  }
0x6f: {  	_ =	shalt  }
0x70: {  	_ =	shalt  }
0x71: {  	_ =	shalt  }
0x72: {  	_ =	shalt  }
0x73: {  	_ =	shalt  }
0x74: {  	_ =	shalt  }
0x75: {  	_ =	shalt  }
0x76: {  	_ =	shalt  }
0x77: {  	_ =	shalt  }
0x78: {  	_ =	shalt  }
0x79: {  	_ =	shalt  }
0x7a: {  	_ =	shalt  }
0x7b: {  	_ =	shalt  }
0x7c: {  	_ =	shalt  }
0x7d: {  	_ =	shalt  }
0x7e: {  	_ =	shalt  }
0x7f: {  	_ =	shalt  }
0x80: {  	_ =	shalt  }
0x81: {  	_ =	shalt  }
0x82: {  	_ =	shalt  }
0x83: {  	_ =	shalt  }
0x84: {  	_ =	shalt  }
0x85: {  	_ =	shalt  }
0x86: {  	_ =	shalt  }
0x87: {  	_ =	shalt  }
.Lfunc_end0:
.L_simem_size_0:
called_computation_lowered:
.L_overlay_start_0:
0x88: {  	s2 =	sld [smem:$0x3FD9]  }
0x89: {  	s3 =	sld [smem:$0x3FFE];
	_ =	sdelay $0x1  }
0x8a: {  	s1 =	srdreg.scid  }
0x8b: {  	s0 =	sand.u32 $0x1, s1  }
0x8c: {  	s18 =	sshll.u32 s0, $0xA;
	s2 =	sadd.s32 s3, s2  }
0x8d: {  	s2 =	sadd.s32 s2, s18  }
0x8e: {  	[smem:$0x3FC5] =	sst s2  }
0x8f: {  	_ = 	snop  }
0x90: {  	s2 =	sld [smem:$0x3FC9]  }
0x91: {  	s19 =	sld [smem:$0x3FC8]  }
0x92: {  	s4 =	sld [smem:$0x3FC7]  }
0x93: {  	s5 =	sld [smem:$0x3FD0];
	(tm) =	ssettm $0x1  }
0x94: {  	s6 =	sld [smem:$0x3FFB];
	_ =	sdelay $0x3  }
0x95: {  	_ =	strace s6  }
0x96: {  	s6 =	sld [smem:$0x3FFC];
	_ =	sdelay $0x3  }
0x97: {  	_ =	strace s6  }
0x98: {  	s6 =	sld [smem:$0x3FFD];
	_ =	sdelay $0x3  }
0x99: {  	_ =	strace s6  }
0x9a: {  	_ =	strace $0x8FFFFFFF  }
0x9b: {  	s20 =	sld [smem:$0x3FDB];
	_ =	sdelay $0x1  }
0x9c: {  	s7 =	simm.s32 $_scs_section_size  }
0x9d: {  	s8 =	simm.s32 $_size__tile_overlayer_lowered;
	s9 =	simm.s32 $_tile_overlayer_lowered  }
0x9e: {  	s23 =	simm.s32 $0x1BFF;
	s22 =	sshll.u32 s9, $0x1;
	s6 =	sadd.s32 s7, s20  }
0x9f: {  	s10 =	simm.s32 $0x0;
	s21 =	sshll.u32 s8, $0x1;
	s8 =	sadd.s32 s22, s6  }
0xa0: {  	[timem:s10], [sflag:s23] =	dma.local [hbm:s8], s21  }
0xa1: {  	_ =	swait.ge [sflag:s23], s21  }
0xa2: {  	s7 =	ssub.s32 $0x0, s21;
	[sflag:s23] =	ssyncset.done $0x0  }
0xa3: {  	[sflag:s23] =	ssyncadd.s32 s7;
	_ =	sdelay $0x1  }
0xa4: {  	s24 =	simm.s32 $0x1B8B  }
0xa5: {  	_ =	swait.ge [sflag:s24], $0x1  }
0xa6: {  	[sflag:s24] =	ssyncset.done $0x0  }
0xa7: {  	s25 =	simm.s32 $0x1B8E;
	[sflag:s24] =	ssyncadd.s32 $0xFFFFFFFF  }
0xa8: {  	s26 =	simm.s32 $execute0_lowered;
	[smem:$0x3FD2] =	sst s25  }
0xa9: {  	s7 =	sshll.u32 s26, $0x1;
	_ =	strace $0x80000046;
	[dreg:$0x1] =	wrdreg $0xFFFFFFFF  }
0xaa: {  	s28 =	simm.s32 $_size_execute0_lowered;
	s6 =	sadd.s32 s6, s7;
	[dreg:$0x0] =	wrdreg $0x0  }
0xab: {  	s7 =	sshll.u32 s28, $0x1;
	[dreg:$0x2] =	wrdreg s6  }
0xac: {  	[dreg:$0x3] =	wrdreg s7  }
0xad: {  	[dreg:$0x4] =	wrdreg $0xC0  }
0xae: {  	_ =	task [dreg:s10], $0x5FFFF  }
0xaf: {  	[dreg:$0x1] =	wrdreg $0xFFFFFFFF  }
0xb0: {  	[dreg:$0x0] =	wrdreg $0x60  }
0xb1: {  	[dreg:$0x2] =	wrdreg s2  }
0xb2: {  	[dreg:$0x3] =	wrdreg s19  }
0xb3: {  	[dreg:$0x4] =	wrdreg s4  }
0xb4: {  	[dreg:$0x5] =	wrdreg s5  }
0xb5: {  	[dreg:$0x6] =	wrdreg $0x9  }
0xb6: {  	_ =	task.clear_ibuf [dreg:s10], $0x7FFFF;
	_ =	strace $0x90000046  }
0xb7: {  	s29 =	simm.s32 $0x9;
	_ =	strace $0x80000048  }
0xb8: {  	_ =	swait.ge [sflag:s29], $0x1  }
0xb9: {  	[sflag:s29] =	ssyncadd.s32 $0xFFFFFFFF  }
0xba: {  	_ =	strace $0x90000048  }
0xbb: {  	_ =	sfence  }
0xbc: {  	s30 =	sld [smem:$0x0];
	_ =	sdelay $0x2  }
0xbd: {  	s31 =	sshll.u32 s1, $0xD;
	s1 =	sshrl.u32 s1, $0x2  }
0xbe: {  	s3 =	sand.u32 $0x4000, s31;
	s1 =	sadd.s32 s1, s30  }
0xbf: {  	s0 =	sor.u32 s3, s0;
	s1 =	sshll.u32 s1, $0x11  }
0xc0: {  	s0 =	sor.u32 s1, s0  }
0xc1: {  	s0 =	sadd.s32 $0x8F2B, s0  }
0xc2: {  	[sflag:s0] =	ssyncadd.remote.s32 $0x1  }
0xc3: {  	_ =	sfence.sel $0xFFFF  }
0xc4: {  	[dreg:$0x0] =	wrdreg $0xFFFFFFFF;
	(pc) =	sbr.abs _section_cstart, $3  }
0xc5: {  	[dreg:$0x1] =	wrdreg $0xFFFFFFFF  }
0xc6: {  	_ =	task.clear_ibuf [dreg:s10], $0x2FFFF;
	_ =	strace $0x9FFFFFFF  }
0xc7: {  	(tm) =	ssettm $0x7FFFFFFF  }
tec
execute0_lowered:
.L_overlay_start_1:
0x0: {  	(tag) =	ssettag $0x1  }
0x1: {  	s10 =	rddreg [dreg:$0x0]  }
0x2: {  	s11 =	rddreg [dreg:$0x1]  }
0x3: {  	s1 =	rddreg [dreg:$0x2]  }
0x4: {  	s12 =	rddreg [dreg:$0x3]  }
0x5: {  	s0 =	rddreg [dreg:$0x4];
	s4 =	srdreg.scid  }
0x6: {  	s3 =	simm.s32 $0x0;
	s2 =	stileid.u32;
	s17 =	simm.s32 $0x8100  }
0x7: {  	s18 =	simm.s32 $0x1;
	s19 =	simm.s32 $0x3;
	s20 =	simm.s32 $0x4100  }
0x8: {  	s21 =	simm.s32 $0xC100;
	s22 =	simm.s32 $0x2;
	s23 =	simm.s32 $0x4  }
0x9: {  	s24 =	simm.s32 $0x10100;
	s4 =	sand.u32 $0x1, s4;
	s6 =	sshll.u32 s2, $0x1  }
0xa: {  	[smem:$0x7FF] =	sst s3;
	s5 =	ssub.s32 $0x2, s4;
	s13 =	sor.u32 s4, s6  }
0xb: {  	_ =	strace $0x80000047;
	s7 =	sshrl.u32 s5, $0x1;
	s8 =	sshll.u32 s13, $0x9  }
0xc: {  	s4 =	sshll.u32 s13, $0x6;
	s25 =	sshll.u32 s13, $0xD;
	s13 =	sshll.u32 s13, $0x1  }
0xd: {  	s14 =	ssub.s32 s5, s7;
	s4 =	sadd.s32 s10, s4;
	s26 =	sor.u32 $0x80, s8  }
0xe: {  	s5 =	sadd.s32 s11, s25;
	s29 =	sor.u32 $0x100, s8;
	s16 =	sor.u32 $0x180, s8  }
0xf: {  	s12 =	sadd.s32 s12, s13;
	s25 =	simm.s32 $0x0;
	s28 =	sshrl.u32 s26, $0x3  }
0x10: {  	s9 =	sshll.u32 s26, $0x4;
	s15 =	sshrl.u32 s29, $0x3;
	s30 =	sshrl.u32 s16, $0x3  }
0x11: {  	s31 =	sshll.u32 s16, $0x4;
	s13 =	smax.u32 s14, $0x1;
	s14 =	simm.s32 $0x5  }
0x12: {  	s16 =	simm.s32 $0x100;
	s6 =	sadd.s32 s10, s28;
	s7 =	sadd.s32 s11, s9  }
0x13: {  	s9 =	sshll.u32 s29, $0x4;
	s8 =	sadd.s32 s10, s15;
	s10 =	sadd.s32 s10, s30  }
0x14: {  	s15 =	simm.s32 $0x80;
	s9 =	sadd.s32 s11, s9;
	s11 =	sadd.s32 s11, s31  }
.LBB2_1:
0x15: {  	[tilespmem:s3], [sflag:$0x5] =	stream.linear.gather [hbm4b:s4+s3], $0x80, $0x38;
	[tilespmem:$0x10180] =	vst v63  }
0x16: {  	_ =	swait.ge [sflag:s14], $0x80  }
0x17: {  	[sflag:s14] =	ssyncset.done $0x0  }
0x18: {  	[sflag:s14] =	ssyncadd.s32 $0xFFFFFF80  }
0x19: {  	[tilespmem:s16], [sflag:$0x1] =	stream.indirect.gather [hbm4b:s1+s15], $0x80, s3, s15, $0xb8;
	[tilespmem:$0x10180] =	vst v63  }
0x1a: {  	_ = 	snop  }
0x1b: {  	[tilespmem:s17], [sflag:$0x3] =	stream.linear.gather [hbm4b:s5+s3], $0x4000, $0x38;
	[tilespmem:$0x10180] =	vst v63  }
0x1c: {  	_ =	swait.ge [sflag:s18], $0x4000  }
0x1d: {  	[sflag:s18] =	ssyncset.done $0x0  }
0x1e: {  	[sflag:s18] =	ssyncadd.s32 $0xFFFFC000  }
0x1f: {  	_ =	swait.ge [sflag:s19], $0x4000  }
0x20: {  	[sflag:s19] =	ssyncset.done $0x0  }
0x21: {  	[sflag:s19] =	ssyncadd.s32 $0xFFFFC000  }
0x22: {  	[tilespmem:s15], [sflag:$0x5] =	stream.linear.gather [hbm4b:s6+s3], $0x80, $0x38;
	[tilespmem:$0x10180] =	vst v63  }
0x23: {  	_ =	swait.ge [sflag:s14], $0x80  }
0x24: {  	[sflag:s14] =	ssyncset.done $0x0  }
0x25: {  	[sflag:s14] =	ssyncadd.s32 $0xFFFFFF80  }
0x26: {  	[tilespmem:s20], [sflag:$0x2] =	stream.indirect.gather [hbm4b:s1+s15], $0x80, s15, s15, $0xb8;
	[tilespmem:$0x10180] =	vst v63  }
0x27: {  	s26 =	simm.s32 $0x8180  }
0x28: {  	[tilespmem:s21], [sflag:$0x4] =	stream.linear.gather [hbm4b:s7+s3], $0x4000, $0x38;
	[tilespmem:$0x10180] =	vst v63  }
0x29: {  	v0 =	vld [tilespmem:s26+$0xFFFFFFA0]  }
0x2a: {  	v1 =	vld [tilespmem:s26+$0x60]  }
0x2b: {  	v2 =	vld [tilespmem:s26+$0xFFFFFFC0]  }
0x2c: {  	v3 =	vld [tilespmem:s26+$0x40]  }
0x2d: {  	v4 =	vld [tilespmem:s26+$0x10]  }
0x2e: {  	v5 =	vld [tilespmem:s26+$0xFFFFFF80]  }
0x2f: {  	v6 =	vld [tilespmem:s26+$0x0]  }
0x30: {  	v7 =	vld [tilespmem:s26+$0xFFFFFF90];
	v0 =	vmul.f32 $1.442695020e+00, v0  }
0x31: {  	v8 =	vld [tilespmem:s26+$0xFFFFFFE0];
	v1 =	vmul.f32 $1.442695020e+00, v1  }
0x32: {  	(erf) = vpow2.f32 v0;
	v0 =	vmul.f32 $1.442695020e+00, v2;
	v2 =	vld [tilespmem:s26+$0x30]  }
0x33: {  	(erf) = vpow2.f32 v1;
	v1 =	vmul.f32 $1.442695020e+00, v3;
	v3 =	vld [tilespmem:s26+$0x20]  }
0x34: {  	s28 =	simm.s32 $0x180;
	v10 =	vld [tilespmem:s26+$0x70];
	v4 =	vmul.f32 $1.442695020e+00, v4;
	(erf) = vpow2.f32 v0  }
0x35: {  	v23 =	vld [tilespmem:s28+$0xFFFFFFA0];
	v0 =	vmul.f32 $1.442695020e+00, v5;
	(erf) = vpow2.f32 v1  }
0x36: {  	v5 =	vmul.f32 $1.442695020e+00, v6;
	v1 =	vld [tilespmem:s26+$0xFFFFFFB0];
	(erf) = vpow2.f32 v4  }
0x37: {  	v18 =	vld [tilespmem:s28+$0xFFFFFF90];
	(erf) = vpow2.f32 v0;
	v0 =	vmul.f32 $1.442695020e+00, v2  }
0x38: {  	v6 =	vld [tilespmem:s28+$0x60];
	v2 =	vmul.f32 $1.442695020e+00, v3;
	(erf) = vpow2.f32 v5  }
0x39: {  	v4 =	vmul.f32 $1.442695020e+00, v7;
	v7 =	vld [tilespmem:s26+$0xFFFFFFF0];
	(erf) = vpow2.f32 v0  }
0x3a: {  	v10 =	vmul.f32 $1.442695020e+00, v10;
	v3 =	vld [tilespmem:s26+$0x50];
	(erf) = vpow2.f32 v2  }
0x3b: {  	v0 =	vmul.f32 $1.442695020e+00, v1;
	v1 =	vld [tilespmem:s26+$0xFFFFFFD0];
	v9 =	vpop (erf);
	(erf) = vpow2.f32 v4  }
0x3c: {  	v45 =	vld [tilespmem:s28+$0x40];
	v8 =	vmul.f32 $1.442695020e+00, v8;
	v37 =	vmul.f32 v18, v18;
	v5 =	vpop (erf)  }
0x3d: {  	(erf) = vpow2.f32 v0;
	v0 =	vmul.f32 v6, v6;
	v12 =	vpop (erf)  }
0x3e: {  	v16 =	vld [tilespmem:s28+$0xFFFFFF80];
	v34 =	vmul.f32 v9, v23;
	v20 =	vmul.f32 v9, v9;
	v19 =	vpop (erf)  }
0x3f: {  	v4 =	vld [tilespmem:s28+$0x10];
	v13 =	vmul.f32 $1.442695020e+00, v3;
	v3 =	vmul.f32 $1.442695020e+00, v7;
	v7 =	vpop (erf)  }
0x40: {  	v23 =	vmul.f32 v23, v23;
	v11 =	vmul.f32 $1.442695020e+00, v1;
	v14 =	vpop (erf)  }
0x41: {  	v2 =	vmul.f32 v5, v6;
	v6 =	vld [tilespmem:s28+$0x0];
	v60 =	vmul.f32 v19, v45;
	v26 =	vpop (erf)  }
0x42: {  	v61 =	vmul.f32 v19, v19;
	(erf) = vpow2.f32 v11;
	v29 =	vpop (erf)  }
0x43: {  	v31 =	vmul.f32 v7, v7;
	(erf) = vpow2.f32 v3;
	v3 =	vadd.f32 $0.0e+00, v14;
	v33 =	vpop (erf)  }
0x44: {  	v36 =	vmul.f32 v7, v4;
	v28 =	vmul.f32 v14, v16;
	v30 =	vpop (erf)  }
0x45: {  	v38 =	vmul.f32 v14, v14;
	(erf) = vpow2.f32 v8;
	v3 =	vadd.f32 v30, v3  }
0x46: {  	v1 =	vimm.f32 $0.0e+00;
	v21 =	vpop (erf);
	(erf) = vpow2.f32 v10;
	v10 =	vmul.f32 v26, v6  }
0x47: {  	v25 =	vld [tilespmem:s28+$0xFFFFFFB0];
	v16 =	vmul.f32 v16, v16;
	v11 =	vadd.f32 $0.0e+00, v26;
	v9 =	vadd.f32 v9, v3  }
0x48: {  	v35 =	vld [tilespmem:s28+$0xFFFFFFC0];
	v39 =	vmul.f32 v26, v26;
	v28 =	vadd.f32 $0.0e+00, v28;
	v10 =	vadd.f32 $0.0e+00, v10  }
0x49: {  	v24 =	vld [tilespmem:s28+$0xFFFFFFD0];
	v16 =	vadd.f32 v16, v1;
	(erf) = vpow2.f32 v13;
	v9 =	vadd.f32 v21, v9  }
0x4a: {  	v15 =	vld [tilespmem:s28+$0xFFFFFFE0];
	v7 =	vadd.f32 v7, v11;
	v11 =	vmul.f32 v12, v12;
	v39 =	vadd.f32 v31, v39  }
0x4b: {  	v8 =	vld [tilespmem:s28+$0x20];
	v41 =	vmul.f32 v30, v30;
	v42 =	vmul.f32 v30, v18;
	v9 =	vadd.f32 v12, v9  }
0x4c: {  	v17 =	vmul.f32 v21, v25;
	v7 =	vadd.f32 v33, v7;
	v36 =	vadd.f32 v36, v10;
	v10 =	vpop (erf)  }
0x4d: {  	v32 =	vld [tilespmem:s28+$0x50];
	v22 =	vmul.f32 v21, v21;
	v21 =	vmul.f32 v12, v35;
	v13 =	vpop (erf);
	v44 =	vadd.f32 v10, v9  }
0x4e: {  	v30 =	vld [tilespmem:s28+$0x30];
	v55 =	vadd.f32 v29, v7;
	v14 =	vmul.f32 v10, v10;
	v18 =	vmul.f32 v10, v24;
	v43 =	vpop (erf)  }
0x4f: {  	v12 =	vmul.f32 v43, v15;
	v10 =	vmul.f32 v43, v43;
	v43 =	vadd.f32 v43, v44  }
0x50: {  	v16 =	vadd.f32 v37, v16;
	v40 =	vmul.f32 v33, v8;
	v33 =	vmul.f32 v33, v33  }
0x51: {  	v27 =	vld [tilespmem:s28+$0xFFFFFFF0];
	v56 =	vmul.f32 v29, v29;
	v57 =	vadd.f32 v19, v55;
	v26 =	vpop (erf);
	v58 =	vadd.f32 v13, v43  }
0x52: {  	v3 =	vmul.f32 v32, v32;
	v31 =	vadd.f32 v41, v38;
	v33 =	vadd.f32 v33, v39;
	v59 =	vpop (erf)  }
0x53: {  	v29 =	vmul.f32 v29, v30;
	v36 =	vadd.f32 v40, v36;
	v39 =	vadd.f32 v59, v57;
	(xrf2) =	vadd.scan.msk.f32 $0xffff, v58  }
0x54: {  	v63 =	vadd.f32 v42, v28;
	v16 =	vadd.f32 v23, v16;
	v23 =	vmul.f32 v25, v25  }
0x55: {  	v28 =	vmul.f32 v35, v35;
	v29 =	vadd.f32 v29, v36;
	v62 =	vadd.f32 v5, v39  }
0x56: {  	v9 =	vmul.f32 v13, v27;
	v33 =	vadd.f32 v56, v33;
	v7 =	vmul.f32 v26, v26  }
0x57: {  	v29 =	vadd.f32 v60, v29;
	v32 =	vmul.f32 v59, v32;
	v37 =	vadd.f32 v26, v62  }
0x58: {  	v25 =	vadd.f32 v61, v33;
	v33 =	vadd.f32 v23, v16;
	v16 =	vmul.f32 v45, v45  }
0x59: {  	s29 =	simm.s32 $0x8280;
	s26 =	simm.s32 $0x0;
	v23 =	vld [tilespmem:s28+$0x70];
	s28 =	simm.s32 $0x280;
	v19 =	vmul.f32 v59, v59;
	v29 =	vadd.f32 v32, v29;
	v32 =	vadd.f32 v34, v63;
	(xrf2) =	vadd.scan.msk.f32 $0xffff, v37  }
.LBB2_2:
0x5a: {  	v34 =	vld [tilespmem:s29+$0xFFFFFFA0];
	s26 =	sadd.s32 $0x2, s26;
	v20 =	vadd.f32 v20, v31;
	v27 =	vmul.f32 v27, v27;
	v30 =	vmul.f32 v30, v30  }
0x5b: {  	v24 =	vmul.f32 v24, v24;
	v31 =	vld [tilespmem:s28+$0x60];
	p0 =	slt.u32 s26, $0x7E;
	v17 =	vadd.f32 v17, v32;
	v28 =	vadd.f32 v28, v33  }
0x5c: {  	v8 =	vmul.f32 v8, v8;
	v32 =	vld [tilespmem:s29+$0x60];
	v20 =	vadd.f32 v22, v20;
	v22 =	vmul.f32 v5, v5  }
0x5d: {  	v15 =	vmul.f32 v15, v15;
	v33 =	vld [tilespmem:s29+$0xFFFFFFE0];
	v5 =	vadd.f32 v21, v17;
	v17 =	vadd.f32 v24, v28;
	v21, _, _ =	vpop (xrf2)  }
0x5e: {  	v6 =	vmul.f32 v6, v6;
	v4 =	vmul.f32 v4, v4;
	v24 =	vld [tilespmem:s29+$0x50];
	v28 =	vadd.f32 v21, v21  }
0x5f: {  	v34 =	vmul.f32 $1.442695020e+00, v34;
	v35 =	vld [tilespmem:s29+$0xFFFFFFF0];
	v15 =	vadd.f32 v15, v17;
	v17 =	vmul.f32 v21, v21  }
0x60: {  	v11 =	vadd.f32 v11, v20;
	v20 =	vmul.f32 v26, v23;
	v21 =	vld [tilespmem:s29+$0xFFFFFFC0];
	v36 =	vmul.f32 v31, v31  }
0x61: {  	v13 =	vmul.f32 v13, v13;
	v26 =	vld [tilespmem:s29+$0x40];
	v15 =	vadd.f32 v27, v15;
	v17 =	vbroadcast v17, $0xF  }
0x62: {  	v11 =	vadd.f32 v14, v11;
	v37 =	vbroadcast v28, $0xF;
	v32 =	vmul.f32 $1.442695020e+00, v32;
	v27 =	vld [tilespmem:s29+$0x10]  }
0x63: {  	v5 =	vadd.f32 v18, v5;
	v28 =	vld [tilespmem:s29+$0xFFFFFF80];
	v14 =	vmul.f32 $1.442695020e+00, v24;
	(erf) = vpow2.f32 v34;
	v18, _, _ =	vpop (xrf2)  }
0x64: {  	v6 =	vadd.f32 v6, v15;
	v24 =	vmul.f32 $1.442695020e+00, v35;
	v34 =	vld [tilespmem:s29+$0x0];
	(erf) = vpow2.f32 v32  }
0x65: {  	v32 =	vadd.f32 v18, v18;
	v18 =	vmul.f32 v18, v18;
	v15 =	vld [tilespmem:s29+$0xFFFFFF90];
	v21 =	vmul.f32 $1.442695020e+00, v21  }
0x66: {  	v4 =	vadd.f32 v4, v6;
	v35 =	vld [tilespmem:s29+$0x30];
	v26 =	vmul.f32 $1.442695020e+00, v26;
	(erf) = vrcp.f32 v17  }
0x67: {  	v10 =	vadd.f32 v10, v11;
	v6 =	vmul.f32 $1.442695020e+00, v27;
	v17 =	vld [tilespmem:s29+$0x20];
	(erf) = vpow2.f32 v21  }
0x68: {  	v12 =	vadd.f32 v12, v5;
	v11 =	vmul.f32 $1.442695020e+00, v28;
	(erf) = vpow2.f32 v26  }
0x69: {  	v4 =	vadd.f32 v8, v4;
	v21 =	vld [tilespmem:s29+$0xFFFFFFB0];
	v5 =	vmul.f32 $1.442695020e+00, v34;
	(erf) = vpow2.f32 v6  }
0x6a: {  	v10 =	vadd.f32 v13, v10;
	v6 =	vmul.f32 $1.442695020e+00, v15;
	v28 =	vld [tilespmem:s28+$0xFFFFFFC0];
	(erf) = vpow2.f32 v11  }
0x6b: {  	v2 =	vadd.f32 v2, v29;
	v13 =	vbroadcast v32, $0xF;
	v8 =	vld [tilespmem:s28+$0x20];
	v11 =	vmul.f32 $1.442695020e+00, v35  }
0x6c: {  	v27 =	vadd.f32 v30, v4;
	v15 =	vmul.f32 $1.442695020e+00, v17;
	v17 =	vld [tilespmem:s29+$0x70];
	v26 =	vpop (erf);
	(erf) = vpow2.f32 v5  }
0x6d: {  	v29 =	vld [tilespmem:s29+$0xFFFFFFD0];
	(erf) = vpow2.f32 v11;
	v5 =	vpop (erf);
	v11 =	vadd.f32 v19, v25;
	v19 =	vadd.f32 v20, v2  }
0x6e: {  	v20 =	vmul.f32 $1.442695020e+00, v21;
	v4 =	vld [tilespmem:s28+$0x10];
	(erf) = vpow2.f32 v15;
	v15 =	vadd.f32 v16, v27  }
0x6f: {  	v9 =	vadd.f32 v9, v12;
	v2 =	vmul.f32 v5, v31;
	v16 =	vld [tilespmem:s28+$0xFFFFFF80];
	(erf) = vpow2.f32 v6;
	v25 =	vpop (erf)  }
0x70: {  	v6 =	vld [tilespmem:s28+$0x0];
	(erf) = vpow2.f32 v20;
	v12 =	vpop (erf);
	v3 =	vadd.f32 v3, v15;
	v15 =	vbroadcast v18, $0xF  }
0x71: {  	v11 =	vadd.f32 v22, v11;
	v20 =	vmul.f32 v23, v23;
	v18 =	vld [tilespmem:s28+$0xFFFFFF90];
	v17 =	vmul.f32 $1.442695020e+00, v17;
	v32 =	vpop (erf)  }
0x72: {  	v23 =	vld [tilespmem:s28+$0xFFFFFFA0];
	v21 =	vmul.f32 $1.442695020e+00, v29;
	v22 =	vpop (erf);
	v3 =	vadd.f32 v0, v3;
	(erf) = vrcp.f32 v15  }
0x73: {  	v13 =	vmul.f32 v13, v19;
	v15 =	vmul.f32 $1.442695020e+00, v33;
	v0 =	vmov v36;
	v27 =	vpop (erf)  }
0x74: {  	v7 =	vadd.f32 v7, v11;
	v29 =	vmul.f32 v22, v22;
	v19 =	vmul.f32 v27, v16  }
0x75: {  	v9 =	vmul.f32 v37, v9;
	v11 =	vadd.f32 $0.0e+00, v27;
	v33 =	vld [tilespmem:s28+$0xFFFFFFB0];
	(erf) = vpow2.f32 v21;
	v30 =	vpop (erf)  }
0x76: {  	v41 =	vadd.f32 $0.0e+00, v30;
	v34 =	vld [tilespmem:s28+$0x50];
	(erf) = vpow2.f32 v24;
	v35 =	vpop (erf)  }
0x77: {  	v31 =	vmul.f32 v22, v4;
	v38 =	vadd.f32 v20, v3;
	v36 =	vmul.f32 v26, v23;
	v37 =	vpop (erf)  }
0x78: {  	v39 =	vmul.f32 v18, v18;
	v3 =	vadd.f32 v22, v41;
	v40 =	vpop (erf);
	(erf) = vpow2.f32 v15  }
0x79: {  	v7 =	vsub.f32 v7, v13;
	v11 =	vadd.f32 v40, v11;
	v21 =	vpop (erf);
	(erf) = vpow2.f32 v17  }
0x7a: {  	v13 =	vmul.f32 v30, v6;
	v17 =	vmul.f32 v21, v33;
	v41 =	vadd.f32 v37, v3  }
0x7b: {  	v20 =	vmul.f32 v26, v26;
	v46 =	vadd.f32 v26, v11;
	v15 =	vld [tilespmem:s28+$0xFFFFFFE0];
	v3 =	vmul.f32 v34, v34;
	v22 =	vpop (erf)  }
0x7c: {  	v47 =	vadd.f32 $0.0e+00, v13;
	v11 =	vmul.f32 v12, v12;
	v24 =	vld [tilespmem:s28+$0xFFFFFFD0];
	v42 =	vmul.f32 v7, v22  }
0x7d: {  	v43 =	vmul.f32 v27, v27;
	v22 =	vmul.f32 v21, v21;
	v7 =	vadd.f32 v21, v46;
	v27 =	vld [tilespmem:s28+$0xFFFFFFF0]  }
0x7e: {  	v44 =	vmul.f32 v30, v30;
	v45 =	vadd.f32 v31, v47;
	v21 =	vmul.f32 v12, v28;
	v26 =	vpop (erf)  }
0x7f: {  	v47 =	vsub.f32 v10, v9;
	v46 =	vmul.f32 v37, v8;
	v13 =	vpop (erf);
	(erf) = vpow2.f32 v14  }
0x80: {  	v31 =	vmul.f32 v40, v40;
	v7 =	vadd.f32 v12, v7;
	v14 =	vmul.f32 v26, v26  }
0x81: {  	v19 =	vadd.f32 $0.0e+00, v19;
	v40 =	vmul.f32 v40, v18;
	v18 =	vmul.f32 v26, v24;
	v30 =	vld [tilespmem:s28+$0x30];
	v48 =	vpop (erf)  }
0x82: {  	v7 =	vadd.f32 v26, v7;
	v12 =	vmul.f32 v48, v15;
	v9 =	vmul.f32 v13, v27;
	v26 =	vpop (erf)  }
0x83: {  	v29 =	vadd.f32 v29, v44;
	v37 =	vmul.f32 v37, v37;
	v10 =	vmul.f32 v48, v48;
	v44 =	vld [tilespmem:s28+$0x40]  }
0x84: {  	v41 =	vadd.f32 v35, v41;
	v48 =	vadd.f32 v48, v7;
	v7 =	vmul.f32 v26, v26  }
0x85: {  	v31 =	vadd.f32 v31, v43;
	v43 =	vmul.f32 v35, v35;
	v25 =	vmul.f32 v47, v25  }
0x86: {  	v29 =	vadd.f32 v37, v29;
	v37 =	vadd.f32 v32, v41;
	v35 =	vmul.f32 v35, v30  }
0x87: {  	v16 =	vmul.f32 v16, v16;
	v1 =	vadd.f32 v25, v1;
	v41 =	vadd.f32 v13, v48  }
0x88: {  	v25 =	vadd.f32 v46, v45;
	v29 =	vadd.f32 v43, v29;
	v43 =	vmul.f32 v32, v44;
	v45 =	vpop (erf)  }
0x89: {  	v16 =	vadd.f32 v16, v38;
	v34 =	vmul.f32 v45, v34;
	v37 =	vadd.f32 v45, v37;
	(xrf2) =	vadd.scan.msk.f32 $0xffff, v41  }
0x8a: {  	v1 =	vadd.f32 v42, v1;
	v25 =	vadd.f32 v35, v25;
	v32 =	vmul.f32 v32, v32  }
.Ltmp0:
0x8b: {  	v23 =	vmul.f32 v23, v23;
	v16 =	vadd.f32 v39, v16;
	v35 =	vadd.f32 v5, v37;
	(pc) =	sbr.rel @p0 .LBB2_2-.Ltmp0, $4  }
0x8c: {  	v38 =	vadd.f32 v43, v25;
	v37 =	vadd.f32 v40, v19;
	v19 =	vmul.f32 v45, v45  }
0x8d: {  	v16 =	vadd.f32 v23, v16;
	v23 =	vmul.f32 v33, v33;
	v35 =	vadd.f32 v26, v35  }
0x8e: {  	v28 =	vmul.f32 v28, v28;
	v25 =	vadd.f32 v32, v29;
	v29 =	vadd.f32 v34, v38  }
0x8f: {  	s29 =	sadd.s32 $0x100, s29;
	v33 =	vadd.f32 v23, v16;
	v16 =	vmul.f32 v44, v44;
	v32 =	vadd.f32 v36, v37;
	v23 =	vld [tilespmem:s28+$0x70];
	s28 =	sadd.s32 $0x100, s28;
	(xrf2) =	vadd.scan.msk.f32 $0xffff, v35  }
0x90: {  	_ =	sdelay $0x7  }
0x91: {  	v34, _, _ =	vpop (xrf2)  }
0x92: {  	v35 =	vmul.f32 v34, v34;
	v36, _, _ =	vpop (xrf2)  }
0x93: {  	v37 =	vmul.f32 v36, v36  }
0x94: {  	v35 =	vbroadcast v35, $0xF  }
0x95: {  	v37 =	vbroadcast v37, $0xF  }
0x96: {  	(erf) = vrcp.f32 v35  }
0x97: {  	(erf) = vrcp.f32 v37;
	_ =	sdelay $0x7  }
0x98: {  	v35 =	vpop (erf)  }
0x99: {  	v37 =	vpop (erf)  }
0x9a: {  	_ =	swait.ge [sflag:s22], $0x4000  }
0x9b: {  	[sflag:s22] =	ssyncset.done $0x0  }
0x9c: {  	[sflag:s22] =	ssyncadd.s32 $0xFFFFC000  }
0x9d: {  	_ =	swait.ge [sflag:s23], $0x4000  }
0x9e: {  	[sflag:s23] =	ssyncset.done $0x0  }
0x9f: {  	s26 =	simm.s32 $0x0;
	[sflag:s23] =	ssyncadd.s32 $0xFFFFC000  }
0xa0: {  	[tilespmem:s26], [sflag:$0x5] =	stream.linear.gather [hbm4b:s8+s26], $0x80, $0x38;
	[tilespmem:$0x10180] =	vst v63  }
0xa1: {  	_ =	swait.ge [sflag:s14], $0x80  }
0xa2: {  	v24 =	vmul.f32 v24, v24;
	v20 =	vadd.f32 v20, v31;
	v28 =	vadd.f32 v28, v33;
	[sflag:s14] =	ssyncset.done $0x0  }
0xa3: {  	v27 =	vmul.f32 v27, v27;
	v15 =	vmul.f32 v15, v15;
	v17 =	vadd.f32 v17, v32;
	[sflag:s14] =	ssyncadd.s32 $0xFFFFFF80  }
0xa4: {  	v8 =	vmul.f32 v8, v8;
	v2 =	vadd.f32 v2, v29;
	v24 =	vadd.f32 v24, v28;
	[tilespmem:s16], [sflag:$0x1] =	stream.indirect.gather [hbm4b:s1+s15], $0x80, s26, s15, $0xb8;
	[tilespmem:$0x10180] =	vst v63  }
0xa5: {  	v5 =	vmul.f32 v5, v5;
	s31 =	simm.s32 $0x0;
	v20 =	vadd.f32 v22, v20;
	v17 =	vadd.f32 v21, v17  }
0xa6: {  	v6 =	vmul.f32 v6, v6;
	v19 =	vadd.f32 v19, v25;
	v15 =	vadd.f32 v15, v24;
	[tilespmem:s17], [sflag:$0x3] =	stream.linear.gather [hbm4b:s9+s26], $0x4000, $0x38;
	[tilespmem:$0x10180] =	vst v63  }
0xa7: {  	v4 =	vmul.f32 v4, v4;
	v11 =	vadd.f32 v11, v20;
	v17 =	vadd.f32 v18, v17;
	v18 =	vld [tilespmem:s31+$0xC170]  }
0xa8: {  	v13 =	vmul.f32 v13, v13;
	v21 =	vadd.f32 v34, v34;
	v15 =	vadd.f32 v27, v15;
	v24 =	vld [tilespmem:s31+$0xC140]  }
0xa9: {  	v20 =	vmul.f32 v26, v23;
	v11 =	vadd.f32 v14, v11;
	v22 =	vadd.f32 v36, v36;
	v14 =	vld [tilespmem:s31+$0xC120]  }
0xaa: {  	v28 =	vmul.f32 v30, v30;
	v12 =	vadd.f32 v12, v17;
	v6 =	vadd.f32 v6, v15;
	v17 =	vld [tilespmem:s31+$0xC110]  }
0xab: {  	v2 =	vadd.f32 v20, v2;
	v20 =	vbroadcast v21, $0xF;
	v15 =	vbroadcast v22, $0xF;
	v21 =	vld [tilespmem:s31+$0xC100]  }
0xac: {  	v9 =	vadd.f32 v9, v12;
	v12 =	vmul.f32 v23, v23;
	v4 =	vadd.f32 v4, v6;
	v6 =	vld [tilespmem:s31+$0xC150]  }
0xad: {  	v10 =	vadd.f32 v10, v11;
	v2 =	vmul.f32 v15, v2;
	v11 =	vld [tilespmem:s31+$0xC190];
	v15 =	vmul.f32 $1.442695020e+00, v18  }
0xae: {  	v5 =	vadd.f32 v5, v19;
	v9 =	vmul.f32 v20, v9;
	v20 =	vld [tilespmem:s31+$0xC130];
	v18 =	vmul.f32 $1.442695020e+00, v24  }
0xaf: {  	v8 =	vadd.f32 v8, v4;
	v4 =	vld [tilespmem:s31+$0x41C0];
	v14 =	vmul.f32 $1.442695020e+00, v14;
	(erf) = vpow2.f32 v15  }
0xb0: {  	v5 =	vadd.f32 v7, v5;
	v15 =	vmul.f32 $1.442695020e+00, v17;
	v17 =	vld [tilespmem:s31+$0xC1B0];
	(erf) = vpow2.f32 v18  }
0xb1: {  	v8 =	vadd.f32 v28, v8;
	v18 =	vld [tilespmem:s31+$0xC180];
	(erf) = vpow2.f32 v14;
	v14 =	vmul.f32 $1.442695020e+00, v21  }
0xb2: {  	v10 =	vadd.f32 v13, v10;
	v7 =	vld [tilespmem:s31+$0xC1A0];
	v6 =	vmul.f32 $1.442695020e+00, v6;
	(erf) = vpow2.f32 v15  }
0xb3: {  	v8 =	vadd.f32 v16, v8;
	v13 =	vld [tilespmem:s31+$0xC1C0];
	v11 =	vmul.f32 $1.442695020e+00, v11;
	(erf) = vpow2.f32 v14  }
0xb4: {  	v2 =	vsub.f32 v5, v2;
	v5 =	vld [tilespmem:s31+$0xC160];
	v14 =	vmul.f32 $1.442695020e+00, v20;
	(erf) = vpow2.f32 v6  }
0xb5: {  	v3 =	vadd.f32 v3, v8;
	v8 =	vld [tilespmem:s31+$0x4110];
	v6 =	vmul.f32 $1.442695020e+00, v17;
	(erf) = vpow2.f32 v11  }
0xb6: {  	v41 =	vld [tilespmem:s31+$0x41D0];
	v15 =	vmul.f32 $1.442695020e+00, v18;
	(erf) = vpow2.f32 v14  }
0xb7: {  	v11 =	vld [tilespmem:s31+$0xC1E0];
	v14 =	vmul.f32 v2, v37;
	v2 =	vsub.f32 v10, v9;
	(erf) = vpow2.f32 v6  }
0xb8: {  	v0 =	vadd.f32 v0, v3;
	v16 =	vld [tilespmem:s31+$0x4140];
	v6 =	vmul.f32 $1.442695020e+00, v7;
	v7 =	vpop (erf);
	(erf) = vpow2.f32 v15  }
0xb9: {  	v9 =	vld [tilespmem:s31+$0xC1D0];
	v10 =	vmul.f32 v2, v35;
	v2 =	vmul.f32 $1.442695020e+00, v13  }
0xba: {  	v0 =	vadd.f32 v12, v0;
	v12 =	vld [tilespmem:s31+$0x4120];
	v3 =	vmul.f32 $1.442695020e+00, v5;
	v15 =	vpop (erf);
	(erf) = vpow2.f32 v6  }
0xbb: {  	v55 =	vmul.f32 v41, v41;
	v5 =	vpop (erf);
	(erf) = vpow2.f32 v2  }
0xbc: {  	v13 =	vld [tilespmem:s31+$0xC1F0];
	v6 =	vmul.f32 $1.442695020e+00, v11;
	v2 =	vmul.f32 v4, v4  }
0xbd: {  	v21 =	vld [tilespmem:s31+$0x4100];
	v1 =	vadd.f32 v10, v1;
	v10 =	vmul.f32 v8, v8;
	v23 =	vmul.f32 v15, v16  }
0xbe: {  	v17 =	vld [tilespmem:s31+$0x4150];
	v11 =	vpop (erf);
	(erf) = vpow2.f32 v3;
	v9 =	vmul.f32 $1.442695020e+00, v9  }
0xbf: {  	v30 =	vmul.f32 v5, v12;
	v48 =	vmul.f32 v5, v5;
	v18 =	vpop (erf)  }
0xc0: {  	v19 =	vld [tilespmem:s31+$0x4190];
	v22 =	vmul.f32 v11, v11;
	v3 =	vadd.f32 $0.0e+00, v18;
	v20 =	vpop (erf);
	(erf) = vpow2.f32 v6  }
0xc1: {  	v6 =	vmul.f32 $1.442695020e+00, v13;
	v27 =	vmul.f32 v18, v18  }
0xc2: {  	v24 =	vld [tilespmem:s31+$0x4130];
	v18 =	vmul.f32 v18, v21;
	v21 =	vmul.f32 v21, v21;
	v26 =	vadd.f32 v11, v3  }
0xc3: {  	v13 =	vpop (erf);
	v3 =	vadd.f32 v14, v1;
	v1 =	vmul.f32 v11, v8;
	v8 =	vmul.f32 v20, v17  }
0xc4: {  	v25 =	vpop (erf);
	(erf) = vpow2.f32 v6;
	v29 =	vmul.f32 v13, v13  }
0xc5: {  	v63 =	vmul.f32 v13, v19;
	v18 =	vadd.f32 $0.0e+00, v18;
	v22 =	vadd.f32 v22, v27  }
0xc6: {  	v14 =	vld [tilespmem:s31+$0x4180];
	v0 =	vadd.f32 v21, v0;
	v19 =	vmul.f32 v19, v19;
	v11 =	vpop (erf);
	(erf) = vpow2.f32 v9  }
0xc7: {  	v46 =	vmul.f32 v25, v24;
	v26 =	vadd.f32 v5, v26;
	v22 =	vadd.f32 v48, v22  }
0xc8: {  	v28 =	vpop (erf);
	v0 =	vadd.f32 v10, v0;
	v10 =	vmul.f32 v12, v12;
	v18 =	vadd.f32 v1, v18  }
0xc9: {  	v27 =	vmul.f32 v11, v11;
	v9 =	vadd.f32 $0.0e+00, v28;
	v31 =	vpop (erf);
	v26 =	vadd.f32 v25, v26  }
0xca: {  	v49 =	vmul.f32 v31, v31;
	v25 =	vmul.f32 v25, v25;
	v0 =	vadd.f32 v10, v0  }
0xcb: {  	v10 =	vmul.f32 v24, v24;
	v18 =	vadd.f32 v30, v18;
	v39 =	vmul.f32 v28, v14  }
0xcc: {  	v6 =	vld [tilespmem:s31+$0x41E0];
	v9 =	vadd.f32 v13, v9;
	v28 =	vmul.f32 v28, v28;
	v14 =	vmul.f32 v14, v14  }
0xcd: {  	v45 =	vpop (erf);
	v26 =	vadd.f32 v15, v26;
	v15 =	vmul.f32 v15, v15;
	v22 =	vadd.f32 v25, v22  }
0xce: {  	v47 =	vpop (erf);
	v0 =	vadd.f32 v10, v0;
	v10 =	vmul.f32 v16, v16;
	v18 =	vadd.f32 v46, v18  }
0xcf: {  	v40 =	vld [tilespmem:s31+$0x41B0];
	v57 =	vmul.f32 v47, v47;
	v9 =	vadd.f32 v31, v9;
	v26 =	vadd.f32 v20, v26  }
0xd0: {  	v13 =	vld [tilespmem:s31+$0x41A0];
	v38 =	vpop (erf);
	v39 =	vadd.f32 $0.0e+00, v39;
	v28 =	vadd.f32 v29, v28;
	v29 =	vmul.f32 v45, v45  }
0xd1: {  	s28 =	simm.s32 $0x100;
	v5 =	vmul.f32 v38, v6;
	v20 =	vmul.f32 v20, v20;
	v26 =	vadd.f32 v47, v26  }
0xd2: {  	v1 =	vld [tilespmem:s28+$0x41C0];
	v21 =	vmul.f32 v38, v38;
	v15 =	vadd.f32 v15, v22;
	v0 =	vadd.f32 v10, v0  }
0xd3: {  	v25 =	vld [tilespmem:s31+$0x4160];
	v10 =	vmul.f32 v17, v17;
	v18 =	vadd.f32 v23, v18;
	v26 =	vadd.f32 v7, v26  }
0xd4: {  	v12 =	vld [tilespmem:s31+$0x4170];
	v6 =	vmul.f32 v6, v6;
	v9 =	vadd.f32 v11, v9;
	v42 =	vpop (erf);
	v11 =	vmul.f32 v11, v40  }
0xd5: {  	v32 =	vadd.f32 v63, v39;
	v31 =	vmul.f32 v31, v13;
	v22 =	vmul.f32 v42, v42;
	(xrf2) =	vadd.scan.msk.f32 $0xffff, v26  }
0xd6: {  	v53 =	vld [tilespmem:s28+$0xC1A0];
	v15 =	vadd.f32 v20, v15;
	v13 =	vmul.f32 v13, v13;
	v10 =	vadd.f32 v10, v0  }
0xd7: {  	v17 =	vld [tilespmem:s28+$0xC1C0];
	v43 =	vpop (erf);
	v0 =	vmul.f32 v1, v1;
	v8 =	vadd.f32 v8, v18;
	v26 =	vadd.f32 v49, v28  }
0xd8: {  	v9 =	vadd.f32 v45, v9;
	v51 =	vmul.f32 v43, v43;
	v20 =	vmul.f32 v47, v25  }
0xd9: {  	v56 =	vld [tilespmem:s28+$0xC140];
	v16 =	vmul.f32 v25, v25;
	v25 =	vmul.f32 v12, v12;
	v24 =	vadd.f32 v27, v26  }
0xda: {  	v18 =	vld [tilespmem:s28+$0xC130];
	v12 =	vmul.f32 v7, v12;
	v31 =	vadd.f32 v31, v32;
	v7 =	vmul.f32 v7, v7  }
0xdb: {  	v52 =	vld [tilespmem:s31+$0x41F0];
	v32 =	vmul.f32 $1.442695020e+00, v53;
	v50 =	vadd.f32 v43, v9;
	v24 =	vadd.f32 v29, v24  }
0xdc: {  	v58 =	vld [tilespmem:s28+$0xC100];
	v9 =	vmul.f32 v43, v41;
	v10 =	vadd.f32 v16, v10;
	v16 =	vmul.f32 $1.442695020e+00, v17  }
0xdd: {  	v8 =	vadd.f32 v20, v8;
	v26 =	vld [tilespmem:s28+$0xC150];
	v27 =	vmul.f32 v45, v4;
	v4 =	vadd.f32 v51, v24  }
0xde: {  	v20 =	vmul.f32 $1.442695020e+00, v56;
	v28 =	vmul.f32 v40, v40;
	v10 =	vadd.f32 v25, v10;
	v29 =	vld [tilespmem:s28+$0xC170]  }
0xdf: {  	v23 =	vld [tilespmem:s28+$0xC120];
	v36 =	vadd.f32 v38, v50;
	v18 =	vmul.f32 $1.442695020e+00, v18;
	v4 =	vadd.f32 v21, v4;
	v30, _, _ =	vpop (xrf2)  }
0xe0: {  	v8 =	vadd.f32 v12, v8;
	v10 =	vadd.f32 v14, v10;
	v54 =	vmul.f32 v30, v30  }
0xe1: {  	v12 =	vmul.f32 $1.442695020e+00, v58;
	v14 =	vadd.f32 v57, v15;
	v22 =	vadd.f32 v22, v4;
	v4 =	vld [tilespmem:s28+$0xC110]  }
0xe2: {  	v15 =	vld [tilespmem:s28+$0xC180];
	v10 =	vadd.f32 v19, v10;
	v24 =	vmul.f32 v52, v52;
	v17 =	vbroadcast v54, $0xF  }
0xe3: {  	v19 =	vmul.f32 $1.442695020e+00, v26;
	v29 =	vmul.f32 $1.442695020e+00, v29;
	v30 =	vadd.f32 v30, v30  }
0xe4: {  	(erf) = vrcp.f32 v17;
	v17 =	vmul.f32 $1.442695020e+00, v23;
	v23 =	vld [tilespmem:s28+$0xC190]  }
0xe5: {  	v36 =	vadd.f32 v42, v36;
	v25 =	vbroadcast v30, $0xF;
	(erf) = vpow2.f32 v29  }
0xe6: {  	v7 =	vadd.f32 v7, v14;
	v4 =	vmul.f32 $1.442695020e+00, v4;
	(erf) = vpow2.f32 v20;
	v20 =	vld [tilespmem:s28+$0xC1B0]  }
0xe7: {  	v10 =	vadd.f32 v13, v10;
	v13 =	vld [tilespmem:s28+$0xC160];
	v14 =	vmul.f32 $1.442695020e+00, v15;
	(xrf2) =	vadd.scan.msk.f32 $0xffff, v36;
	(erf) = vpow2.f32 v17  }
0xe8: {  	v15 =	vld [tilespmem:s28+$0x4110];
	(erf) = vpow2.f32 v4;
	v4 =	vmul.f32 v25, v8  }
0xe9: {  	v29 =	vld [tilespmem:s28+$0xC1D0];
	v8 =	vadd.f32 v28, v10;
	v17 =	vmul.f32 $1.442695020e+00, v23;
	(erf) = vpow2.f32 v12  }
0xea: {  	v21 =	vmul.f32 v42, v52;
	v12 =	vld [tilespmem:s28+$0xC1F0];
	(erf) = vpow2.f32 v19;
	v4 =	vsub.f32 v7, v4  }
0xeb: {  	v2 =	vadd.f32 v2, v8;
	v8 =	vld [tilespmem:s28+$0x4140];
	v10 =	vmul.f32 $1.442695020e+00, v20;
	(erf) = vpow2.f32 v17  }
0xec: {  	v13 =	vmul.f32 $1.442695020e+00, v13;
	v17 =	vld [tilespmem:s28+$0xC1E0];
	(erf) = vpow2.f32 v18  }
0xed: {  	v26 =	vmul.f32 v15, v15;
	v2 =	vadd.f32 v55, v2;
	v7 =	vpop (erf);
	(erf) = vpow2.f32 v10  }
0xee: {  	v11 =	vadd.f32 v11, v31;
	v7 =	vmul.f32 v4, v7;
	v4 =	vpop (erf);
	(erf) = vpow2.f32 v14  }
0xef: {  	v23 =	vmul.f32 $1.442695020e+00, v29;
	v2 =	vadd.f32 v6, v2;
	v25 =	vpop (erf);
	(erf) = vpow2.f32 v32  }
0xf0: {  	v6 =	vmul.f32 $1.442695020e+00, v12;
	v3 =	vadd.f32 v7, v3;
	v29 =	vpop (erf);
	(erf) = vpow2.f32 v16  }
0xf1: {  	v14, _, _ =	vpop (xrf2);
	v7 =	vadd.f32 v27, v11;
	v11 =	vmul.f32 $1.442695020e+00, v17;
	v12 =	vmul.f32 v25, v8  }
0xf2: {  	v31 =	vld [tilespmem:s28+$0x4100];
	v56 =	vmul.f32 v25, v25;
	v17 =	vpop (erf);
	(erf) = vpow2.f32 v13  }
0xf3: {  	v10 =	vld [tilespmem:s28+$0x4150];
	v13 =	vadd.f32 v14, v14;
	v14 =	vmul.f32 v14, v14;
	v50 =	vmul.f32 v29, v29  }
0xf4: {  	v30 =	vld [tilespmem:s28+$0x4120];
	v27 =	vmul.f32 v17, v17;
	v19 =	vpop (erf);
	(erf) = vpow2.f32 v11  }
0xf5: {  	v24 =	vadd.f32 v24, v2;
	v16 =	vmul.f32 v17, v15;
	v15 =	vpop (erf);
	(erf) = vpow2.f32 v6  }
0xf6: {  	v39 =	vld [tilespmem:s28+$0x4130];
	v7 =	vadd.f32 v9, v7;
	v6 =	vbroadcast v13, $0xF;
	v60 =	vmul.f32 v19, v19  }
0xf7: {  	v9 =	vld [tilespmem:s28+$0x4190];
	v18 =	vadd.f32 $0.0e+00, v19;
	v14 =	vbroadcast v14, $0xF;
	v28 =	vmul.f32 v19, v31  }
0xf8: {  	v11 =	vmul.f32 v15, v10;
	v5 =	vadd.f32 v5, v7;
	v59 =	vpop (erf);
	v45 =	vmul.f32 v15, v15  }
0xf9: {  	v13 =	vpop (erf);
	v2 =	vadd.f32 v17, v18;
	v61 =	vmul.f32 v59, v59;
	v18 =	vmul.f32 v29, v30  }
0xfa: {  	v7 =	vld [tilespmem:s28+$0x4180];
	v28 =	vadd.f32 $0.0e+00, v28;
	v27 =	vadd.f32 v27, v60;
	v17 =	vpop (erf);
	(erf) = vpow2.f32 v23  }
0xfb: {  	v5 =	vadd.f32 v21, v5;
	v20 =	vmul.f32 v13, v39;
	v62 =	vpop (erf);
	v21 =	vadd.f32 v29, v2  }
0xfc: {  	v39 =	vmul.f32 v39, v39;
	v63 =	vmul.f32 v59, v9;
	v49 =	vadd.f32 $0.0e+00, v62  }
0xfd: {  	v23 =	vld [tilespmem:s28+$0x41A0];
	(erf) = vrcp.f32 v14;
	v5 =	vmul.f32 v6, v5;
	v21 =	vadd.f32 v13, v21  }
0xfe: {  	v29 =	vmul.f32 v17, v17;
	v57 =	vmul.f32 v62, v62;
	v6 =	vadd.f32 v59, v49  }
0xff: {  	v36 =	vld [tilespmem:s28+$0x4160];
	v48 =	vpop (erf);
	v53 =	vsub.f32 v22, v5;
	v5 =	vmul.f32 v62, v7;
	v21 =	vadd.f32 v25, v21  }
0x100: {  	v2 =	vld [tilespmem:s28+$0x41E0];
	v19 =	vpop (erf);
	v51 =	vmul.f32 v48, v48;
	v59 =	vmul.f32 v13, v13;
	v22 =	vadd.f32 v48, v6  }
0x101: {  	v54 =	vld [tilespmem:s28+$0x41B0];
	v32 =	vmul.f32 v19, v19;
	v5 =	vadd.f32 $0.0e+00, v5;
	v55 =	vadd.f32 v15, v21  }
0x102: {  	v14 =	vpop (erf);
	v62 =	vmul.f32 v30, v30;
	v58 =	vmul.f32 v48, v23;
	v22 =	vadd.f32 v17, v22  }
0x103: {  	v52 =	vpop (erf);
	v60 =	vadd.f32 v63, v5;
	v5 =	vmul.f32 v31, v31;
	v44 =	vadd.f32 v14, v55  }
0x104: {  	v30 =	vmul.f32 v14, v36;
	v25 =	vpop (erf);
	v21 =	vld [tilespmem:s28+$0x41D0];
	v15 =	vadd.f32 v19, v22;
	v22 =	vadd.f32 v50, v27  }
0x105: {  	v6 =	vmul.f32 v52, v2;
	v46 =	vpop (erf);
	v5 =	vadd.f32 v5, v24;
	v44 =	vadd.f32 v4, v44  }
0x106: {  	v17 =	vmul.f32 v17, v54;
	v31 =	vadd.f32 v46, v15;
	v15 =	vadd.f32 v59, v22  }
0x107: {  	v27 =	vmul.f32 v52, v52;
	v22 =	vadd.f32 v61, v57;
	v61 =	vadd.f32 v26, v5  }
0x108: {  	v33 =	vmul.f32 v46, v46;
	v26 =	vadd.f32 v58, v60;
	(xrf2) =	vadd.scan.msk.f32 $0xffff, v44;
	v24 =	vadd.f32 v56, v15  }
0x109: {  	v35 =	vld [tilespmem:s28+$0x4170];
	v13 =	vmul.f32 v46, v21;
	v37 =	vadd.f32 v51, v22;
	v31 =	vadd.f32 v52, v31  }
0x10a: {  	v63 =	vpop (erf);
	v22 =	vmul.f32 v25, v25;
	v15 =	vmul.f32 v54, v54;
	v38 =	vadd.f32 v62, v61  }
0x10b: {  	s26 =	simm.s32 $0x2;
	v5 =	vld [tilespmem:s28+$0x41F0];
	s28 =	simm.s32 $0x800;
	v24 =	vadd.f32 v45, v24;
	v34 =	vadd.f32 v25, v31;
	v31 =	vmul.f32 v53, v63  }
.LBB2_4:
0x10c: {  	s29 =	sshra.s32 s28, $0x2;
	s26 =	sadd.s32 $0x2, s26;
	v16 =	vadd.f32 v16, v28;
	v23 =	vmul.f32 v23, v23;
	v28 =	vadd.f32 v29, v37  }
0x10d: {  	v8 =	vmul.f32 v8, v8;
	v29 =	vld [tilespmem:s29+$0x41C0];
	p0 =	slt.u32 s26, $0x7E;
	v37 =	vadd.f32 v39, v38;
	v3 =	vadd.f32 v31, v3  }
0x10e: {  	v36 =	vmul.f32 v36, v36;
	v31 =	vld [tilespmem:s29+$0xC150];
	v38 =	vmul.f32 v35, v35;
	v28 =	vadd.f32 v32, v28  }
0x10f: {  	v10 =	vmul.f32 v10, v10;
	v16 =	vadd.f32 v18, v16;
	v32 =	vld [tilespmem:s29+$0xC1D0];
	v8 =	vadd.f32 v8, v37  }
0x110: {  	v9 =	vmul.f32 v9, v9;
	v39 =	vmul.f32 v19, v1;
	v37 =	vld [tilespmem:s29+$0xC1C0];
	v33 =	vadd.f32 v33, v28  }
0x111: {  	v19 =	vmul.f32 v5, v5;
	v16 =	vadd.f32 v20, v16;
	v28 =	vld [tilespmem:s29+$0xC140];
	v8 =	vadd.f32 v10, v8  }
0x112: {  	v18 =	vmul.f32 v25, v5;
	v10 =	vld [tilespmem:s29+$0xC170];
	v20 =	vmul.f32 v29, v29;
	v27 =	vadd.f32 v27, v33;
	v5, _, _ =	vpop (xrf2)  }
0x113: {  	v12 =	vadd.f32 v12, v16;
	v1 =	vmovc v29;
	v25 =	vld [tilespmem:s29+$0xC1A0];
	v8 =	vadd.f32 v36, v8;
	v16 =	vmul.f32 v5, v5  }
0x114: {  	v33 =	vmul.f32 v4, v35;
	v35 =	vmul.f32 v21, v21;
	v29 =	vld [tilespmem:s29+$0xC120];
	v21 =	vadd.f32 v22, v27  }
0x115: {  	v11 =	vadd.f32 v11, v12;
	v22 =	vld [tilespmem:s29+$0xC160];
	v27 =	vmul.f32 $1.442695020e+00, v37;
	v12 =	vbroadcast v16, $0xF  }
0x116: {  	v7 =	vmul.f32 v7, v7;
	v4 =	vmul.f32 v4, v4;
	v16 =	vld [tilespmem:s29+$0xC110]  }
0x117: {  	v14 =	vmul.f32 v14, v14;
	v5 =	vadd.f32 v5, v5;
	v36 =	vld [tilespmem:s29+$0xC130];
	v10 =	vmul.f32 $1.442695020e+00, v10  }
0x118: {  	v8 =	vadd.f32 v38, v8;
	v37 =	vld [tilespmem:s29+$0xC100];
	v25 =	vmul.f32 $1.442695020e+00, v25;
	(erf) = vrcp.f32 v12  }
0x119: {  	v14 =	vadd.f32 v14, v24;
	v11 =	vadd.f32 v30, v11;
	v12 =	vmul.f32 $1.442695020e+00, v29;
	v29 =	vld [tilespmem:s29+$0xC190]  }
0x11a: {  	v24 =	vmul.f32 $1.442695020e+00, v28;
	v30 =	vbroadcast v5, $0xF;
	v7 =	vadd.f32 v7, v8;
	v28 =	vld [tilespmem:s29+$0xC1E0]  }
0x11b: {  	v4 =	vadd.f32 v4, v14;
	v8 =	vmul.f32 $1.442695020e+00, v16;
	v16 =	vld [tilespmem:s29+$0xC180];
	(erf) = vpow2.f32 v10  }
0x11c: {  	v7 =	vadd.f32 v9, v7;
	v10 =	vmul.f32 $1.442695020e+00, v36;
	v5 =	vld [tilespmem:s29+$0x41F0];
	(erf) = vpow2.f32 v24  }
0x11d: {  	v11 =	vadd.f32 v33, v11;
	v9 =	vmul.f32 $1.442695020e+00, v31;
	v14 =	vld [tilespmem:s29+$0xC1B0];
	(erf) = vpow2.f32 v12;
	(xrf2) =	vadd.scan.msk.f32 $0xffff, v34  }
0x11e: {  	v7 =	vadd.f32 v23, v7;
	v12 =	vmul.f32 $1.442695020e+00, v37;
	v31 =	vld [tilespmem:s29+$0x4110];
	v29 =	vmul.f32 $1.442695020e+00, v29  }
0x11f: {  	v23 =	vmul.f32 v30, v11;
	(erf) = vpow2.f32 v8  }
0x120: {  	v7 =	vadd.f32 v15, v7;
	v24 =	vld [tilespmem:s29+$0x4120];
	v11 =	vmul.f32 $1.442695020e+00, v16;
	(erf) = vpow2.f32 v12  }
0x121: {  	v15 =	vmul.f32 $1.442695020e+00, v32;
	v16 =	vsub.f32 v4, v23;
	(erf) = vpow2.f32 v9;
	v8 =	vpop (erf)  }
0x122: {  	v7 =	vadd.f32 v0, v7;
	v0 =	vmovc v20;
	v9 =	vmul.f32 $1.442695020e+00, v14;
	v12 =	vld [tilespmem:s29+$0xC1F0];
	(erf) = vpow2.f32 v29  }
0x123: {  	v14 =	vadd.f32 v17, v26;
	(erf) = vpow2.f32 v10;
	v10 =	vmul.f32 v16, v8  }
0x124: {  	v2 =	vmul.f32 v2, v2;
	v7 =	vadd.f32 v35, v7;
	v8 =	vld [tilespmem:s29+$0x4140];
	v4 =	vpop (erf);
	(erf) = vpow2.f32 v9  }
0x125: {  	v16 =	vmul.f32 $1.442695020e+00, v22;
	v9 =	vld [tilespmem:s29+$0x4190];
	v17 =	vpop (erf);
	(erf) = vpow2.f32 v11;
	v3 =	vadd.f32 v10, v3  }
0x126: {  	v26 =	vmul.f32 v31, v31;
	v2 =	vadd.f32 v2, v7;
	v10 =	vld [tilespmem:s29+$0x4150];
	v22 =	vpop (erf);
	(erf) = vpow2.f32 v25  }
0x127: {  	v11 =	vadd.f32 v39, v14;
	v30 =	vld [tilespmem:s29+$0x4100];
	v20 =	vmul.f32 $1.442695020e+00, v12;
	(erf) = vpow2.f32 v27;
	v14, _, _ =	vpop (xrf2)  }
0x128: {  	v23 =	vmul.f32 $1.442695020e+00, v28;
	v7 =	vld [tilespmem:s29+$0x4180];
	v25 =	vpop (erf);
	(erf) = vpow2.f32 v16;
	v27 =	vadd.f32 v14, v14  }
0x129: {  	v13 =	vadd.f32 v13, v11;
	v29 =	vmul.f32 v25, v25;
	v12 =	vmul.f32 v17, v8;
	v28 =	vpop (erf)  }
0x12a: {  	v16 =	vmul.f32 v25, v31;
	v32 =	vadd.f32 $0.0e+00, v28;
	v31 =	vpop (erf);
	(erf) = vpow2.f32 v23  }
0x12b: {  	v6 =	vadd.f32 v6, v13;
	v13 =	vmul.f32 v14, v14;
	v11 =	vmul.f32 v31, v10;
	v33 =	vpop (erf)  }
0x12c: {  	v35 =	vadd.f32 v19, v2;
	v27 =	vbroadcast v27, $0xF;
	v39 =	vld [tilespmem:s29+$0x4130];
	v34 =	vpop (erf);
	(erf) = vpow2.f32 v20  }
0x12d: {  	v36 =	vmul.f32 v28, v28;
	v2 =	vadd.f32 v25, v32;
	v32 =	vmul.f32 v33, v33;
	v23 =	vld [tilespmem:s29+$0x41A0];
	v37 =	vpop (erf)  }
0x12e: {  	v6 =	vadd.f32 v18, v6;
	v13 =	vbroadcast v13, $0xF;
	v38 =	vpop (erf);
	(erf) = vpow2.f32 v15  }
0x12f: {  	v18 =	vmul.f32 v22, v24;
	v42 =	vadd.f32 v22, v2;
	v15 =	vmul.f32 v33, v9;
	v2 =	vld [tilespmem:s29+$0x41E0];
	v40 =	vpop (erf)  }
0x130: {  	v25 =	vmul.f32 v28, v30;
	v43 =	vadd.f32 $0.0e+00, v38;
	v19 =	vpop (erf);
	(erf) = vrcp.f32 v13  }
0x131: {  	v6 =	vmul.f32 v27, v6;
	v13 =	vadd.f32 v34, v42;
	v20 =	vmul.f32 v34, v39;
	v14 =	vpop (erf)  }
0x132: {  	v28 =	vadd.f32 $0.0e+00, v25;
	v22 =	vmul.f32 v22, v22;
	v45 =	vadd.f32 v33, v43  }
0x133: {  	v42 =	vsub.f32 v21, v6;
	v33 =	vmul.f32 v40, v40;
	v13 =	vadd.f32 v17, v13;
	v41 =	vpop (erf)  }
0x134: {  	v27 =	vmul.f32 v38, v7;
	v43 =	vadd.f32 v40, v45;
	v44 =	vld [tilespmem:s29+$0x41B0];
	v6 =	vmul.f32 v41, v2  }
0x135: {  	v36 =	vadd.f32 v29, v36;
	v29 =	vmul.f32 v37, v37;
	v13 =	vadd.f32 v31, v13;
	v21 =	vld [tilespmem:s29+$0x41D0];
	v25 =	vpop (erf)  }
0x136: {  	v45 =	vmul.f32 v17, v17;
	v17 =	vadd.f32 $0.0e+00, v27;
	v27 =	vadd.f32 v37, v43  }
0x137: {  	v38 =	vmul.f32 v38, v38;
	v40 =	vmul.f32 v40, v23;
	v43 =	vadd.f32 v14, v13;
	v46 =	vpop (erf)  }
0x138: {  	v34 =	vmul.f32 v34, v34;
	v31 =	vmul.f32 v31, v31;
	v27 =	vadd.f32 v19, v27  }
0x139: {  	v22 =	vadd.f32 v22, v36;
	v47 =	vadd.f32 v15, v17;
	v17 =	vmul.f32 v37, v44;
	v48 =	vpop (erf)  }
0x13a: {  	v15 =	vmul.f32 v30, v30;
	v30 =	vadd.f32 v46, v27;
	v13 =	vmul.f32 v46, v21  }
0x13b: {  	v22 =	vadd.f32 v34, v22;
	v34 =	vadd.f32 v32, v38;
	v32 =	vmul.f32 v19, v19;
	v36 =	vld [tilespmem:s29+$0x4160]  }
0x13c: {  	v35 =	vadd.f32 v15, v35;
	v38 =	vadd.f32 v4, v43;
	v27 =	vmul.f32 v41, v41  }
.Ltmp1:
0x13d: {  	v43 =	vadd.f32 v45, v22;
	v22 =	vmul.f32 v25, v25;
	v37 =	vadd.f32 v33, v34;
	(pc) =	sbr.rel @p0 .LBB2_4-.Ltmp1, $4  }
0x13e: {  	v15 =	vmul.f32 v44, v44;
	v33 =	vmul.f32 v46, v46;
	v34 =	vadd.f32 v41, v30;
	(xrf2) =	vadd.scan.msk.f32 $0xffff, v38  }
0x13f: {  	v41 =	vmul.f32 v24, v24;
	v24 =	vadd.f32 v31, v43;
	v38 =	vadd.f32 v26, v35;
	v35 =	vld [tilespmem:s29+$0x4170]  }
0x140: {  	v34 =	vadd.f32 v25, v34;
	v26 =	vadd.f32 v40, v47;
	v30 =	vmul.f32 v14, v36  }
0x141: {  	s28 =	sadd.s32 $0x400, s28;
	v39 =	vmul.f32 v39, v39;
	v31 =	vmul.f32 v42, v48;
	v38 =	vadd.f32 v41, v38  }
0x142: {  	(xrf2) =	vadd.scan.msk.f32 $0xffff, v34;
	_ =	sdelay $0x8  }
0x143: {  	v61, _, _ =	vpop (xrf2)  }
0x144: {  	v40 =	vmul.f32 v61, v61;
	v41, _, _ =	vpop (xrf2)  }
0x145: {  	v42 =	vmul.f32 v41, v41  }
0x146: {  	v40 =	vbroadcast v40, $0xF  }
0x147: {  	v42 =	vbroadcast v42, $0xF  }
0x148: {  	(erf) = vrcp.f32 v40  }
0x149: {  	(erf) = vrcp.f32 v42;
	_ =	sdelay $0x7  }
0x14a: {  	v40 =	vpop (erf)  }
0x14b: {  	v42 =	vpop (erf)  }
0x14c: {  	_ =	swait.ge [sflag:s18], $0x4000  }
0x14d: {  	[sflag:s18] =	ssyncset.done $0x0  }
0x14e: {  	[sflag:s18] =	ssyncadd.s32 $0xFFFFC000  }
0x14f: {  	v16 =	vadd.f32 v16, v28;
	_ =	swait.ge [sflag:s19], $0x4000  }
0x150: {  	[sflag:s19] =	ssyncset.done $0x0  }
0x151: {  	v16 =	vadd.f32 v18, v16;
	[sflag:s19] =	ssyncadd.s32 $0xFFFFC000  }
0x152: {  	[tilespmem:s15], [sflag:$0x5] =	stream.linear.gather [hbm4b:s10+s3], $0x80, $0x38;
	[tilespmem:$0x10180] =	vst v63  }
0x153: {  	v8 =	vmul.f32 v8, v8;
	v16 =	vadd.f32 v20, v16;
	_ =	swait.ge [sflag:s14], $0x80  }
0x154: {  	v10 =	vmul.f32 v10, v10;
	v17 =	vadd.f32 v17, v26;
	v28 =	vadd.f32 v39, v38;
	[sflag:s14] =	ssyncset.done $0x0  }
0x155: {  	v1 =	vmul.f32 v19, v1;
	v19 =	vadd.f32 v29, v37;
	v12 =	vadd.f32 v12, v16;
	[sflag:s14] =	ssyncadd.s32 $0xFFFFFF80  }
0x156: {  	v9 =	vmul.f32 v9, v9;
	v7 =	vmul.f32 v7, v7;
	v8 =	vadd.f32 v8, v28;
	[tilespmem:s20], [sflag:$0x2] =	stream.indirect.gather [hbm4b:s1+s15], $0x80, s15, s15, $0xb8;
	[tilespmem:$0x10180] =	vst v63  }
0x157: {  	s26 =	simm.s32 $0x8180;
	v14 =	vmul.f32 v14, v14;
	v1 =	vadd.f32 v1, v17;
	v11 =	vadd.f32 v11, v12  }
0x158: {  	v18 =	vmul.f32 v23, v23;
	v20 =	vmul.f32 v36, v36;
	v8 =	vadd.f32 v10, v8;
	[tilespmem:s21], [sflag:$0x4] =	stream.linear.gather [hbm4b:s11+s3], $0x4000, $0x38;
	[tilespmem:$0x10180] =	vst v63  }
0x159: {  	v1 =	vadd.f32 v13, v1;
	v12 =	vmul.f32 v4, v35;
	v11 =	vadd.f32 v30, v11;
	v13 =	vld [tilespmem:s26+$0xFFFFFFA0]  }
0x15a: {  	v17 =	vmul.f32 v21, v21;
	v8 =	vadd.f32 v20, v8;
	v20 =	vadd.f32 v61, v61;
	v21 =	vld [tilespmem:s26+$0x60]  }
0x15b: {  	v10 =	vmul.f32 v25, v5;
	v1 =	vadd.f32 v6, v1;
	v11 =	vadd.f32 v12, v11;
	v12 =	vld [tilespmem:s26+$0x40]  }
0x15c: {  	v16 =	vmul.f32 v35, v35;
	v20 =	vbroadcast v20, $0xF;
	v23 =	vadd.f32 v41, v41;
	v6 =	vld [tilespmem:s26+$0xFFFFFFC0]  }
0x15d: {  	v2 =	vmul.f32 v2, v2;
	v4 =	vmul.f32 v4, v4;
	v1 =	vadd.f32 v10, v1;
	v10 =	vld [tilespmem:s26+$0x10]  }
0x15e: {  	v8 =	vadd.f32 v16, v8;
	v23 =	vbroadcast v23, $0xF;
	v11 =	vmul.f32 v20, v11;
	v20 =	vld [tilespmem:s26+$0xFFFFFF80]  }
0x15f: {  	v19 =	vadd.f32 v32, v19;
	v13 =	vmul.f32 $1.442695020e+00, v13;
	v16 =	vmul.f32 $1.442695020e+00, v21;
	v21 =	vld [tilespmem:s26+$0x0]  }
0x160: {  	v7 =	vadd.f32 v7, v8;
	v1 =	vmul.f32 v23, v1;
	v8 =	vmul.f32 $1.442695020e+00, v12;
	v12 =	vld [tilespmem:s26+$0x20]  }
0x161: {  	v19 =	vadd.f32 v33, v19;
	v6 =	vmul.f32 $1.442695020e+00, v6;
	(erf) = vpow2.f32 v13  }
0x162: {  	v10 =	vmul.f32 $1.442695020e+00, v10;
	v13 =	vld [tilespmem:s26+$0x30];
	(erf) = vpow2.f32 v16  }
0x163: {  	v16 =	vadd.f32 v27, v19;
	v19 =	vld [tilespmem:s26+$0xFFFFFF90];
	(erf) = vpow2.f32 v6;
	v6 =	vadd.f32 v9, v7  }
0x164: {  	v7 =	vmul.f32 $1.442695020e+00, v20;
	v9 =	vadd.f32 v14, v24;
	(erf) = vpow2.f32 v8;
	v8 =	vld [tilespmem:s26+$0xFFFFFFB0]  }
0x165: {  	v14 =	vmul.f32 $1.442695020e+00, v21;
	v12 =	vmul.f32 $1.442695020e+00, v12  }
0x166: {  	s28 =	simm.s32 $0x180;
	(erf) = vpow2.f32 v10;
	v6 =	vadd.f32 v18, v6;
	v4 =	vadd.f32 v4, v9;
	v9 =	vld [tilespmem:s26+$0xFFFFFFE0]  }
0x167: {  	v10 =	vld [tilespmem:s28+$0x60];
	(erf) = vpow2.f32 v7;
	v7 =	vmul.f32 $1.442695020e+00, v13  }
0x168: {  	v13 =	vld [tilespmem:s26+$0x50];
	(erf) = vpow2.f32 v14;
	v6 =	vadd.f32 v15, v6;
	v14 =	vmul.f32 $1.442695020e+00, v19  }
0x169: {  	v23 =	vld [tilespmem:s28+$0xFFFFFFA0];
	v4 =	vsub.f32 v4, v11;
	(erf) = vpow2.f32 v7;
	v8 =	vmul.f32 $1.442695020e+00, v8  }
0x16a: {  	v46 =	vld [tilespmem:s28+$0x40];
	v7 =	vadd.f32 v22, v16;
	(erf) = vpow2.f32 v12;
	v12 =	vmul.f32 v5, v5  }
0x16b: {  	v15 =	vld [tilespmem:s26+$0xFFFFFFF0];
	v0 =	vadd.f32 v0, v6;
	v11 =	vpop (erf);
	(erf) = vpow2.f32 v14;
	v9 =	vmul.f32 $1.442695020e+00, v9  }
0x16c: {  	v6 =	vld [tilespmem:s26+$0xFFFFFFD0];
	v1 =	vsub.f32 v7, v1;
	v5 =	vpop (erf);
	(erf) = vpow2.f32 v8;
	v8 =	vmul.f32 v4, v40  }
0x16d: {  	v7 =	vld [tilespmem:s26+$0x70];
	v14 =	vadd.f32 v17, v0;
	v0 =	vmul.f32 v10, v10;
	v13 =	vmul.f32 $1.442695020e+00, v13  }
0x16e: {  	v16 =	vld [tilespmem:s28+$0xFFFFFF80];
	v34 =	vmul.f32 v11, v23;
	v21 =	vmul.f32 v11, v11;
	v18 =	vpop (erf)  }
0x16f: {  	v3 =	vadd.f32 v31, v3;
	v23 =	vmul.f32 v23, v23;
	v1 =	vmul.f32 v1, v42;
	v19 =	vpop (erf)  }
0x170: {  	v35 =	vld [tilespmem:s28+$0xFFFFFFC0];
	v15 =	vmul.f32 $1.442695020e+00, v15;
	v14 =	vadd.f32 v2, v14;
	v2 =	vmul.f32 v5, v10;
	v17 =	vpop (erf)  }
0x171: {  	v3 =	vadd.f32 v8, v3;
	v8 =	vmul.f32 $1.442695020e+00, v6;
	v60 =	vmul.f32 v19, v46;
	v20 =	vpop (erf)  }
0x172: {  	v6 =	vld [tilespmem:s28+$0x0];
	v61 =	vmul.f32 v19, v19;
	v24 =	vadd.f32 v12, v14;
	v7 =	vmul.f32 $1.442695020e+00, v7;
	v12 =	vpop (erf)  }
0x173: {  	v31 =	vmul.f32 v17, v17;
	v26 =	vmul.f32 v20, v16;
	v29 =	vpop (erf)  }
0x174: {  	v10 =	vld [tilespmem:s28+$0xFFFFFF90];
	(erf) = vpow2.f32 v8;
	v14 =	vadd.f32 $0.0e+00, v20;
	v51 =	vmul.f32 v20, v20;
	v63 =	vpop (erf)  }
0x175: {  	v4 =	vld [tilespmem:s28+$0x10];
	v20 =	vmul.f32 v18, v35;
	(erf) = vpow2.f32 v15;
	v30 =	vpop (erf)  }
0x176: {  	v16 =	vmul.f32 v16, v16;
	(erf) = vpow2.f32 v9;
	v14 =	vadd.f32 v30, v14  }
0x177: {  	v1 =	vadd.f32 v1, v3;
	v49 =	vpop (erf);
	(erf) = vpow2.f32 v7;
	v7 =	vmul.f32 v12, v6  }
0x178: {  	v3 =	vadd.f32 $0.0e+00, v12;
	v52 =	vmul.f32 v12, v12;
	v14 =	vadd.f32 v11, v14  }
0x179: {  	v25 =	vld [tilespmem:s28+$0xFFFFFFD0];
	v48 =	vmul.f32 v10, v10;
	v43 =	vadd.f32 $0.0e+00, v26;
	v7 =	vadd.f32 $0.0e+00, v7  }
0x17a: {  	v27 =	vld [tilespmem:s28+$0xFFFFFFB0];
	v9 =	vmul.f32 v17, v4;
	(erf) = vpow2.f32 v13;
	v14 =	vadd.f32 v49, v14  }
0x17b: {  	v15 =	vld [tilespmem:s28+$0xFFFFFFE0];
	v56 =	vmul.f32 v29, v29;
	v16 =	vadd.f32 v16, v24;
	v3 =	vadd.f32 v17, v3  }
0x17c: {  	v8 =	vld [tilespmem:s28+$0x20];
	v55 =	vmul.f32 v30, v30;
	v53 =	vadd.f32 v9, v7;
	v9 =	vadd.f32 v18, v14  }
0x17d: {  	v62 =	vld [tilespmem:s28+$0x50];
	v44 =	vmul.f32 v30, v10;
	v50 =	vadd.f32 v63, v3;
	v11 =	vmul.f32 v18, v18;
	v7 =	vpop (erf)  }
0x17e: {  	v30 =	vld [tilespmem:s28+$0x30];
	v13 =	vpop (erf);
	v14 =	vmul.f32 v7, v7;
	v18 =	vmul.f32 v7, v25;
	v7 =	vadd.f32 v7, v9  }
0x17f: {  	v37 =	vadd.f32 v31, v52;
	v33 =	vmul.f32 v63, v63;
	v38 =	vadd.f32 v29, v50;
	v45 =	vpop (erf)  }
0x180: {  	v12 =	vmul.f32 v45, v15;
	v10 =	vmul.f32 v45, v45;
	v45 =	vadd.f32 v45, v7  }
0x181: {  	v16 =	vadd.f32 v48, v16;
	v17 =	vmul.f32 v49, v27;
	v54 =	vmul.f32 v63, v8  }
0x182: {  	v3 =	vmul.f32 v62, v62;
	v57 =	vadd.f32 v19, v38;
	v26 =	vpop (erf);
	v58 =	vadd.f32 v13, v45  }
0x183: {  	v28 =	vld [tilespmem:s28+$0xFFFFFFF0];
	v33 =	vadd.f32 v33, v37;
	v29 =	vmul.f32 v29, v30;
	v40 =	vadd.f32 v54, v53;
	v59 =	vpop (erf)  }
0x184: {  	v22 =	vmul.f32 v49, v49;
	v31 =	vadd.f32 v55, v51;
	v24 =	vadd.f32 v59, v57;
	(xrf2) =	vadd.scan.msk.f32 $0xffff, v58  }
0x185: {  	v16 =	vadd.f32 v23, v16;
	v23 =	vmul.f32 v27, v27;
	v29 =	vadd.f32 v29, v40  }
0x186: {  	v27 =	vmul.f32 v35, v35;
	v33 =	vadd.f32 v56, v33;
	v24 =	vadd.f32 v5, v24  }
0x187: {  	v29 =	vadd.f32 v60, v29;
	v32 =	vmul.f32 v59, v62;
	v62 =	vadd.f32 v44, v43  }
0x188: {  	v9 =	vmul.f32 v13, v28;
	v7 =	vmul.f32 v26, v26;
	v63 =	vadd.f32 v26, v24  }
0x189: {  	v19 =	vmul.f32 v59, v59;
	v29 =	vadd.f32 v32, v29;
	v32 =	vadd.f32 v34, v62  }
0x18a: {  	s29 =	simm.s32 $0x8280;
	s26 =	simm.s32 $0x0;
	v24 =	vadd.f32 v61, v33;
	v33 =	vadd.f32 v23, v16;
	v16 =	vmul.f32 v46, v46;
	v23 =	vld [tilespmem:s28+$0x70];
	s28 =	simm.s32 $0x280;
	(xrf2) =	vadd.scan.msk.f32 $0xffff, v63  }
.LBB2_6:
0x18b: {  	v34 =	vld [tilespmem:s29+$0xFFFFFFA0];
	s26 =	sadd.s32 $0x2, s26;
	v21 =	vadd.f32 v21, v31;
	v28 =	vmul.f32 v28, v28;
	v30 =	vmul.f32 v30, v30  }
0x18c: {  	v25 =	vmul.f32 v25, v25;
	v31 =	vld [tilespmem:s28+$0x60];
	p0 =	slt.u32 s26, $0x7E;
	v17 =	vadd.f32 v17, v32;
	v27 =	vadd.f32 v27, v33  }
0x18d: {  	v8 =	vmul.f32 v8, v8;
	v32 =	vld [tilespmem:s29+$0x60];
	v21 =	vadd.f32 v22, v21;
	v22 =	vmul.f32 v5, v5  }
0x18e: {  	v15 =	vmul.f32 v15, v15;
	v33 =	vld [tilespmem:s29+$0xFFFFFFE0];
	v5 =	vadd.f32 v20, v17;
	v17 =	vadd.f32 v25, v27;
	v20, _, _ =	vpop (xrf2)  }
0x18f: {  	v6 =	vmul.f32 v6, v6;
	v4 =	vmul.f32 v4, v4;
	v25 =	vld [tilespmem:s29+$0x50];
	v27 =	vadd.f32 v20, v20  }
0x190: {  	v34 =	vmul.f32 $1.442695020e+00, v34;
	v35 =	vld [tilespmem:s29+$0xFFFFFFF0];
	v15 =	vadd.f32 v15, v17;
	v17 =	vmul.f32 v20, v20  }
0x191: {  	v11 =	vadd.f32 v11, v21;
	v21 =	vmul.f32 v26, v23;
	v20 =	vld [tilespmem:s29+$0xFFFFFFC0];
	v36 =	vmul.f32 v31, v31  }
0x192: {  	v13 =	vmul.f32 v13, v13;
	v26 =	vld [tilespmem:s29+$0x40];
	v15 =	vadd.f32 v28, v15;
	v17 =	vbroadcast v17, $0xF  }
0x193: {  	v11 =	vadd.f32 v14, v11;
	v37 =	vbroadcast v27, $0xF;
	v32 =	vmul.f32 $1.442695020e+00, v32;
	v28 =	vld [tilespmem:s29+$0x10]  }
0x194: {  	v5 =	vadd.f32 v18, v5;
	v27 =	vld [tilespmem:s29+$0xFFFFFF80];
	v14 =	vmul.f32 $1.442695020e+00, v25;
	(erf) = vpow2.f32 v34;
	v18, _, _ =	vpop (xrf2)  }
0x195: {  	v6 =	vadd.f32 v6, v15;
	v25 =	vmul.f32 $1.442695020e+00, v35;
	v34 =	vld [tilespmem:s29+$0x0];
	(erf) = vpow2.f32 v32  }
0x196: {  	v32 =	vadd.f32 v18, v18;
	v18 =	vmul.f32 v18, v18;
	v15 =	vld [tilespmem:s29+$0xFFFFFF90];
	v20 =	vmul.f32 $1.442695020e+00, v20  }
0x197: {  	v4 =	vadd.f32 v4, v6;
	v35 =	vld [tilespmem:s29+$0x30];
	v26 =	vmul.f32 $1.442695020e+00, v26;
	(erf) = vrcp.f32 v17  }
0x198: {  	v10 =	vadd.f32 v10, v11;
	v6 =	vmul.f32 $1.442695020e+00, v28;
	v17 =	vld [tilespmem:s29+$0x20];
	(erf) = vpow2.f32 v20  }
0x199: {  	v12 =	vadd.f32 v12, v5;
	v11 =	vmul.f32 $1.442695020e+00, v27;
	(erf) = vpow2.f32 v26  }
0x19a: {  	v4 =	vadd.f32 v8, v4;
	v20 =	vld [tilespmem:s29+$0xFFFFFFB0];
	v5 =	vmul.f32 $1.442695020e+00, v34;
	(erf) = vpow2.f32 v6  }
0x19b: {  	v10 =	vadd.f32 v13, v10;
	v6 =	vmul.f32 $1.442695020e+00, v15;
	v27 =	vld [tilespmem:s28+$0xFFFFFFC0];
	(erf) = vpow2.f32 v11  }
0x19c: {  	v2 =	vadd.f32 v2, v29;
	v13 =	vbroadcast v32, $0xF;
	v8 =	vld [tilespmem:s28+$0x20];
	v11 =	vmul.f32 $1.442695020e+00, v35  }
0x19d: {  	v28 =	vadd.f32 v30, v4;
	v15 =	vmul.f32 $1.442695020e+00, v17;
	v17 =	vld [tilespmem:s29+$0x70];
	v26 =	vpop (erf);
	(erf) = vpow2.f32 v5  }
0x19e: {  	v29 =	vld [tilespmem:s29+$0xFFFFFFD0];
	(erf) = vpow2.f32 v11;
	v5 =	vpop (erf);
	v11 =	vadd.f32 v19, v24;
	v19 =	vadd.f32 v21, v2  }
0x19f: {  	v20 =	vmul.f32 $1.442695020e+00, v20;
	v4 =	vld [tilespmem:s28+$0x10];
	(erf) = vpow2.f32 v15;
	v15 =	vadd.f32 v16, v28  }
0x1a0: {  	v9 =	vadd.f32 v9, v12;
	v2 =	vmul.f32 v5, v31;
	v16 =	vld [tilespmem:s28+$0xFFFFFF80];
	(erf) = vpow2.f32 v6;
	v24 =	vpop (erf)  }
0x1a1: {  	v6 =	vld [tilespmem:s28+$0x0];
	(erf) = vpow2.f32 v20;
	v12 =	vpop (erf);
	v3 =	vadd.f32 v3, v15;
	v15 =	vbroadcast v18, $0xF  }
0x1a2: {  	v11 =	vadd.f32 v22, v11;
	v20 =	vmul.f32 v23, v23;
	v18 =	vld [tilespmem:s28+$0xFFFFFF90];
	v17 =	vmul.f32 $1.442695020e+00, v17;
	v32 =	vpop (erf)  }
0x1a3: {  	v23 =	vld [tilespmem:s28+$0xFFFFFFA0];
	v21 =	vmul.f32 $1.442695020e+00, v29;
	v22 =	vpop (erf);
	v3 =	vadd.f32 v0, v3;
	(erf) = vrcp.f32 v15  }
0x1a4: {  	v13 =	vmul.f32 v13, v19;
	v15 =	vmul.f32 $1.442695020e+00, v33;
	v0 =	vmov v36;
	v28 =	vpop (erf)  }
0x1a5: {  	v7 =	vadd.f32 v7, v11;
	v29 =	vmul.f32 v22, v22;
	v19 =	vmul.f32 v28, v16  }
0x1a6: {  	v9 =	vmul.f32 v37, v9;
	v11 =	vadd.f32 $0.0e+00, v28;
	v33 =	vld [tilespmem:s28+$0xFFFFFFB0];
	(erf) = vpow2.f32 v21;
	v30 =	vpop (erf)  }
0x1a7: {  	v21 =	vadd.f32 $0.0e+00, v30;
	v34 =	vld [tilespmem:s28+$0x50];
	(erf) = vpow2.f32 v25;
	v35 =	vpop (erf)  }
0x1a8: {  	v31 =	vmul.f32 v22, v4;
	v38 =	vadd.f32 v20, v3;
	v36 =	vmul.f32 v26, v23;
	v37 =	vpop (erf)  }
0x1a9: {  	v39 =	vmul.f32 v18, v18;
	v3 =	vadd.f32 v22, v21;
	v40 =	vpop (erf);
	(erf) = vpow2.f32 v15  }
0x1aa: {  	v7 =	vsub.f32 v7, v13;
	v11 =	vadd.f32 v40, v11;
	v20 =	vpop (erf);
	(erf) = vpow2.f32 v17  }
0x1ab: {  	v13 =	vmul.f32 v30, v6;
	v17 =	vmul.f32 v20, v33;
	v41 =	vadd.f32 v37, v3  }
0x1ac: {  	v21 =	vmul.f32 v26, v26;
	v46 =	vadd.f32 v26, v11;
	v15 =	vld [tilespmem:s28+$0xFFFFFFE0];
	v3 =	vmul.f32 v34, v34;
	v22 =	vpop (erf)  }
0x1ad: {  	v47 =	vadd.f32 $0.0e+00, v13;
	v11 =	vmul.f32 v12, v12;
	v25 =	vld [tilespmem:s28+$0xFFFFFFD0];
	v42 =	vmul.f32 v7, v22  }
0x1ae: {  	v43 =	vmul.f32 v28, v28;
	v22 =	vmul.f32 v20, v20;
	v7 =	vadd.f32 v20, v46;
	v28 =	vld [tilespmem:s28+$0xFFFFFFF0]  }
0x1af: {  	v44 =	vmul.f32 v30, v30;
	v45 =	vadd.f32 v31, v47;
	v20 =	vmul.f32 v12, v27;
	v26 =	vpop (erf)  }
0x1b0: {  	v47 =	vsub.f32 v10, v9;
	v46 =	vmul.f32 v37, v8;
	v13 =	vpop (erf);
	(erf) = vpow2.f32 v14  }
0x1b1: {  	v31 =	vmul.f32 v40, v40;
	v7 =	vadd.f32 v12, v7;
	v14 =	vmul.f32 v26, v26  }
0x1b2: {  	v19 =	vadd.f32 $0.0e+00, v19;
	v40 =	vmul.f32 v40, v18;
	v18 =	vmul.f32 v26, v25;
	v30 =	vld [tilespmem:s28+$0x30];
	v48 =	vpop (erf)  }
0x1b3: {  	v7 =	vadd.f32 v26, v7;
	v12 =	vmul.f32 v48, v15;
	v9 =	vmul.f32 v13, v28;
	v26 =	vpop (erf)  }
0x1b4: {  	v29 =	vadd.f32 v29, v44;
	v37 =	vmul.f32 v37, v37;
	v10 =	vmul.f32 v48, v48;
	v44 =	vld [tilespmem:s28+$0x40]  }
0x1b5: {  	v41 =	vadd.f32 v35, v41;
	v48 =	vadd.f32 v48, v7;
	v7 =	vmul.f32 v26, v26  }
0x1b6: {  	v31 =	vadd.f32 v31, v43;
	v43 =	vmul.f32 v35, v35;
	v24 =	vmul.f32 v47, v24  }
0x1b7: {  	v29 =	vadd.f32 v37, v29;
	v37 =	vadd.f32 v32, v41;
	v35 =	vmul.f32 v35, v30  }
0x1b8: {  	v16 =	vmul.f32 v16, v16;
	v1 =	vadd.f32 v24, v1;
	v41 =	vadd.f32 v13, v48  }
0x1b9: {  	v24 =	vadd.f32 v46, v45;
	v29 =	vadd.f32 v43, v29;
	v43 =	vmul.f32 v32, v44;
	v45 =	vpop (erf)  }
0x1ba: {  	v16 =	vadd.f32 v16, v38;
	v34 =	vmul.f32 v45, v34;
	v37 =	vadd.f32 v45, v37;
	(xrf2) =	vadd.scan.msk.f32 $0xffff, v41  }
0x1bb: {  	v1 =	vadd.f32 v42, v1;
	v24 =	vadd.f32 v35, v24;
	v32 =	vmul.f32 v32, v32  }
.Ltmp2:
0x1bc: {  	v23 =	vmul.f32 v23, v23;
	v16 =	vadd.f32 v39, v16;
	v35 =	vadd.f32 v5, v37;
	(pc) =	sbr.rel @p0 .LBB2_6-.Ltmp2, $4  }
0x1bd: {  	v38 =	vadd.f32 v43, v24;
	v37 =	vadd.f32 v40, v19;
	v19 =	vmul.f32 v45, v45  }
0x1be: {  	v16 =	vadd.f32 v23, v16;
	v23 =	vmul.f32 v33, v33;
	v35 =	vadd.f32 v26, v35  }
0x1bf: {  	v27 =	vmul.f32 v27, v27;
	v24 =	vadd.f32 v32, v29;
	v29 =	vadd.f32 v34, v38  }
0x1c0: {  	s29 =	sadd.s32 $0x100, s29;
	v33 =	vadd.f32 v23, v16;
	v16 =	vmul.f32 v44, v44;
	v32 =	vadd.f32 v36, v37;
	v23 =	vld [tilespmem:s28+$0x70];
	s28 =	sadd.s32 $0x100, s28;
	(xrf2) =	vadd.scan.msk.f32 $0xffff, v35  }
0x1c1: {  	_ =	sdelay $0x7  }
0x1c2: {  	v34, _, _ =	vpop (xrf2)  }
0x1c3: {  	v35 =	vmul.f32 v34, v34;
	v36, _, _ =	vpop (xrf2)  }
0x1c4: {  	v37 =	vmul.f32 v36, v36  }
0x1c5: {  	v35 =	vbroadcast v35, $0xF  }
0x1c6: {  	v37 =	vbroadcast v37, $0xF  }
0x1c7: {  	(erf) = vrcp.f32 v35  }
0x1c8: {  	(erf) = vrcp.f32 v37;
	_ =	sdelay $0x6  }
0x1c9: {  	v25 =	vmul.f32 v25, v25;
	v27 =	vadd.f32 v27, v33  }
0x1ca: {  	v35 =	vpop (erf)  }
0x1cb: {  	v15 =	vmul.f32 v15, v15;
	v25 =	vadd.f32 v25, v27;
	v37 =	vpop (erf)  }
0x1cc: {  	_ =	swait.ge [sflag:s22], $0x4000  }
0x1cd: {  	v21 =	vadd.f32 v21, v31;
	v28 =	vmul.f32 v28, v28;
	v15 =	vadd.f32 v15, v25;
	[sflag:s22] =	ssyncset.done $0x0  }
0x1ce: {  	v2 =	vadd.f32 v2, v29;
	v17 =	vadd.f32 v17, v32;
	[sflag:s22] =	ssyncadd.s32 $0xFFFFC000  }
0x1cf: {  	v6 =	vmul.f32 v6, v6;
	v19 =	vadd.f32 v19, v24;
	v15 =	vadd.f32 v28, v15;
	_ =	swait.ge [sflag:s23], $0x4000  }
0x1d0: {  	v8 =	vmul.f32 v8, v8;
	v21 =	vadd.f32 v22, v21;
	v17 =	vadd.f32 v20, v17;
	[sflag:s23] =	ssyncset.done $0x0  }
0x1d1: {  	s26 =	simm.s32 $0x0;
	v4 =	vmul.f32 v4, v4;
	v20 =	vadd.f32 v34, v34;
	v6 =	vadd.f32 v6, v15;
	[sflag:s23] =	ssyncadd.s32 $0xFFFFC000  }
0x1d2: {  	v11 =	vadd.f32 v11, v21;
	v21 =	vmul.f32 v26, v23;
	v17 =	vadd.f32 v18, v17;
	v18 =	vld [tilespmem:s26+$0xC170]  }
0x1d3: {  	v5 =	vmul.f32 v5, v5;
	v22 =	vadd.f32 v36, v36;
	v4 =	vadd.f32 v4, v6;
	v25 =	vld [tilespmem:s26+$0xC140]  }
0x1d4: {  	v27 =	vmul.f32 v30, v30;
	v11 =	vadd.f32 v14, v11;
	v2 =	vadd.f32 v21, v2;
	v14 =	vld [tilespmem:s26+$0xC120]  }
0x1d5: {  	v12 =	vadd.f32 v12, v17;
	v15 =	vbroadcast v22, $0xF;
	v4 =	vadd.f32 v8, v4;
	v17 =	vld [tilespmem:s26+$0xC110]  }
0x1d6: {  	v13 =	vmul.f32 v13, v13;
	v5 =	vadd.f32 v5, v19;
	v20 =	vbroadcast v20, $0xF;
	v21 =	vld [tilespmem:s26+$0xC100]  }
0x1d7: {  	v9 =	vadd.f32 v9, v12;
	v2 =	vmul.f32 v15, v2;
	v4 =	vadd.f32 v27, v4;
	v15 =	vld [tilespmem:s26+$0xC150]  }
0x1d8: {  	v5 =	vadd.f32 v7, v5;
	v10 =	vadd.f32 v10, v11;
	v12 =	vmul.f32 v23, v23;
	v11 =	vld [tilespmem:s26+$0xC190]  }
0x1d9: {  	v9 =	vmul.f32 v20, v9;
	v4 =	vadd.f32 v16, v4;
	v7 =	vld [tilespmem:s26+$0xC1A0];
	v6 =	vmul.f32 $1.442695020e+00, v18  }
0x1da: {  	v2 =	vsub.f32 v5, v2;
	v20 =	vld [tilespmem:s26+$0xC130];
	v18 =	vmul.f32 $1.442695020e+00, v25;
	v14 =	vmul.f32 $1.442695020e+00, v14  }
0x1db: {  	v3 =	vadd.f32 v3, v4;
	v5 =	vld [tilespmem:s26+$0xC160];
	v8 =	vmul.f32 $1.442695020e+00, v17;
	(erf) = vpow2.f32 v6  }
0x1dc: {  	v10 =	vadd.f32 v13, v10;
	v17 =	vld [tilespmem:s26+$0xC1B0];
	v13 =	vmul.f32 $1.442695020e+00, v15;
	(erf) = vpow2.f32 v18  }
0x1dd: {  	v0 =	vadd.f32 v0, v3;
	v18 =	vld [tilespmem:s26+$0xC180];
	(erf) = vpow2.f32 v14;
	v14 =	vmul.f32 $1.442695020e+00, v21  }
0x1de: {  	v16 =	vld [tilespmem:s26+$0x4140];
	v4 =	vmul.f32 $1.442695020e+00, v7;
	(erf) = vpow2.f32 v8  }
0x1df: {  	v0 =	vadd.f32 v12, v0;
	v12 =	vld [tilespmem:s26+$0x4120];
	v8 =	vmul.f32 $1.442695020e+00, v11;
	(erf) = vpow2.f32 v14  }
0x1e0: {  	v11 =	vld [tilespmem:s26+$0xC1C0];
	v14 =	vmul.f32 $1.442695020e+00, v20;
	(erf) = vpow2.f32 v13  }
0x1e1: {  	v41 =	vld [tilespmem:s26+$0x41D0];
	v13 =	vmul.f32 $1.442695020e+00, v17;
	(erf) = vpow2.f32 v8  }
0x1e2: {  	v8 =	vld [tilespmem:s26+$0xC1E0];
	v15 =	vmul.f32 $1.442695020e+00, v18;
	(erf) = vpow2.f32 v14  }
0x1e3: {  	v6 =	vld [tilespmem:s26+$0x41C0];
	v14 =	vmul.f32 v2, v37;
	v2 =	vsub.f32 v10, v9;
	(erf) = vpow2.f32 v13  }
0x1e4: {  	v3 =	vmul.f32 $1.442695020e+00, v5;
	v9 =	vld [tilespmem:s26+$0xC1D0];
	v7 =	vpop (erf);
	(erf) = vpow2.f32 v15  }
0x1e5: {  	v10 =	vld [tilespmem:s26+$0x4110];
	v13 =	vmul.f32 v2, v35;
	v2 =	vmul.f32 $1.442695020e+00, v11  }
0x1e6: {  	v59 =	vmul.f32 v41, v41;
	v15 =	vpop (erf);
	(erf) = vpow2.f32 v4  }
0x1e7: {  	v5 =	vpop (erf);
	(erf) = vpow2.f32 v2;
	v4 =	vmul.f32 $1.442695020e+00, v8  }
0x1e8: {  	v11 =	vld [tilespmem:s26+$0xC1F0];
	v2 =	vmul.f32 v6, v6;
	v23 =	vmul.f32 v15, v16  }
0x1e9: {  	v21 =	vld [tilespmem:s26+$0x4100];
	v8 =	vpop (erf);
	(erf) = vpow2.f32 v3;
	v9 =	vmul.f32 $1.442695020e+00, v9  }
0x1ea: {  	v17 =	vld [tilespmem:s26+$0x4150];
	v1 =	vadd.f32 v13, v1;
	v13 =	vmul.f32 v10, v10;
	v30 =	vmul.f32 v5, v12  }
0x1eb: {  	v52 =	vmul.f32 v5, v5;
	v12 =	vmul.f32 v12, v12;
	v18 =	vpop (erf)  }
0x1ec: {  	v19 =	vld [tilespmem:s26+$0x4190];
	v22 =	vmul.f32 v8, v8;
	v3 =	vadd.f32 $0.0e+00, v18;
	v20 =	vpop (erf);
	(erf) = vpow2.f32 v4  }
0x1ed: {  	v4 =	vmul.f32 $1.442695020e+00, v11;
	v27 =	vmul.f32 v18, v18  }
0x1ee: {  	v24 =	vld [tilespmem:s26+$0x4130];
	v18 =	vmul.f32 v18, v21;
	v21 =	vmul.f32 v21, v21;
	v26 =	vadd.f32 v8, v3  }
0x1ef: {  	v11 =	vpop (erf);
	v3 =	vadd.f32 v14, v1;
	v1 =	vmul.f32 v8, v10;
	v10 =	vmul.f32 v20, v17  }
0x1f0: {  	v40 =	vld [tilespmem:s26+$0x41B0];
	v25 =	vpop (erf);
	(erf) = vpow2.f32 v4;
	v29 =	vmul.f32 v11, v11  }
0x1f1: {  	v48 =	vmul.f32 v11, v19;
	v18 =	vadd.f32 $0.0e+00, v18;
	v22 =	vadd.f32 v22, v27  }
0x1f2: {  	v0 =	vadd.f32 v21, v0;
	v19 =	vmul.f32 v19, v19;
	v8 =	vpop (erf);
	(erf) = vpow2.f32 v9  }
0x1f3: {  	v14 =	vld [tilespmem:s26+$0x4180];
	v50 =	vmul.f32 v25, v24;
	v26 =	vadd.f32 v5, v26;
	v22 =	vadd.f32 v52, v22  }
0x1f4: {  	v28 =	vpop (erf);
	v27 =	vmul.f32 v8, v8;
	v0 =	vadd.f32 v13, v0;
	v18 =	vadd.f32 v1, v18  }
0x1f5: {  	v54 =	vmul.f32 v8, v40;
	v9 =	vadd.f32 $0.0e+00, v28;
	v31 =	vpop (erf);
	v26 =	vadd.f32 v25, v26  }
0x1f6: {  	v53 =	vmul.f32 v31, v31;
	v25 =	vmul.f32 v25, v25;
	v0 =	vadd.f32 v12, v0  }
0x1f7: {  	v12 =	vmul.f32 v24, v24;
	v18 =	vadd.f32 v30, v18;
	v9 =	vadd.f32 v11, v9  }
0x1f8: {  	v4 =	vld [tilespmem:s26+$0x41E0];
	v49 =	vpop (erf);
	v39 =	vmul.f32 v28, v14;
	v28 =	vmul.f32 v28, v28;
	v26 =	vadd.f32 v15, v26  }
0x1f9: {  	v6 =	vmul.f32 v49, v6;
	v14 =	vmul.f32 v14, v14;
	v22 =	vadd.f32 v25, v22  }
0x1fa: {  	s28 =	simm.s32 $0x100;
	v15 =	vmul.f32 v15, v15;
	v0 =	vadd.f32 v12, v0;
	v26 =	vadd.f32 v20, v26  }
0x1fb: {  	v36 =	vld [tilespmem:s28+$0x4130];
	v51 =	vpop (erf);
	v12 =	vmul.f32 v16, v16;
	v18 =	vadd.f32 v50, v18;
	v9 =	vadd.f32 v31, v9  }
0x1fc: {  	v11 =	vld [tilespmem:s26+$0x41A0];
	v61 =	vmul.f32 v51, v51;
	v38 =	vpop (erf);
	v39 =	vadd.f32 $0.0e+00, v39;
	v26 =	vadd.f32 v51, v26  }
0x1fd: {  	v28 =	vadd.f32 v29, v28;
	v29 =	vmul.f32 v49, v49;
	v5 =	vmul.f32 v38, v4  }
0x1fe: {  	v1 =	vld [tilespmem:s28+$0x41C0];
	v20 =	vmul.f32 v20, v20;
	v15 =	vadd.f32 v15, v22;
	v26 =	vadd.f32 v7, v26  }
0x1ff: {  	v21 =	vmul.f32 v38, v38;
	v0 =	vadd.f32 v12, v0;
	v18 =	vadd.f32 v23, v18  }
0x200: {  	v25 =	vld [tilespmem:s26+$0x4160];
	v12 =	vmul.f32 v17, v17;
	v9 =	vadd.f32 v8, v9;
	v32 =	vadd.f32 v48, v39;
	(xrf2) =	vadd.scan.msk.f32 $0xffff, v26  }
0x201: {  	v13 =	vld [tilespmem:s26+$0x4170];
	v42 =	vpop (erf);
	v39 =	vmul.f32 v36, v36;
	v31 =	vmul.f32 v31, v11;
	v26 =	vadd.f32 v53, v28  }
0x202: {  	v22 =	vmul.f32 v42, v42;
	v15 =	vadd.f32 v20, v15;
	v11 =	vmul.f32 v11, v11  }
0x203: {  	v57 =	vld [tilespmem:s28+$0xC1A0];
	v43 =	vpop (erf);
	v12 =	vadd.f32 v12, v0;
	v0 =	vmul.f32 v1, v1;
	v24 =	vadd.f32 v27, v26  }
0x204: {  	v17 =	vld [tilespmem:s28+$0xC1C0];
	v10 =	vadd.f32 v10, v18;
	v9 =	vadd.f32 v49, v9;
	v8 =	vmul.f32 v43, v41  }
0x205: {  	v60 =	vld [tilespmem:s28+$0xC140];
	v55 =	vmul.f32 v43, v43;
	v16 =	vmul.f32 v25, v25;
	v24 =	vadd.f32 v29, v24  }
0x206: {  	v56 =	vld [tilespmem:s26+$0x41F0];
	v20 =	vmul.f32 v51, v25;
	v25 =	vmul.f32 v13, v13;
	v31 =	vadd.f32 v31, v32  }
0x207: {  	v18 =	vld [tilespmem:s28+$0xC130];
	v13 =	vmul.f32 v7, v13;
	v12 =	vadd.f32 v16, v12;
	v24 =	vadd.f32 v55, v24  }
0x208: {  	v7 =	vmul.f32 v7, v7;
	v32 =	vmul.f32 $1.442695020e+00, v57;
	v9 =	vadd.f32 v43, v9;
	v26 =	vld [tilespmem:s28+$0xC150]  }
0x209: {  	v16 =	vmul.f32 $1.442695020e+00, v17;
	v12 =	vadd.f32 v25, v12;
	v29 =	vld [tilespmem:s28+$0xC170];
	v21 =	vadd.f32 v21, v24  }
0x20a: {  	v23 =	vld [tilespmem:s28+$0xC120];
	v10 =	vadd.f32 v20, v10;
	v20 =	vmul.f32 $1.442695020e+00, v60;
	v28 =	vmul.f32 v40, v40;
	v30, _, _ =	vpop (xrf2)  }
0x20b: {  	v12 =	vadd.f32 v14, v12;
	v22 =	vadd.f32 v22, v21;
	v21 =	vld [tilespmem:s28+$0xC110];
	v58 =	vmul.f32 v30, v30  }
0x20c: {  	v9 =	vadd.f32 v38, v9;
	v18 =	vmul.f32 $1.442695020e+00, v18;
	v27 =	vmul.f32 v56, v56  }
0x20d: {  	v62 =	vld [tilespmem:s28+$0xC100];
	v12 =	vadd.f32 v19, v12;
	v19 =	vmul.f32 $1.442695020e+00, v26;
	v17 =	vbroadcast v58, $0xF  }
0x20e: {  	v9 =	vadd.f32 v42, v9;
	v24 =	vmul.f32 v42, v56;
	v29 =	vmul.f32 $1.442695020e+00, v29  }
0x20f: {  	v30 =	vadd.f32 v30, v30;
	(erf) = vrcp.f32 v17;
	v17 =	vmul.f32 $1.442695020e+00, v23;
	v23 =	vld [tilespmem:s28+$0xC190]  }
0x210: {  	v14 =	vadd.f32 v61, v15;
	v15 =	vmul.f32 $1.442695020e+00, v21;
	v21 =	vld [tilespmem:s28+$0xC180];
	(erf) = vpow2.f32 v29  }
0x211: {  	v10 =	vadd.f32 v13, v10;
	v25 =	vbroadcast v30, $0xF;
	(erf) = vpow2.f32 v20;
	v20 =	vld [tilespmem:s28+$0xC1B0]  }
0x212: {  	(xrf2) =	vadd.scan.msk.f32 $0xffff, v9;
	v9 =	vmul.f32 $1.442695020e+00, v62;
	v29 =	vld [tilespmem:s28+$0xC1D0];
	(erf) = vpow2.f32 v17  }
0x213: {  	v11 =	vadd.f32 v11, v12;
	v12 =	vld [tilespmem:s28+$0xC160];
	v10 =	vmul.f32 v25, v10;
	(erf) = vpow2.f32 v15  }
0x214: {  	v7 =	vadd.f32 v7, v14;
	v13 =	vmul.f32 $1.442695020e+00, v23;
	(erf) = vpow2.f32 v9  }
0x215: {  	v15 =	vld [tilespmem:s28+$0x4110];
	v14 =	vmul.f32 $1.442695020e+00, v21;
	v9 =	vadd.f32 v28, v11;
	(erf) = vpow2.f32 v19  }
0x216: {  	v7 =	vsub.f32 v7, v10;
	v19 =	vld [tilespmem:s28+$0xC1F0];
	v11 =	vmul.f32 $1.442695020e+00, v20;
	(erf) = vpow2.f32 v13  }
0x217: {  	v17 =	vmul.f32 $1.442695020e+00, v29;
	v9 =	vadd.f32 v2, v9;
	v13 =	vld [tilespmem:s28+$0xC1E0];
	(erf) = vpow2.f32 v18  }
0x218: {  	v20 =	vmul.f32 $1.442695020e+00, v12;
	v18 =	vadd.f32 v54, v31;
	v31 =	vld [tilespmem:s28+$0x4120];
	v10 =	vpop (erf);
	(erf) = vpow2.f32 v11  }
0x219: {  	v9 =	vadd.f32 v59, v9;
	v11 =	vmul.f32 v4, v4;
	v10 =	vmul.f32 v7, v10;
	v2 =	vpop (erf)  }
0x21a: {  	v29 =	vmul.f32 v15, v15;
	(erf) = vpow2.f32 v14;
	v6 =	vadd.f32 v6, v18;
	v25 =	vpop (erf)  }
0x21b: {  	v7 =	vld [tilespmem:s28+$0x4140];
	(erf) = vpow2.f32 v32;
	v14 =	vmul.f32 $1.442695020e+00, v19;
	v4 =	vadd.f32 v10, v3;
	v26 =	vpop (erf)  }
0x21c: {  	v3 =	vadd.f32 v11, v9;
	(erf) = vpow2.f32 v16;
	v18, _, _ =	vpop (xrf2);
	v10 =	vmul.f32 $1.442695020e+00, v13  }
0x21d: {  	v63 =	vld [tilespmem:s28+$0x4100];
	v6 =	vadd.f32 v8, v6;
	v13 =	vpop (erf);
	(erf) = vpow2.f32 v20;
	v62 =	vmul.f32 v31, v31  }
0x21e: {  	v12 =	vld [tilespmem:s28+$0x4150];
	v19 =	vadd.f32 v18, v18;
	v28 =	vmul.f32 v13, v13;
	v16 =	vmul.f32 v13, v15  }
0x21f: {  	v20 =	vpop (erf);
	(erf) = vpow2.f32 v10;
	v5 =	vadd.f32 v5, v6;
	v6 =	vmul.f32 v18, v18  }
0x220: {  	v11 =	vld [tilespmem:s28+$0x4190];
	v9 =	vmul.f32 v25, v7;
	v15 =	vpop (erf);
	(erf) = vpow2.f32 v14  }
0x221: {  	v48 =	vadd.f32 v27, v3;
	v14 =	vbroadcast v19, $0xF;
	v30 =	vmul.f32 v20, v20  }
0x222: {  	v8 =	vadd.f32 $0.0e+00, v20;
	v19 =	vmul.f32 v26, v31;
	v27 =	vmul.f32 v20, v63;
	v18 =	vpop (erf)  }
0x223: {  	v10 =	vmul.f32 v15, v12;
	v6 =	vbroadcast v6, $0xF;
	v49 =	vpop (erf)  }
0x224: {  	v44 =	vmul.f32 v15, v15;
	v3 =	vadd.f32 v13, v8;
	v50 =	vmul.f32 v18, v18;
	v13 =	vpop (erf)  }
0x225: {  	v5 =	vadd.f32 v24, v5;
	v8 =	vld [tilespmem:s28+$0x4180];
	v51 =	vmul.f32 v18, v11;
	(erf) = vpow2.f32 v17;
	v24 =	vpop (erf)  }
0x226: {  	v23 =	vld [tilespmem:s28+$0x41A0];
	v21 =	vmul.f32 v49, v36;
	v17 =	vadd.f32 v26, v3;
	v53 =	vadd.f32 $0.0e+00, v24  }
0x227: {  	v27 =	vadd.f32 $0.0e+00, v27;
	v5 =	vmul.f32 v14, v5;
	v33 =	vmul.f32 v49, v49  }
0x228: {  	(erf) = vrcp.f32 v6;
	v6 =	vadd.f32 v49, v17;
	v17 =	vadd.f32 v18, v53  }
0x229: {  	v28 =	vadd.f32 v28, v30;
	v26 =	vmul.f32 v26, v26;
	v30 =	vmul.f32 v13, v13;
	v52 =	vpop (erf)  }
0x22a: {  	v55 =	vsub.f32 v22, v5;
	v22 =	vmul.f32 v24, v8;
	v56 =	vadd.f32 v52, v17  }
0x22b: {  	v3 =	vld [tilespmem:s28+$0x41E0];
	v20 =	vpop (erf);
	v38 =	vmul.f32 v52, v23;
	v26 =	vadd.f32 v26, v28;
	v6 =	vadd.f32 v25, v6  }
0x22c: {  	v57 =	vld [tilespmem:s28+$0x41B0];
	v28 =	vmul.f32 v63, v63;
	v14 =	vpop (erf);
	v18 =	vmul.f32 v52, v52;
	v41 =	vadd.f32 v13, v56  }
0x22d: {  	v34 =	vld [tilespmem:s28+$0x4160];
	v24 =	vmul.f32 v24, v24;
	v54 =	vpop (erf);
	v26 =	vadd.f32 v33, v26;
	v6 =	vadd.f32 v15, v6  }
0x22e: {  	v25 =	vmul.f32 v25, v25;
	v58 =	vadd.f32 $0.0e+00, v22;
	v22 =	vpop (erf);
	v41 =	vadd.f32 v20, v41  }
0x22f: {  	v33 =	vmul.f32 v20, v20;
	v60 =	vadd.f32 v28, v48;
	v6 =	vadd.f32 v14, v6;
	v45 =	vpop (erf)  }
0x230: {  	v5 =	vmul.f32 v54, v3;
	v17 =	vld [tilespmem:s28+$0x41D0];
	v24 =	vadd.f32 v50, v24;
	v59 =	vadd.f32 v45, v41  }
0x231: {  	v28 =	vmul.f32 v54, v54;
	v15 =	vmul.f32 v13, v57;
	v46 =	vadd.f32 v2, v6  }
0x232: {  	v61 =	vadd.f32 v29, v60;
	v29 =	vmul.f32 v14, v34;
	v32 =	vadd.f32 v54, v59  }
0x233: {  	v43 =	vadd.f32 v51, v58;
	v37 =	vadd.f32 v18, v24;
	v18 =	vmul.f32 v57, v57;
	(xrf2) =	vadd.scan.msk.f32 $0xffff, v46  }
0x234: {  	v35 =	vmul.f32 v45, v45;
	v6 =	vadd.f32 v25, v26;
	v31 =	vadd.f32 v22, v32;
	v32 =	vld [tilespmem:s28+$0x4170]  }
0x235: {  	v63 =	vpop (erf);
	v24 =	vadd.f32 v38, v43;
	v38 =	vadd.f32 v62, v61;
	v13 =	vmul.f32 v45, v17  }
0x236: {  	s26 =	simm.s32 $0x2;
	v26 =	vmul.f32 v22, v22;
	v36 =	vmul.f32 v55, v63;
	v25 =	vadd.f32 v44, v6;
	v6 =	vld [tilespmem:s28+$0x41F0];
	s28 =	simm.s32 $0x800  }
.LBB2_8:
0x237: {  	s29 =	sshra.s32 s28, $0x2;
	s26 =	sadd.s32 $0x2, s26;
	v16 =	vadd.f32 v16, v27;
	v23 =	vmul.f32 v23, v23;
	v27 =	vadd.f32 v30, v37  }
0x238: {  	v7 =	vmul.f32 v7, v7;
	v30 =	vld [tilespmem:s29+$0x41C0];
	p0 =	slt.u32 s26, $0x7E;
	v37 =	vadd.f32 v39, v38;
	v4 =	vadd.f32 v36, v4  }
0x239: {  	v34 =	vmul.f32 v34, v34;
	v36 =	vld [tilespmem:s29+$0xC150];
	v38 =	vmul.f32 v32, v32;
	v27 =	vadd.f32 v33, v27  }
0x23a: {  	v12 =	vmul.f32 v12, v12;
	v16 =	vadd.f32 v19, v16;
	v33 =	vld [tilespmem:s29+$0xC1D0];
	v7 =	vadd.f32 v7, v37  }
0x23b: {  	v11 =	vmul.f32 v11, v11;
	v39 =	vmul.f32 v20, v1;
	v37 =	vld [tilespmem:s29+$0xC1C0];
	v35 =	vadd.f32 v35, v27  }
0x23c: {  	v20 =	vmul.f32 v6, v6;
	v16 =	vadd.f32 v21, v16;
	v27 =	vld [tilespmem:s29+$0xC140];
	v7 =	vadd.f32 v12, v7  }
0x23d: {  	v19 =	vmul.f32 v22, v6;
	v12 =	vld [tilespmem:s29+$0xC170];
	v21 =	vmul.f32 v30, v30;
	v28 =	vadd.f32 v28, v35;
	v6, _, _ =	vpop (xrf2)  }
0x23e: {  	v9 =	vadd.f32 v9, v16;
	v1 =	vmovc v30;
	v22 =	vld [tilespmem:s29+$0xC1A0];
	v7 =	vadd.f32 v34, v7;
	v16 =	vmul.f32 v6, v6  }
0x23f: {  	v32 =	vmul.f32 v2, v32;
	v34 =	vmul.f32 v17, v17;
	v30 =	vld [tilespmem:s29+$0xC120];
	v17 =	vadd.f32 v26, v28  }
0x240: {  	v9 =	vadd.f32 v10, v9;
	v26 =	vld [tilespmem:s29+$0xC160];
	v28 =	vmul.f32 $1.442695020e+00, v37;
	v10 =	vbroadcast v16, $0xF  }
0x241: {  	v8 =	vmul.f32 v8, v8;
	v2 =	vmul.f32 v2, v2;
	v16 =	vld [tilespmem:s29+$0xC110]  }
0x242: {  	v14 =	vmul.f32 v14, v14;
	v6 =	vadd.f32 v6, v6;
	v35 =	vld [tilespmem:s29+$0xC130];
	v12 =	vmul.f32 $1.442695020e+00, v12  }
0x243: {  	v7 =	vadd.f32 v38, v7;
	v37 =	vld [tilespmem:s29+$0xC100];
	v22 =	vmul.f32 $1.442695020e+00, v22;
	(erf) = vrcp.f32 v10  }
0x244: {  	v14 =	vadd.f32 v14, v25;
	v9 =	vadd.f32 v29, v9;
	v10 =	vmul.f32 $1.442695020e+00, v30;
	v30 =	vld [tilespmem:s29+$0xC190]  }
0x245: {  	v25 =	vmul.f32 $1.442695020e+00, v27;
	v29 =	vbroadcast v6, $0xF;
	v7 =	vadd.f32 v8, v7;
	v27 =	vld [tilespmem:s29+$0xC1E0]  }
0x246: {  	v2 =	vadd.f32 v2, v14;
	v8 =	vmul.f32 $1.442695020e+00, v16;
	v16 =	vld [tilespmem:s29+$0xC180];
	(erf) = vpow2.f32 v12  }
0x247: {  	v7 =	vadd.f32 v11, v7;
	v12 =	vmul.f32 $1.442695020e+00, v35;
	v6 =	vld [tilespmem:s29+$0x41F0];
	(erf) = vpow2.f32 v25  }
0x248: {  	v9 =	vadd.f32 v32, v9;
	v11 =	vmul.f32 $1.442695020e+00, v36;
	v14 =	vld [tilespmem:s29+$0xC1B0];
	(erf) = vpow2.f32 v10;
	(xrf2) =	vadd.scan.msk.f32 $0xffff, v31  }
0x249: {  	v7 =	vadd.f32 v23, v7;
	v10 =	vmul.f32 $1.442695020e+00, v37;
	v31 =	vld [tilespmem:s29+$0x4110];
	v30 =	vmul.f32 $1.442695020e+00, v30  }
0x24a: {  	v23 =	vmul.f32 v29, v9;
	(erf) = vpow2.f32 v8  }
0x24b: {  	v7 =	vadd.f32 v18, v7;
	v25 =	vld [tilespmem:s29+$0x4120];
	v9 =	vmul.f32 $1.442695020e+00, v16;
	(erf) = vpow2.f32 v10  }
0x24c: {  	v18 =	vmul.f32 $1.442695020e+00, v33;
	v16 =	vsub.f32 v2, v23;
	(erf) = vpow2.f32 v11;
	v8 =	vpop (erf)  }
0x24d: {  	v11 =	vadd.f32 v0, v7;
	v0 =	vmovc v21;
	v10 =	vmul.f32 $1.442695020e+00, v14;
	v14 =	vld [tilespmem:s29+$0xC1F0];
	(erf) = vpow2.f32 v30  }
0x24e: {  	v15 =	vadd.f32 v15, v24;
	v8 =	vmul.f32 v16, v8;
	(erf) = vpow2.f32 v12  }
0x24f: {  	v3 =	vmul.f32 v3, v3;
	v7 =	vld [tilespmem:s29+$0x4140];
	v2 =	vpop (erf);
	(erf) = vpow2.f32 v10;
	v10 =	vadd.f32 v34, v11  }
0x250: {  	v16 =	vmul.f32 $1.442695020e+00, v26;
	v4 =	vadd.f32 v8, v4;
	v11 =	vld [tilespmem:s29+$0x4190];
	v24 =	vpop (erf);
	(erf) = vpow2.f32 v9  }
0x251: {  	v29 =	vmul.f32 v31, v31;
	v12 =	vld [tilespmem:s29+$0x4150];
	v26 =	vpop (erf);
	(erf) = vpow2.f32 v22;
	v3 =	vadd.f32 v3, v10  }
0x252: {  	v10 =	vadd.f32 v39, v15;
	v32 =	vld [tilespmem:s29+$0x4100];
	v14 =	vmul.f32 $1.442695020e+00, v14;
	(erf) = vpow2.f32 v28;
	v15, _, _ =	vpop (xrf2)  }
0x253: {  	v21 =	vmul.f32 $1.442695020e+00, v27;
	v8 =	vld [tilespmem:s29+$0x4180];
	v22 =	vpop (erf);
	(erf) = vpow2.f32 v16;
	v23 =	vadd.f32 v15, v15  }
0x254: {  	v13 =	vadd.f32 v13, v10;
	v28 =	vmul.f32 v22, v22;
	v9 =	vmul.f32 v24, v7;
	v27 =	vpop (erf)  }
0x255: {  	v16 =	vmul.f32 v22, v31;
	v30 =	vadd.f32 $0.0e+00, v27;
	v31 =	vpop (erf);
	(erf) = vpow2.f32 v21  }
0x256: {  	v5 =	vadd.f32 v5, v13;
	v13 =	vmul.f32 v15, v15;
	v10 =	vmul.f32 v31, v12;
	v33 =	vpop (erf)  }
0x257: {  	v35 =	vadd.f32 v20, v3;
	v34 =	vbroadcast v23, $0xF;
	v36 =	vld [tilespmem:s29+$0x4130];
	v15 =	vpop (erf);
	(erf) = vpow2.f32 v14  }
0x258: {  	v37 =	vmul.f32 v27, v27;
	v3 =	vadd.f32 v22, v30;
	v38 =	vmul.f32 v33, v33;
	v23 =	vld [tilespmem:s29+$0x41A0];
	v39 =	vpop (erf)  }
0x259: {  	v5 =	vadd.f32 v19, v5;
	v13 =	vbroadcast v13, $0xF;
	v40 =	vpop (erf);
	(erf) = vpow2.f32 v18  }
0x25a: {  	v19 =	vmul.f32 v26, v25;
	v42 =	vadd.f32 v26, v3;
	v18 =	vmul.f32 v33, v11;
	v3 =	vld [tilespmem:s29+$0x41E0];
	v41 =	vpop (erf)  }
0x25b: {  	v22 =	vmul.f32 v27, v32;
	v30 =	vadd.f32 $0.0e+00, v40;
	v20 =	vpop (erf);
	(erf) = vrcp.f32 v13  }
0x25c: {  	v5 =	vmul.f32 v34, v5;
	v13 =	vadd.f32 v15, v42;
	v21 =	vmul.f32 v15, v36;
	v14 =	vpop (erf)  }
0x25d: {  	v27 =	vadd.f32 $0.0e+00, v22;
	v26 =	vmul.f32 v26, v26;
	v46 =	vadd.f32 v33, v30  }
0x25e: {  	v42 =	vmul.f32 v41, v41;
	v44 =	vsub.f32 v17, v5;
	v13 =	vadd.f32 v24, v13;
	v43 =	vpop (erf)  }
0x25f: {  	v33 =	vmul.f32 v40, v8;
	v34 =	vadd.f32 v41, v46;
	v45 =	vld [tilespmem:s29+$0x41B0];
	v5 =	vmul.f32 v43, v3  }
0x260: {  	v28 =	vadd.f32 v28, v37;
	v30 =	vmul.f32 v39, v39;
	v13 =	vadd.f32 v31, v13;
	v17 =	vld [tilespmem:s29+$0x41D0];
	v22 =	vpop (erf)  }
0x261: {  	v24 =	vmul.f32 v24, v24;
	v33 =	vadd.f32 $0.0e+00, v33;
	v34 =	vadd.f32 v39, v34  }
0x262: {  	v40 =	vmul.f32 v40, v40;
	v41 =	vmul.f32 v41, v23;
	v37 =	vadd.f32 v14, v13;
	v46 =	vpop (erf)  }
0x263: {  	v47 =	vmul.f32 v15, v15;
	v31 =	vmul.f32 v31, v31;
	v34 =	vadd.f32 v20, v34  }
0x264: {  	v26 =	vadd.f32 v26, v28;
	v48 =	vadd.f32 v18, v33;
	v15 =	vmul.f32 v39, v45;
	v49 =	vpop (erf)  }
0x265: {  	v18 =	vmul.f32 v32, v32;
	v32 =	vadd.f32 v46, v34;
	v13 =	vmul.f32 v46, v17  }
0x266: {  	v26 =	vadd.f32 v47, v26;
	v38 =	vadd.f32 v38, v40;
	v33 =	vmul.f32 v20, v20;
	v34 =	vld [tilespmem:s29+$0x4160]  }
0x267: {  	v28 =	vmul.f32 v43, v43;
	v40 =	vadd.f32 v2, v37;
	v39 =	vadd.f32 v18, v35  }
.Ltmp3:
0x268: {  	v24 =	vadd.f32 v24, v26;
	v26 =	vmul.f32 v22, v22;
	v37 =	vadd.f32 v42, v38;
	(pc) =	sbr.rel @p0 .LBB2_8-.Ltmp3, $4  }
0x269: {  	v18 =	vmul.f32 v45, v45;
	v35 =	vmul.f32 v46, v46;
	v38 =	vadd.f32 v43, v32;
	(xrf2) =	vadd.scan.msk.f32 $0xffff, v40  }
0x26a: {  	v39 =	vadd.f32 v29, v39;
	v40 =	vmul.f32 v25, v25;
	v25 =	vadd.f32 v31, v24;
	v32 =	vld [tilespmem:s29+$0x4170]  }
0x26b: {  	v24 =	vadd.f32 v41, v48;
	v31 =	vadd.f32 v22, v38;
	v29 =	vmul.f32 v14, v34  }
0x26c: {  	s28 =	sadd.s32 $0x400, s28;
	v38 =	vadd.f32 v40, v39;
	v39 =	vmul.f32 v36, v36;
	v36 =	vmul.f32 v44, v49  }
0x26d: {  	(xrf2) =	vadd.scan.msk.f32 $0xffff, v31;
	_ =	sdelay $0x2  }
0x26e: {  	v7 =	vmul.f32 v7, v7;
	v16 =	vadd.f32 v16, v27;
	v41 =	vadd.f32 v39, v38  }
0x26f: {  	v12 =	vmul.f32 v12, v12;
	v23 =	vmul.f32 v23, v23;
	v42 =	vadd.f32 v30, v37  }
0x270: {  	v43 =	vmul.f32 v34, v34;
	v11 =	vmul.f32 v11, v11;
	v7 =	vadd.f32 v7, v41  }
0x271: {  	v1 =	vmul.f32 v20, v1;
	v50 =	vadd.f32 v15, v24;
	v16 =	vadd.f32 v19, v16  }
0x272: {  	v14 =	vmul.f32 v14, v14;
	v27 =	vadd.f32 v33, v42;
	v7 =	vadd.f32 v12, v7  }
0x273: {  	v44 =	vmul.f32 v32, v32;
	v1 =	vadd.f32 v1, v50;
	v16 =	vadd.f32 v21, v16;
	v45, _, _ =	vpop (xrf2)  }
0x274: {  	v55 =	vadd.f32 v14, v25;
	v7 =	vadd.f32 v43, v7;
	v46 =	vmul.f32 v45, v45  }
0x275: {  	v8 =	vmul.f32 v8, v8;
	v47 =	vadd.f32 v35, v27;
	v9 =	vadd.f32 v9, v16;
	v49, _, _ =	vpop (xrf2)  }
0x276: {  	v19 =	vbroadcast v46, $0xF;
	v7 =	vadd.f32 v44, v7;
	v51 =	vmul.f32 v49, v49  }
0x277: {  	v54 =	vmul.f32 v2, v2;
	v1 =	vadd.f32 v13, v1;
	v9 =	vadd.f32 v10, v9  }
0x278: {  	(erf) = vrcp.f32 v19;
	v7 =	vadd.f32 v8, v7;
	v53 =	vbroadcast v51, $0xF  }
0x279: {  	v48 =	vmul.f32 v2, v32;
	v2 =	vadd.f32 v54, v55;
	v52 =	vadd.f32 v45, v45  }
0x27a: {  	v9 =	vadd.f32 v29, v9;
	v7 =	vadd.f32 v11, v7;
	(erf) = vrcp.f32 v53  }
0x27b: {  	v56 =	vmul.f32 v22, v6;
	v1 =	vadd.f32 v5, v1;
	v57 =	vadd.f32 v49, v49  }
0x27c: {  	v8 =	vbroadcast v52, $0xF;
	v9 =	vadd.f32 v48, v9;
	v7 =	vadd.f32 v23, v7  }
0x27d: {  	v58 =	vadd.f32 v28, v47;
	v1 =	vadd.f32 v56, v1  }
0x27e: {  	v59 =	vbroadcast v57, $0xF;
	v8 =	vmul.f32 v8, v9;
	v7 =	vadd.f32 v18, v7  }
0x27f: {  	v60 =	vmul.f32 v17, v17;
	v5 =	vadd.f32 v26, v58  }
0x280: {  	v1 =	vmul.f32 v59, v1;
	v2 =	vsub.f32 v2, v8;
	v0 =	vadd.f32 v0, v7  }
0x281: {  	v3 =	vmul.f32 v3, v3;
	v4 =	vadd.f32 v36, v4;
	v61 =	vpop (erf)  }
0x282: {  	v1 =	vsub.f32 v5, v1;
	v2 =	vmul.f32 v2, v61;
	v0 =	vadd.f32 v60, v0  }
0x283: {  	v62 =	vmul.f32 v6, v6;
	v63 =	vpop (erf)  }
0x284: {  	v2 =	vadd.f32 v2, v4;
	v0 =	vadd.f32 v3, v0;
	v1 =	vmul.f32 v1, v63;
	_ =	sdelay $0x1  }
0x285: {  	v0 =	vadd.f32 v62, v0;
	v1 =	vadd.f32 v1, v2;
	_ =	sdelay $0x1  }
0x286: {  	s25 =	sadd.s32 $0x1, s25;
	v0 =	vadd.f32 v1, v0  }
0x287: {  	p0 =	sne.s32 s25, s13  }
.Ltmp4:
0x288: {  	[tilespmem:$0x10100] =	vst v0;
	(pc) =	sbr.rel @p0 .LBB2_1-.Ltmp4, $4  }
0x289: {  	[hbm4b:s12+s3] =	stream.linear.scatter [tilespmem:s24], [sflag:$0x5], $0x10, $0x38;
	[tilespmem:$0x10180] =	vst v63  }
0x28a: {  	_ =	swait.ge [sflag:s14], $0x10  }
0x28b: {  	[sflag:s14] =	ssyncset.done $0x0  }
0x28c: {  	[sflag:s14] =	ssyncadd.s32 $0xFFFFFFF0  }
0x28d: {  	_ =	sfence.sel $0x180000  }
0x28e: {  	[bflag:$0x0] =	sbarrier.arrive $0xFFFF  }
0x28f: {  	p0 =	sne.s32 s2, $0x0;
	_ =	strace $0x90000047  }
0x290: {  	s0 =	sadd.s32 @!p0 $0x100000, s0;
	[bflag:$0x2] =	sbarrier.arrive $0xFFFF  }
0x291: {  	[sflag:s0] =	ssyncadd.tile.s32 @!p0 $0x1;
	_ =	shalt  }
.Lfunc_end2:
_tile_overlayer_lowered:
.L_overlay_start_2:
0x292: {  	(tag) =	ssettag $0x2  }
0x293: {  	s0 =	rddreg [dreg:$0x0];
	s2 =	stileid.u32  }
0x294: {  	s1 =	rddreg [dreg:$0x1];
	p0 =	sne.s32 s2, $0x0  }
0x295: {  	s3 =	rddreg [dreg:$0x2];
	[bflag:$0x3] =	sbarrier.arrive $0xFFFF;
	s2 =	simm.s32 @!p0 $0x1C05  }
0x296: {  	[timem:s3], [sflag:s2] =	dma.local @!p0 [hbm:s0], s1  }
0x297: {  	s0 =	simm.s32 @!p0 $0x5  }
0x298: {  	_ =	swait.ge @!p0 [sflag:s0], s1  }
0x299: {  	s1 =	ssub.s32 @!p0 $0x0, s1;
	[sflag:s0] =	ssyncset.done @!p0 $0x0  }
0x29a: {  	[sflag:s0] =	ssyncadd.s32 @!p0 s1  }
0x29b: {  	[bflag:$0x3] =	sbarrier.arrive $0xFFFF  }
0x29c: {  	_ =	shalt  }

</sc_bundles>
